<compile_context>
chip_gen: v7x
topology: tpu7x:2x2x1
jax: 0.10.2.dev20260603
libtpu: 0.0.44.dev20260713+nightly
codegen_flags: <defaults>
</compile_context>

<pallas_src>
import functools

import jax
import jax.numpy as jnp
from jax import lax
from jax.experimental import pallas as pl
from jax.experimental.pallas import tpu as pltpu
from jax.experimental.pallas import tpu_sc as plsc



def _scores_body(u_ref, wt_ref, relt_ref, out_ref):
    proj = jnp.dot(u_ref[...], wt_ref[...], preferred_element_type=jnp.float32)
    out_ref[...] = jnp.dot(proj, relt_ref[...], preferred_element_type=jnp.float32)


def _all_scores(user_emb, W, relation_table):
    B, D = user_emb.shape
    NR = relation_table.shape[0]
    blk = 2048
    grid = (B // blk,)
    return pl.pallas_call(
        _scores_body,
        grid=grid,
        in_specs=[
            pl.BlockSpec((blk, D), lambda i: (i, 0)),
            pl.BlockSpec((D, D), lambda i: (0, 0)),
            pl.BlockSpec((D, NR), lambda i: (0, 0)),
        ],
        out_specs=pl.BlockSpec((blk, NR), lambda i: (i, 0)),
        out_shape=jax.ShapeDtypeStruct((B, NR), jnp.float32),
    )(user_emb, W.T, relation_table.T)



_L = 16
_CH = 8


def _sc_agg(all_scores, entity_ids, neigh_ent_ids, neigh_rel_ids, entity_table):
    B, NR = all_scores.shape
    NS = neigh_ent_ids.shape[1]
    D = entity_table.shape[1]
    try:
        info = plsc.get_sparse_core_info()
        NC, NSC = info.num_cores, info.num_subcores
    except Exception:
        NC, NSC = 2, 16
    NW = NC * NSC
    RW = B // NW
    n_chunks = RW // _CH
    DV = D // _L

    mesh = plsc.VectorSubcoreMesh(
        core_axis_name="c", subcore_axis_name="s",
        num_cores=NC, num_subcores=NSC)

    @functools.partial(
        pl.kernel,
        out_type=jax.ShapeDtypeStruct((B, D), jnp.float32),
        mesh=mesh,
        scratch_types=[
            pltpu.VMEM((RW,), jnp.int32),
            pltpu.VMEM((_CH, NS), jnp.int32),
            pltpu.VMEM((_CH, NS), jnp.int32),
            pltpu.VMEM((_CH * NR,), jnp.float32),
            pltpu.VMEM((_CH * NS,), jnp.float32),
            pltpu.VMEM((_CH, NS, D), jnp.float32),
            pltpu.VMEM((_CH, D), jnp.float32),
            pltpu.VMEM((_CH, D), jnp.float32),
            pltpu.SemaphoreType.DMA,
            pltpu.SemaphoreType.DMA,
        ],
        compiler_params=pltpu.CompilerParams(needs_layout_passes=False),
    )
    def k(sc_hbm, eid_hbm, nid_hbm, rid_hbm, table_hbm, out_hbm,
          eid_v, nid_v, rid_v, sc_v, wbuf, rows_v, self_v, out_v, gsem, csem):
        wid = lax.axis_index("s") * NC + lax.axis_index("c")
        wbase = wid * RW
        pltpu.sync_copy(eid_hbm.at[pl.ds(wbase, RW)], eid_v)

        def chunk_body(c, _):
            base = wbase + c * _CH
            pltpu.sync_copy(nid_hbm.at[pl.ds(base, _CH)], nid_v)
            pltpu.sync_copy(rid_hbm.at[pl.ds(base, _CH)], rid_v)
            pltpu.sync_copy(sc_hbm.at[pl.ds(base * NR, _CH * NR)], sc_v)
            copies = []
            for i in range(_CH):
                copies.append(pltpu.async_copy(
                    table_hbm.at[nid_v.at[i]], rows_v.at[i], gsem))
            self_cp = pltpu.async_copy(
                table_hbm.at[eid_v.at[pl.ds(c * _CH, _CH)]], self_v, csem)
            for i in range(_CH):
                evs = []
                mx = None
                for j in range(NS // _L):
                    r = rid_v[i, pl.ds(j * _L, _L)] + jnp.int32(i * NR)
                    sg = plsc.load_gather(sc_v, [r])
                    evs.append(sg)
                    m = jnp.max(sg)
                    mx = m if mx is None else jnp.maximum(mx, m)
                den = jnp.float32(0.0)
                for j in range(NS // _L):
                    evs[j] = jnp.exp(evs[j] - mx)
                    den = den + jnp.sum(evs[j])
                denv = jnp.full((_L,), 1.0, jnp.float32) * den
                for j in range(NS // _L):
                    wbuf[pl.ds(i * NS + j * _L, _L)] = evs[j] / denv
            for cp in copies:
                cp.wait()
            self_cp.wait()
            for i in range(_CH):
                def nbody(s, acc):
                    w = plsc.load_gather(
                        wbuf, [jnp.full((_L,), i * NS, dtype=jnp.int32) + s])
                    return tuple(
                        acc[d] + w * rows_v[i, s, pl.ds(d * _L, _L)]
                        for d in range(DV))
                acc = lax.fori_loop(
                    0, NS, nbody,
                    tuple(jnp.zeros((_L,), jnp.float32) for _ in range(DV)))
                for d in range(DV):
                    out_v[i, pl.ds(d * _L, _L)] = jnp.maximum(
                        acc[d] + self_v[i, pl.ds(d * _L, _L)], 0.0)
            pltpu.sync_copy(out_v, out_hbm.at[pl.ds(base, _CH)])
            return ()

        lax.fori_loop(0, n_chunks, chunk_body, ())

    return k(all_scores.reshape(B * NR), entity_ids, neigh_ent_ids,
             neigh_rel_ids, entity_table)


def kernel(user_emb, entity_ids, neigh_ent_ids, neigh_rel_ids, entity_table,
           relation_table, W):
    all_scores = _all_scores(user_emb, W, relation_table)
    return _sc_agg(
        all_scores,
        entity_ids.astype(jnp.int32),
        neigh_ent_ids.astype(jnp.int32),
        neigh_rel_ids.astype(jnp.int32),
        entity_table,
    )

# --- scband reference (transcript-rebuilt; emitter-appended) ---
"""Pipeline reference for scband-kgnnlayer-44899588112530 (READ-ONLY COPY).

The authoritative reference and input builder live on the scoring server;
editing this copy changes nothing except your own understanding.
"""

import jax, jax.numpy as jnp
import numpy as np


def setup_inputs(seed: int = 0) -> dict:
    key = jax.random.key(seed)
    ks = jax.random.split(key, 7)
    B, D, NS = 16384, 128, 32
    NE, NR = 100000, 64
    return {
        "user_emb": jax.random.normal(ks[0], (B, D), dtype=jnp.float32),
        "entity_ids": jax.random.randint(ks[1], (B,), 0, NE, dtype=jnp.int64) if jax.config.jax_enable_x64 else jax.random.randint(ks[1], (B,), 0, NE).astype(jnp.int32),
        "neigh_ent_ids": jax.random.randint(ks[2], (B, NS), 0, NE).astype(jnp.int32),
        "neigh_rel_ids": jax.random.randint(ks[3], (B, NS), 0, NR).astype(jnp.int32),
        "entity_table": jax.random.normal(ks[4], (NE, D), dtype=jnp.float32) * 0.02,
        "relation_table": jax.random.normal(ks[5], (NR, D), dtype=jnp.float32) * 0.02,
        "W": jax.random.normal(ks[6], (D, D), dtype=jnp.float32) * (1.0 / np.sqrt(D)),
    }


def reference(user_emb, entity_ids, neigh_ent_ids, neigh_rel_ids, entity_table, relation_table, W):
    # Gather neighbor entity and relation embeddings (post neighbor-sampling).
    neigh_emb = jnp.take(entity_table, neigh_ent_ids, axis=0)      # [B, NS, D]
    rel_emb = jnp.take(relation_table, neigh_rel_ids, axis=0)      # [B, NS, D]
    # Linear projection of user embedding (nn.Linear with bias=False: x @ W.T).
    user_proj = (user_emb @ W.T)[:, None, :]                       # [B, 1, D]
    # Relation-aware attention scores over neighbors.
    scores = jnp.sum(user_proj * rel_emb, axis=-1)                 # [B, NS]
    weights = jax.nn.softmax(scores, axis=-1)[..., None]           # [B, NS, 1]
    aggregated = jnp.sum(weights * neigh_emb, axis=1)              # [B, D]
    self_emb = jnp.take(entity_table, entity_ids, axis=0)          # [B, D]
    return jax.nn.relu(self_emb + aggregated)

if __name__ == "__main__":
    import jax
    _d = setup_inputs()
    print(jax.jit(kernel)(*tuple(_d.values())))

</pallas_src>

<mosaic_0001>
#map = affine_map<(d0, d1) -> (0)>
#map1 = affine_map<(d0, d1) -> (0, 0)>
module attributes {stable_mosaic.version = 14 : i64} {
  func.func @k(%arg0: i32, %arg1: i32, %arg2: memref<1048576xf32, #tpu.memory_space<hbm>>, %arg3: memref<16384xi32, #tpu.memory_space<hbm>>, %arg4: memref<16384x32xi32, #tpu.memory_space<hbm>>, %arg5: memref<16384x32xi32, #tpu.memory_space<hbm>>, %arg6: memref<100000x128xf32, #tpu.memory_space<hbm>>, %arg7: memref<16384x128xf32, #tpu.memory_space<hbm>>, %arg8: memref<512xi32, #tpu.memory_space<vmem>>, %arg9: memref<8x32xi32, #tpu.memory_space<vmem>>, %arg10: memref<8x32xi32, #tpu.memory_space<vmem>>, %arg11: memref<512xf32, #tpu.memory_space<vmem>>, %arg12: memref<256xf32, #tpu.memory_space<vmem>>, %arg13: memref<8x32x128xf32, #tpu.memory_space<vmem>>, %arg14: memref<8x128xf32, #tpu.memory_space<vmem>>, %arg15: memref<8x128xf32, #tpu.memory_space<vmem>>, %arg16: memref<!tpu.dma_semaphore, #tpu.memory_space<semaphore_mem>>, %arg17: memref<!tpu.dma_semaphore, #tpu.memory_space<semaphore_mem>>) attributes {dimension_semantics = [#tpu.dimension_semantics<core_parallel>, #tpu.dimension_semantics<subcore_parallel>], iteration_bounds = array<i64: 2, 16>, scalar_prefetch = 0 : i64, scratch_operands = 10 : i64, tpu.core_type = #tpu.core_type<sc_vector_subcore>, window_params = [{transform_indices = #map}, {transform_indices = #map}, {transform_indices = #map1}, {transform_indices = #map1}, {transform_indices = #map1}, {transform_indices = #map1}]} {
    %mul3A = arith.constant 2 : i32
    %mul3A_0 = arith.muli %arg1, %mul3A : i32
    %add3A = arith.addi %mul3A_0, %arg0 : i32
    %mul3A_1 = arith.constant 512 : i32
    %mul3A_2 = arith.muli %add3A, %mul3A_1 : i32
    "tpu.region"() ({
      %run_scoped3A = tpu.sem_alloc : memref<!tpu.dma_semaphore, #tpu.memory_space<semaphore_mem>>
      %dma_start3A = tpu.memref_slice %arg3[%mul3A_2] : memref<16384xi32, #tpu.memory_space<hbm>> -> memref<512xi32, #tpu.memory_space<hbm>>
      %dma_start3A_7 = tpu.memref_slice %arg3[%mul3A_2] : memref<16384xi32, #tpu.memory_space<hbm>> -> memref<512xi32, #tpu.memory_space<hbm>>
      tpu.enqueue_dma source(%dma_start3A_7 : memref<512xi32, #tpu.memory_space<hbm>>) target(%arg8 : memref<512xi32, #tpu.memory_space<vmem>>) target_semaphore(%run_scoped3A : memref<!tpu.dma_semaphore, #tpu.memory_space<semaphore_mem>>)
      %dma_wait3A = tpu.memref_slice %arg3[%mul3A_2] : memref<16384xi32, #tpu.memory_space<hbm>> -> memref<512xi32, #tpu.memory_space<hbm>>
      %dma_wait3A_8 = tpu.memref_slice %arg3[%mul3A_2] : memref<16384xi32, #tpu.memory_space<hbm>> -> memref<512xi32, #tpu.memory_space<hbm>>
      tpu.wait_dma2 semaphore(%run_scoped3A : memref<!tpu.dma_semaphore, #tpu.memory_space<semaphore_mem>>) src(%dma_wait3A_8 : memref<512xi32, #tpu.memory_space<hbm>>) dst(%arg8 : memref<512xi32, #tpu.memory_space<vmem>>)
      tpu.yield
    }) : () -> ()
    %scan3A = arith.constant 0 : i32
    %scan3A_3 = arith.constant 64 : i32
    %scan3A_4 = arith.addi %scan3A, %scan3A_3 : i32
    %scan3A_5 = arith.constant 1 : i32
    scf.for %scan3A_7 = %scan3A to %scan3A_4 step %scan3A_5  : i32 {
      %mul3A_8 = arith.constant 8 : i32
      %mul3A_9 = arith.muli %scan3A_7, %mul3A_8 : i32
      %add3A_10 = arith.addi %mul3A_2, %mul3A_9 : i32
      "tpu.region"() ({
        %run_scoped3A = tpu.sem_alloc : memref<!tpu.dma_semaphore, #tpu.memory_space<semaphore_mem>>
        %dma_start3A_1563 = arith.constant 0 : i32
        %dma_start3A_1564 = tpu.memref_slice %arg4[%add3A_10, %dma_start3A_1563] : memref<16384x32xi32, #tpu.memory_space<hbm>> -> memref<8x32xi32, #tpu.memory_space<hbm>>
        %dma_start3A_1565 = arith.constant 0 : i32
        %dma_start3A_1566 = tpu.memref_slice %arg4[%add3A_10, %dma_start3A_1565] : memref<16384x32xi32, #tpu.memory_space<hbm>> -> memref<8x32xi32, #tpu.memory_space<hbm>>
        tpu.enqueue_dma source(%dma_start3A_1566 : memref<8x32xi32, #tpu.memory_space<hbm>>) target(%arg9 : memref<8x32xi32, #tpu.memory_space<vmem>>) target_semaphore(%run_scoped3A : memref<!tpu.dma_semaphore, #tpu.memory_space<semaphore_mem>>)
        %dma_wait3A_1567 = arith.constant 0 : i32
        %dma_wait3A_1568 = tpu.memref_slice %arg4[%add3A_10, %dma_wait3A_1567] : memref<16384x32xi32, #tpu.memory_space<hbm>> -> memref<8x32xi32, #tpu.memory_space<hbm>>
        %dma_wait3A_1569 = arith.constant 0 : i32
        %dma_wait3A_1570 = tpu.memref_slice %arg4[%add3A_10, %dma_wait3A_1569] : memref<16384x32xi32, #tpu.memory_space<hbm>> -> memref<8x32xi32, #tpu.memory_space<hbm>>
        tpu.wait_dma2 semaphore(%run_scoped3A : memref<!tpu.dma_semaphore, #tpu.memory_space<semaphore_mem>>) src(%dma_wait3A_1570 : memref<8x32xi32, #tpu.memory_space<hbm>>) dst(%arg9 : memref<8x32xi32, #tpu.memory_space<vmem>>)
        tpu.yield
      }) : () -> ()
      "tpu.region"() ({
        %run_scoped3A = tpu.sem_alloc : memref<!tpu.dma_semaphore, #tpu.memory_space<semaphore_mem>>
        %dma_start3A_1563 = arith.constant 0 : i32
        %dma_start3A_1564 = tpu.memref_slice %arg5[%add3A_10, %dma_start3A_1563] : memref<16384x32xi32, #tpu.memory_space<hbm>> -> memref<8x32xi32, #tpu.memory_space<hbm>>
        %dma_start3A_1565 = arith.constant 0 : i32
        %dma_start3A_1566 = tpu.memref_slice %arg5[%add3A_10, %dma_start3A_1565] : memref<16384x32xi32, #tpu.memory_space<hbm>> -> memref<8x32xi32, #tpu.memory_space<hbm>>
        tpu.enqueue_dma source(%dma_start3A_1566 : memref<8x32xi32, #tpu.memory_space<hbm>>) target(%arg10 : memref<8x32xi32, #tpu.memory_space<vmem>>) target_semaphore(%run_scoped3A : memref<!tpu.dma_semaphore, #tpu.memory_space<semaphore_mem>>)
        %dma_wait3A_1567 = arith.constant 0 : i32
        %dma_wait3A_1568 = tpu.memref_slice %arg5[%add3A_10, %dma_wait3A_1567] : memref<16384x32xi32, #tpu.memory_space<hbm>> -> memref<8x32xi32, #tpu.memory_space<hbm>>
        %dma_wait3A_1569 = arith.constant 0 : i32
        %dma_wait3A_1570 = tpu.memref_slice %arg5[%add3A_10, %dma_wait3A_1569] : memref<16384x32xi32, #tpu.memory_space<hbm>> -> memref<8x32xi32, #tpu.memory_space<hbm>>
        tpu.wait_dma2 semaphore(%run_scoped3A : memref<!tpu.dma_semaphore, #tpu.memory_space<semaphore_mem>>) src(%dma_wait3A_1570 : memref<8x32xi32, #tpu.memory_space<hbm>>) dst(%arg10 : memref<8x32xi32, #tpu.memory_space<vmem>>)
        tpu.yield
      }) : () -> ()
      %mul3A_11 = arith.constant 64 : i32
      %mul3A_12 = arith.muli %add3A_10, %mul3A_11 : i32
      "tpu.region"() ({
        %run_scoped3A = tpu.sem_alloc : memref<!tpu.dma_semaphore, #tpu.memory_space<semaphore_mem>>
        %dma_start3A_1563 = tpu.memref_slice %arg2[%mul3A_12] : memref<1048576xf32, #tpu.memory_space<hbm>> -> memref<512xf32, #tpu.memory_space<hbm>>
        %dma_start3A_1564 = tpu.memref_slice %arg2[%mul3A_12] : memref<1048576xf32, #tpu.memory_space<hbm>> -> memref<512xf32, #tpu.memory_space<hbm>>
        tpu.enqueue_dma source(%dma_start3A_1564 : memref<512xf32, #tpu.memory_space<hbm>>) target(%arg11 : memref<512xf32, #tpu.memory_space<vmem>>) target_semaphore(%run_scoped3A : memref<!tpu.dma_semaphore, #tpu.memory_space<semaphore_mem>>)
        %dma_wait3A_1565 = tpu.memref_slice %arg2[%mul3A_12] : memref<1048576xf32, #tpu.memory_space<hbm>> -> memref<512xf32, #tpu.memory_space<hbm>>
        %dma_wait3A_1566 = tpu.memref_slice %arg2[%mul3A_12] : memref<1048576xf32, #tpu.memory_space<hbm>> -> memref<512xf32, #tpu.memory_space<hbm>>
        tpu.wait_dma2 semaphore(%run_scoped3A : memref<!tpu.dma_semaphore, #tpu.memory_space<semaphore_mem>>) src(%dma_wait3A_1566 : memref<512xf32, #tpu.memory_space<hbm>>) dst(%arg11 : memref<512xf32, #tpu.memory_space<vmem>>)
        tpu.yield
      }) : () -> ()
      %dma_start3A = arith.constant 0 : i32
      %dma_start3A_13 = arith.constant 0 : i32
      %dma_start3A_14 = arith.constant 0 : i32
      %dma_start3A_15 = arith.constant 0 : i32
      %dma_start3A_16 = tpu.memref_slice %arg13[%dma_start3A_13, %dma_start3A_14, %dma_start3A_15] : memref<8x32x128xf32, #tpu.memory_space<vmem>> -> memref<1x32x128xf32, #tpu.memory_space<vmem>>
      %dma_start3A_17 = tpu.memref_squeeze %dma_start3A_16 : memref<1x32x128xf32, #tpu.memory_space<vmem>> -> memref<32x128xf32, #tpu.memory_space<vmem>>
      %dma_start3A_18 = arith.constant 0 : i32
      %dma_start3A_19 = tpu.memref_slice %arg9[%dma_start3A, %dma_start3A_18] : memref<8x32xi32, #tpu.memory_space<vmem>> -> memref<1x32xi32, #tpu.memory_space<vmem>>
      %dma_start3A_20 = tpu.memref_squeeze %dma_start3A_19 : memref<1x32xi32, #tpu.memory_space<vmem>> -> memref<32xi32, #tpu.memory_space<vmem>>
      %dma_start3A_21 = arith.constant 0 : i32
      %dma_start3A_22 = arith.constant 0 : i32
      %dma_start3A_23 = tpu.memref_slice %arg6[%dma_start3A_21, %dma_start3A_22] : memref<100000x128xf32, #tpu.memory_space<hbm>> -> memref<100000x128xf32, #tpu.memory_space<hbm>>
      tpu.enqueue_indirect_dma source(%dma_start3A_23 : memref<100000x128xf32, #tpu.memory_space<hbm>>) target(%dma_start3A_17 : memref<32x128xf32, #tpu.memory_space<vmem>>) offsets(%dma_start3A_20 : memref<32xi32, #tpu.memory_space<vmem>>) semaphore(%arg16 : memref<!tpu.dma_semaphore, #tpu.memory_space<semaphore_mem>>)
      %dma_start3A_24 = arith.constant 1 : i32
      %dma_start3A_25 = arith.constant 1 : i32
      %dma_start3A_26 = arith.constant 0 : i32
      %dma_start3A_27 = arith.constant 0 : i32
      %dma_start3A_28 = tpu.memref_slice %arg13[%dma_start3A_25, %dma_start3A_26, %dma_start3A_27] : memref<8x32x128xf32, #tpu.memory_space<vmem>> -> memref<1x32x128xf32, #tpu.memory_space<vmem>>
      %dma_start3A_29 = tpu.memref_squeeze %dma_start3A_28 : memref<1x32x128xf32, #tpu.memory_space<vmem>> -> memref<32x128xf32, #tpu.memory_space<vmem>>
      %dma_start3A_30 = arith.constant 0 : i32
      %dma_start3A_31 = tpu.memref_slice %arg9[%dma_start3A_24, %dma_start3A_30] : memref<8x32xi32, #tpu.memory_space<vmem>> -> memref<1x32xi32, #tpu.memory_space<vmem>>
      %dma_start3A_32 = tpu.memref_squeeze %dma_start3A_31 : memref<1x32xi32, #tpu.memory_space<vmem>> -> memref<32xi32, #tpu.memory_space<vmem>>
      %dma_start3A_33 = arith.constant 0 : i32
      %dma_start3A_34 = arith.constant 0 : i32
      %dma_start3A_35 = tpu.memref_slice %arg6[%dma_start3A_33, %dma_start3A_34] : memref<100000x128xf32, #tpu.memory_space<hbm>> -> memref<100000x128xf32, #tpu.memory_space<hbm>>
      tpu.enqueue_indirect_dma source(%dma_start3A_35 : memref<100000x128xf32, #tpu.memory_space<hbm>>) target(%dma_start3A_29 : memref<32x128xf32, #tpu.memory_space<vmem>>) offsets(%dma_start3A_32 : memref<32xi32, #tpu.memory_space<vmem>>) semaphore(%arg16 : memref<!tpu.dma_semaphore, #tpu.memory_space<semaphore_mem>>)
      %dma_start3A_36 = arith.constant 2 : i32
      %dma_start3A_37 = arith.constant 2 : i32
      %dma_start3A_38 = arith.constant 0 : i32
      %dma_start3A_39 = arith.constant 0 : i32
      %dma_start3A_40 = tpu.memref_slice %arg13[%dma_start3A_37, %dma_start3A_38, %dma_start3A_39] : memref<8x32x128xf32, #tpu.memory_space<vmem>> -> memref<1x32x128xf32, #tpu.memory_space<vmem>>
      %dma_start3A_41 = tpu.memref_squeeze %dma_start3A_40 : memref<1x32x128xf32, #tpu.memory_space<vmem>> -> memref<32x128xf32, #tpu.memory_space<vmem>>
      %dma_start3A_42 = arith.constant 0 : i32
      %dma_start3A_43 = tpu.memref_slice %arg9[%dma_start3A_36, %dma_start3A_42] : memref<8x32xi32, #tpu.memory_space<vmem>> -> memref<1x32xi32, #tpu.memory_space<vmem>>
      %dma_start3A_44 = tpu.memref_squeeze %dma_start3A_43 : memref<1x32xi32, #tpu.memory_space<vmem>> -> memref<32xi32, #tpu.memory_space<vmem>>
      %dma_start3A_45 = arith.constant 0 : i32
      %dma_start3A_46 = arith.constant 0 : i32
      %dma_start3A_47 = tpu.memref_slice %arg6[%dma_start3A_45, %dma_start3A_46] : memref<100000x128xf32, #tpu.memory_space<hbm>> -> memref<100000x128xf32, #tpu.memory_space<hbm>>
      tpu.enqueue_indirect_dma source(%dma_start3A_47 : memref<100000x128xf32, #tpu.memory_space<hbm>>) target(%dma_start3A_41 : memref<32x128xf32, #tpu.memory_space<vmem>>) offsets(%dma_start3A_44 : memref<32xi32, #tpu.memory_space<vmem>>) semaphore(%arg16 : memref<!tpu.dma_semaphore, #tpu.memory_space<semaphore_mem>>)
      %dma_start3A_48 = arith.constant 3 : i32
      %dma_start3A_49 = arith.constant 3 : i32
      %dma_start3A_50 = arith.constant 0 : i32
      %dma_start3A_51 = arith.constant 0 : i32
      %dma_start3A_52 = tpu.memref_slice %arg13[%dma_start3A_49, %dma_start3A_50, %dma_start3A_51] : memref<8x32x128xf32, #tpu.memory_space<vmem>> -> memref<1x32x128xf32, #tpu.memory_space<vmem>>
      %dma_start3A_53 = tpu.memref_squeeze %dma_start3A_52 : memref<1x32x128xf32, #tpu.memory_space<vmem>> -> memref<32x128xf32, #tpu.memory_space<vmem>>
      %dma_start3A_54 = arith.constant 0 : i32
      %dma_start3A_55 = tpu.memref_slice %arg9[%dma_start3A_48, %dma_start3A_54] : memref<8x32xi32, #tpu.memory_space<vmem>> -> memref<1x32xi32, #tpu.memory_space<vmem>>
      %dma_start3A_56 = tpu.memref_squeeze %dma_start3A_55 : memref<1x32xi32, #tpu.memory_space<vmem>> -> memref<32xi32, #tpu.memory_space<vmem>>
      %dma_start3A_57 = arith.constant 0 : i32
      %dma_start3A_58 = arith.constant 0 : i32
      %dma_start3A_59 = tpu.memref_slice %arg6[%dma_start3A_57, %dma_start3A_58] : memref<100000x128xf32, #tpu.memory_space<hbm>> -> memref<100000x128xf32, #tpu.memory_space<hbm>>
      tpu.enqueue_indirect_dma source(%dma_start3A_59 : memref<100000x128xf32, #tpu.memory_space<hbm>>) target(%dma_start3A_53 : memref<32x128xf32, #tpu.memory_space<vmem>>) offsets(%dma_start3A_56 : memref<32xi32, #tpu.memory_space<vmem>>) semaphore(%arg16 : memref<!tpu.dma_semaphore, #tpu.memory_space<semaphore_mem>>)
      %dma_start3A_60 = arith.constant 4 : i32
      %dma_start3A_61 = arith.constant 4 : i32
      %dma_start3A_62 = arith.constant 0 : i32
      %dma_start3A_63 = arith.constant 0 : i32
      %dma_start3A_64 = tpu.memref_slice %arg13[%dma_start3A_61, %dma_start3A_62, %dma_start3A_63] : memref<8x32x128xf32, #tpu.memory_space<vmem>> -> memref<1x32x128xf32, #tpu.memory_space<vmem>>
      %dma_start3A_65 = tpu.memref_squeeze %dma_start3A_64 : memref<1x32x128xf32, #tpu.memory_space<vmem>> -> memref<32x128xf32, #tpu.memory_space<vmem>>
      %dma_start3A_66 = arith.constant 0 : i32
      %dma_start3A_67 = tpu.memref_slice %arg9[%dma_start3A_60, %dma_start3A_66] : memref<8x32xi32, #tpu.memory_space<vmem>> -> memref<1x32xi32, #tpu.memory_space<vmem>>
      %dma_start3A_68 = tpu.memref_squeeze %dma_start3A_67 : memref<1x32xi32, #tpu.memory_space<vmem>> -> memref<32xi32, #tpu.memory_space<vmem>>
      %dma_start3A_69 = arith.constant 0 : i32
      %dma_start3A_70 = arith.constant 0 : i32
      %dma_start3A_71 = tpu.memref_slice %arg6[%dma_start3A_69, %dma_start3A_70] : memref<100000x128xf32, #tpu.memory_space<hbm>> -> memref<100000x128xf32, #tpu.memory_space<hbm>>
      tpu.enqueue_indirect_dma source(%dma_start3A_71 : memref<100000x128xf32, #tpu.memory_space<hbm>>) target(%dma_start3A_65 : memref<32x128xf32, #tpu.memory_space<vmem>>) offsets(%dma_start3A_68 : memref<32xi32, #tpu.memory_space<vmem>>) semaphore(%arg16 : memref<!tpu.dma_semaphore, #tpu.memory_space<semaphore_mem>>)
      %dma_start3A_72 = arith.constant 5 : i32
      %dma_start3A_73 = arith.constant 5 : i32
      %dma_start3A_74 = arith.constant 0 : i32
      %dma_start3A_75 = arith.constant 0 : i32
      %dma_start3A_76 = tpu.memref_slice %arg13[%dma_start3A_73, %dma_start3A_74, %dma_start3A_75] : memref<8x32x128xf32, #tpu.memory_space<vmem>> -> memref<1x32x128xf32, #tpu.memory_space<vmem>>
      %dma_start3A_77 = tpu.memref_squeeze %dma_start3A_76 : memref<1x32x128xf32, #tpu.memory_space<vmem>> -> memref<32x128xf32, #tpu.memory_space<vmem>>
      %dma_start3A_78 = arith.constant 0 : i32
      %dma_start3A_79 = tpu.memref_slice %arg9[%dma_start3A_72, %dma_start3A_78] : memref<8x32xi32, #tpu.memory_space<vmem>> -> memref<1x32xi32, #tpu.memory_space<vmem>>
      %dma_start3A_80 = tpu.memref_squeeze %dma_start3A_79 : memref<1x32xi32, #tpu.memory_space<vmem>> -> memref<32xi32, #tpu.memory_space<vmem>>
      %dma_start3A_81 = arith.constant 0 : i32
      %dma_start3A_82 = arith.constant 0 : i32
      %dma_start3A_83 = tpu.memref_slice %arg6[%dma_start3A_81, %dma_start3A_82] : memref<100000x128xf32, #tpu.memory_space<hbm>> -> memref<100000x128xf32, #tpu.memory_space<hbm>>
      tpu.enqueue_indirect_dma source(%dma_start3A_83 : memref<100000x128xf32, #tpu.memory_space<hbm>>) target(%dma_start3A_77 : memref<32x128xf32, #tpu.memory_space<vmem>>) offsets(%dma_start3A_80 : memref<32xi32, #tpu.memory_space<vmem>>) semaphore(%arg16 : memref<!tpu.dma_semaphore, #tpu.memory_space<semaphore_mem>>)
      %dma_start3A_84 = arith.constant 6 : i32
      %dma_start3A_85 = arith.constant 6 : i32
      %dma_start3A_86 = arith.constant 0 : i32
      %dma_start3A_87 = arith.constant 0 : i32
      %dma_start3A_88 = tpu.memref_slice %arg13[%dma_start3A_85, %dma_start3A_86, %dma_start3A_87] : memref<8x32x128xf32, #tpu.memory_space<vmem>> -> memref<1x32x128xf32, #tpu.memory_space<vmem>>
      %dma_start3A_89 = tpu.memref_squeeze %dma_start3A_88 : memref<1x32x128xf32, #tpu.memory_space<vmem>> -> memref<32x128xf32, #tpu.memory_space<vmem>>
      %dma_start3A_90 = arith.constant 0 : i32
      %dma_start3A_91 = tpu.memref_slice %arg9[%dma_start3A_84, %dma_start3A_90] : memref<8x32xi32, #tpu.memory_space<vmem>> -> memref<1x32xi32, #tpu.memory_space<vmem>>
      %dma_start3A_92 = tpu.memref_squeeze %dma_start3A_91 : memref<1x32xi32, #tpu.memory_space<vmem>> -> memref<32xi32, #tpu.memory_space<vmem>>
      %dma_start3A_93 = arith.constant 0 : i32
      %dma_start3A_94 = arith.constant 0 : i32
      %dma_start3A_95 = tpu.memref_slice %arg6[%dma_start3A_93, %dma_start3A_94] : memref<100000x128xf32, #tpu.memory_space<hbm>> -> memref<100000x128xf32, #tpu.memory_space<hbm>>
      tpu.enqueue_indirect_dma source(%dma_start3A_95 : memref<100000x128xf32, #tpu.memory_space<hbm>>) target(%dma_start3A_89 : memref<32x128xf32, #tpu.memory_space<vmem>>) offsets(%dma_start3A_92 : memref<32xi32, #tpu.memory_space<vmem>>) semaphore(%arg16 : memref<!tpu.dma_semaphore, #tpu.memory_space<semaphore_mem>>)
      %dma_start3A_96 = arith.constant 7 : i32
      %dma_start3A_97 = arith.constant 7 : i32
      %dma_start3A_98 = arith.constant 0 : i32
      %dma_start3A_99 = arith.constant 0 : i32
      %dma_start3A_100 = tpu.memref_slice %arg13[%dma_start3A_97, %dma_start3A_98, %dma_start3A_99] : memref<8x32x128xf32, #tpu.memory_space<vmem>> -> memref<1x32x128xf32, #tpu.memory_space<vmem>>
      %dma_start3A_101 = tpu.memref_squeeze %dma_start3A_100 : memref<1x32x128xf32, #tpu.memory_space<vmem>> -> memref<32x128xf32, #tpu.memory_space<vmem>>
      %dma_start3A_102 = arith.constant 0 : i32
      %dma_start3A_103 = tpu.memref_slice %arg9[%dma_start3A_96, %dma_start3A_102] : memref<8x32xi32, #tpu.memory_space<vmem>> -> memref<1x32xi32, #tpu.memory_space<vmem>>
      %dma_start3A_104 = tpu.memref_squeeze %dma_start3A_103 : memref<1x32xi32, #tpu.memory_space<vmem>> -> memref<32xi32, #tpu.memory_space<vmem>>
      %dma_start3A_105 = arith.constant 0 : i32
      %dma_start3A_106 = arith.constant 0 : i32
      %dma_start3A_107 = tpu.memref_slice %arg6[%dma_start3A_105, %dma_start3A_106] : memref<100000x128xf32, #tpu.memory_space<hbm>> -> memref<100000x128xf32, #tpu.memory_space<hbm>>
      tpu.enqueue_indirect_dma source(%dma_start3A_107 : memref<100000x128xf32, #tpu.memory_space<hbm>>) target(%dma_start3A_101 : memref<32x128xf32, #tpu.memory_space<vmem>>) offsets(%dma_start3A_104 : memref<32xi32, #tpu.memory_space<vmem>>) semaphore(%arg16 : memref<!tpu.dma_semaphore, #tpu.memory_space<semaphore_mem>>)
      %mul3A_108 = arith.constant 8 : i32
      %mul3A_109 = arith.muli %scan3A_7, %mul3A_108 : i32
      %dma_start3A_110 = tpu.memref_slice %arg8[%mul3A_109] : memref<512xi32, #tpu.memory_space<vmem>> -> memref<8xi32, #tpu.memory_space<vmem>>
      %dma_start3A_111 = arith.constant 0 : i32
      %dma_start3A_112 = arith.constant 0 : i32
      %dma_start3A_113 = tpu.memref_slice %arg6[%dma_start3A_111, %dma_start3A_112] : memref<100000x128xf32, #tpu.memory_space<hbm>> -> memref<100000x128xf32, #tpu.memory_space<hbm>>
      tpu.enqueue_indirect_dma source(%dma_start3A_113 : memref<100000x128xf32, #tpu.memory_space<hbm>>) target(%arg14 : memref<8x128xf32, #tpu.memory_space<vmem>>) offsets(%dma_start3A_110 : memref<8xi32, #tpu.memory_space<vmem>>) semaphore(%arg17 : memref<!tpu.dma_semaphore, #tpu.memory_space<semaphore_mem>>)
      %get3A = arith.constant 0 : i32
      %get3A_114 = arith.index_cast %get3A : i32 to index
      %get3A_115 = arith.constant 0 : index
      %get3A_116 = tpu.vector_load %arg10[%get3A_114, %get3A_115] {strides = array<i32>} : memref<8x32xi32, #tpu.memory_space<vmem>>, vector<16xi32>,
      %add3A_117 = arith.constant 0 : i32
      %add3A_118 = vector.broadcast %add3A_117 : i32 to vector<16xi32>
      %add3A_119 = arith.addi %get3A_116, %add3A_118 : vector<16xi32>
      %gather3A = tpu.vector_load_idx %arg11[%add3A_119] : memref<512xf32, #tpu.memory_space<vmem>>[vector<16xi32>], vector<16xf32>,
      %reduce_max3A = arith.constant true
      %reduce_max3A_120 = vector.broadcast %reduce_max3A : i1 to vector<16xi1>
      %reduce_max3A_121 = tpu.scan <max>, %gather3A masked %reduce_max3A_120 : vector<16xf32>, vector<16xi1> -> vector<16xf32>
      %reduce_max3A_122 = vector.extract %reduce_max3A_121[15] : f32 from vector<16xf32>
      %get3A_123 = arith.constant 0 : i32
      %get3A_124 = arith.index_cast %get3A_123 : i32 to index
      %get3A_125 = arith.constant 16 : index
      %get3A_126 = tpu.vector_load %arg10[%get3A_124, %get3A_125] {strides = array<i32>} : memref<8x32xi32, #tpu.memory_space<vmem>>, vector<16xi32>,
      %add3A_127 = arith.constant 0 : i32
      %add3A_128 = vector.broadcast %add3A_127 : i32 to vector<16xi32>
      %add3A_129 = arith.addi %get3A_126, %add3A_128 : vector<16xi32>
      %gather3A_130 = tpu.vector_load_idx %arg11[%add3A_129] : memref<512xf32, #tpu.memory_space<vmem>>[vector<16xi32>], vector<16xf32>,
      %reduce_max3A_131 = arith.constant true
      %reduce_max3A_132 = vector.broadcast %reduce_max3A_131 : i1 to vector<16xi1>
      %reduce_max3A_133 = tpu.scan <max>, %gather3A_130 masked %reduce_max3A_132 : vector<16xf32>, vector<16xi1> -> vector<16xf32>
      %reduce_max3A_134 = vector.extract %reduce_max3A_133[15] : f32 from vector<16xf32>
      %max3A = arith.maximumf %reduce_max3A_122, %reduce_max3A_134 : f32
      %sub3A = vector.broadcast %max3A : f32 to vector<16xf32>
      %sub3A_135 = arith.subf %gather3A, %sub3A : vector<16xf32>
      %exp3A = math.exp %sub3A_135 : vector<16xf32>
      %reduce_sum3A = arith.constant true
      %reduce_sum3A_136 = vector.broadcast %reduce_sum3A : i1 to vector<16xi1>
      %reduce_sum3A_137 = tpu.scan <sum>, %exp3A masked %reduce_sum3A_136 : vector<16xf32>, vector<16xi1> -> vector<16xf32>
      %reduce_sum3A_138 = vector.extract %reduce_sum3A_137[15] : f32 from vector<16xf32>
      %add3A_139 = arith.constant 0.000000e+00 : f32
      %add3A_140 = arith.addf %add3A_139, %reduce_sum3A_138 : f32
      %sub3A_141 = vector.broadcast %max3A : f32 to vector<16xf32>
      %sub3A_142 = arith.subf %gather3A_130, %sub3A_141 : vector<16xf32>
      %exp3A_143 = math.exp %sub3A_142 : vector<16xf32>
      %reduce_sum3A_144 = arith.constant true
      %reduce_sum3A_145 = vector.broadcast %reduce_sum3A_144 : i1 to vector<16xi1>
      %reduce_sum3A_146 = tpu.scan <sum>, %exp3A_143 masked %reduce_sum3A_145 : vector<16xf32>, vector<16xi1> -> vector<16xf32>
      %reduce_sum3A_147 = vector.extract %reduce_sum3A_146[15] : f32 from vector<16xf32>
      %add3A_148 = arith.addf %add3A_140, %reduce_sum3A_147 : f32
      %broadcast_in_dim3A = arith.constant 1.000000e+00 : f32
      %broadcast_in_dim3A_149 = vector.broadcast %broadcast_in_dim3A : f32 to vector<16xf32>
      %mul3A_150 = vector.broadcast %add3A_148 : f32 to vector<16xf32>
      %mul3A_151 = arith.mulf %broadcast_in_dim3A_149, %mul3A_150 : vector<16xf32>
      %div3A = arith.divf %exp3A, %mul3A_151 : vector<16xf32>
      %swap3A = arith.constant 0 : index
      %swap3A_152 = tpu.vector_load %arg12[%swap3A] {strides = array<i32>} : memref<256xf32, #tpu.memory_space<vmem>>, vector<16xf32>,
      tpu.vector_store %arg12[%swap3A], %div3A {strides = array<i32>} : memref<256xf32, #tpu.memory_space<vmem>>, vector<16xf32>,
      %div3A_153 = arith.divf %exp3A_143, %mul3A_151 : vector<16xf32>
      %swap3A_154 = arith.constant 16 : index
      %swap3A_155 = tpu.vector_load %arg12[%swap3A_154] {strides = array<i32>} : memref<256xf32, #tpu.memory_space<vmem>>, vector<16xf32>,
      tpu.vector_store %arg12[%swap3A_154], %div3A_153 {strides = array<i32>} : memref<256xf32, #tpu.memory_space<vmem>>, vector<16xf32>,
      %get3A_156 = arith.constant 1 : i32
      %get3A_157 = arith.index_cast %get3A_156 : i32 to index
      %get3A_158 = arith.constant 0 : index
      %get3A_159 = tpu.vector_load %arg10[%get3A_157, %get3A_158] {strides = array<i32>} : memref<8x32xi32, #tpu.memory_space<vmem>>, vector<16xi32>,
      %add3A_160 = arith.constant 64 : i32
      %add3A_161 = vector.broadcast %add3A_160 : i32 to vector<16xi32>
      %add3A_162 = arith.addi %get3A_159, %add3A_161 : vector<16xi32>
      %gather3A_163 = tpu.vector_load_idx %arg11[%add3A_162] : memref<512xf32, #tpu.memory_space<vmem>>[vector<16xi32>], vector<16xf32>,
      %reduce_max3A_164 = arith.constant true
      %reduce_max3A_165 = vector.broadcast %reduce_max3A_164 : i1 to vector<16xi1>
      %reduce_max3A_166 = tpu.scan <max>, %gather3A_163 masked %reduce_max3A_165 : vector<16xf32>, vector<16xi1> -> vector<16xf32>
      %reduce_max3A_167 = vector.extract %reduce_max3A_166[15] : f32 from vector<16xf32>
      %get3A_168 = arith.constant 1 : i32
      %get3A_169 = arith.index_cast %get3A_168 : i32 to index
      %get3A_170 = arith.constant 16 : index
      %get3A_171 = tpu.vector_load %arg10[%get3A_169, %get3A_170] {strides = array<i32>} : memref<8x32xi32, #tpu.memory_space<vmem>>, vector<16xi32>,
      %add3A_172 = arith.constant 64 : i32
      %add3A_173 = vector.broadcast %add3A_172 : i32 to vector<16xi32>
      %add3A_174 = arith.addi %get3A_171, %add3A_173 : vector<16xi32>
      %gather3A_175 = tpu.vector_load_idx %arg11[%add3A_174] : memref<512xf32, #tpu.memory_space<vmem>>[vector<16xi32>], vector<16xf32>,
      %reduce_max3A_176 = arith.constant true
      %reduce_max3A_177 = vector.broadcast %reduce_max3A_176 : i1 to vector<16xi1>
      %reduce_max3A_178 = tpu.scan <max>, %gather3A_175 masked %reduce_max3A_177 : vector<16xf32>, vector<16xi1> -> vector<16xf32>
      %reduce_max3A_179 = vector.extract %reduce_max3A_178[15] : f32 from vector<16xf32>
      %max3A_180 = arith.maximumf %reduce_max3A_167, %reduce_max3A_179 : f32
      %sub3A_181 = vector.broadcast %max3A_180 : f32 to vector<16xf32>
      %sub3A_182 = arith.subf %gather3A_163, %sub3A_181 : vector<16xf32>
      %exp3A_183 = math.exp %sub3A_182 : vector<16xf32>
      %reduce_sum3A_184 = arith.constant true
      %reduce_sum3A_185 = vector.broadcast %reduce_sum3A_184 : i1 to vector<16xi1>
      %reduce_sum3A_186 = tpu.scan <sum>, %exp3A_183 masked %reduce_sum3A_185 : vector<16xf32>, vector<16xi1> -> vector<16xf32>
      %reduce_sum3A_187 = vector.extract %reduce_sum3A_186[15] : f32 from vector<16xf32>
      %add3A_188 = arith.constant 0.000000e+00 : f32
      %add3A_189 = arith.addf %add3A_188, %reduce_sum3A_187 : f32
      %sub3A_190 = vector.broadcast %max3A_180 : f32 to vector<16xf32>
      %sub3A_191 = arith.subf %gather3A_175, %sub3A_190 : vector<16xf32>
      %exp3A_192 = math.exp %sub3A_191 : vector<16xf32>
      %reduce_sum3A_193 = arith.constant true
      %reduce_sum3A_194 = vector.broadcast %reduce_sum3A_193 : i1 to vector<16xi1>
      %reduce_sum3A_195 = tpu.scan <sum>, %exp3A_192 masked %reduce_sum3A_194 : vector<16xf32>, vector<16xi1> -> vector<16xf32>
      %reduce_sum3A_196 = vector.extract %reduce_sum3A_195[15] : f32 from vector<16xf32>
      %add3A_197 = arith.addf %add3A_189, %reduce_sum3A_196 : f32
      %broadcast_in_dim3A_198 = arith.constant 1.000000e+00 : f32
      %broadcast_in_dim3A_199 = vector.broadcast %broadcast_in_dim3A_198 : f32 to vector<16xf32>
      %mul3A_200 = vector.broadcast %add3A_197 : f32 to vector<16xf32>
      %mul3A_201 = arith.mulf %broadcast_in_dim3A_199, %mul3A_200 : vector<16xf32>
      %div3A_202 = arith.divf %exp3A_183, %mul3A_201 : vector<16xf32>
      %swap3A_203 = arith.constant 32 : index
      %swap3A_204 = tpu.vector_load %arg12[%swap3A_203] {strides = array<i32>} : memref<256xf32, #tpu.memory_space<vmem>>, vector<16xf32>,
      tpu.vector_store %arg12[%swap3A_203], %div3A_202 {strides = array<i32>} : memref<256xf32, #tpu.memory_space<vmem>>, vector<16xf32>,
      %div3A_205 = arith.divf %exp3A_192, %mul3A_201 : vector<16xf32>
      %swap3A_206 = arith.constant 48 : index
      %swap3A_207 = tpu.vector_load %arg12[%swap3A_206] {strides = array<i32>} : memref<256xf32, #tpu.memory_space<vmem>>, vector<16xf32>,
      tpu.vector_store %arg12[%swap3A_206], %div3A_205 {strides = array<i32>} : memref<256xf32, #tpu.memory_space<vmem>>, vector<16xf32>,
      %get3A_208 = arith.constant 2 : i32
      %get3A_209 = arith.index_cast %get3A_208 : i32 to index
      %get3A_210 = arith.constant 0 : index
      %get3A_211 = tpu.vector_load %arg10[%get3A_209, %get3A_210] {strides = array<i32>} : memref<8x32xi32, #tpu.memory_space<vmem>>, vector<16xi32>,
      %add3A_212 = arith.constant 128 : i32
      %add3A_213 = vector.broadcast %add3A_212 : i32 to vector<16xi32>
      %add3A_214 = arith.addi %get3A_211, %add3A_213 : vector<16xi32>
      %gather3A_215 = tpu.vector_load_idx %arg11[%add3A_214] : memref<512xf32, #tpu.memory_space<vmem>>[vector<16xi32>], vector<16xf32>,
      %reduce_max3A_216 = arith.constant true
      %reduce_max3A_217 = vector.broadcast %reduce_max3A_216 : i1 to vector<16xi1>
      %reduce_max3A_218 = tpu.scan <max>, %gather3A_215 masked %reduce_max3A_217 : vector<16xf32>, vector<16xi1> -> vector<16xf32>
      %reduce_max3A_219 = vector.extract %reduce_max3A_218[15] : f32 from vector<16xf32>
      %get3A_220 = arith.constant 2 : i32
      %get3A_221 = arith.index_cast %get3A_220 : i32 to index
      %get3A_222 = arith.constant 16 : index
      %get3A_223 = tpu.vector_load %arg10[%get3A_221, %get3A_222] {strides = array<i32>} : memref<8x32xi32, #tpu.memory_space<vmem>>, vector<16xi32>,
      %add3A_224 = arith.constant 128 : i32
      %add3A_225 = vector.broadcast %add3A_224 : i32 to vector<16xi32>
      %add3A_226 = arith.addi %get3A_223, %add3A_225 : vector<16xi32>
      %gather3A_227 = tpu.vector_load_idx %arg11[%add3A_226] : memref<512xf32, #tpu.memory_space<vmem>>[vector<16xi32>], vector<16xf32>,
      %reduce_max3A_228 = arith.constant true
      %reduce_max3A_229 = vector.broadcast %reduce_max3A_228 : i1 to vector<16xi1>
      %reduce_max3A_230 = tpu.scan <max>, %gather3A_227 masked %reduce_max3A_229 : vector<16xf32>, vector<16xi1> -> vector<16xf32>
      %reduce_max3A_231 = vector.extract %reduce_max3A_230[15] : f32 from vector<16xf32>
      %max3A_232 = arith.maximumf %reduce_max3A_219, %reduce_max3A_231 : f32
      %sub3A_233 = vector.broadcast %max3A_232 : f32 to vector<16xf32>
      %sub3A_234 = arith.subf %gather3A_215, %sub3A_233 : vector<16xf32>
      %exp3A_235 = math.exp %sub3A_234 : vector<16xf32>
      %reduce_sum3A_236 = arith.constant true
      %reduce_sum3A_237 = vector.broadcast %reduce_sum3A_236 : i1 to vector<16xi1>
      %reduce_sum3A_238 = tpu.scan <sum>, %exp3A_235 masked %reduce_sum3A_237 : vector<16xf32>, vector<16xi1> -> vector<16xf32>
      %reduce_sum3A_239 = vector.extract %reduce_sum3A_238[15] : f32 from vector<16xf32>
      %add3A_240 = arith.constant 0.000000e+00 : f32
      %add3A_241 = arith.addf %add3A_240, %reduce_sum3A_239 : f32
      %sub3A_242 = vector.broadcast %max3A_232 : f32 to vector<16xf32>
      %sub3A_243 = arith.subf %gather3A_227, %sub3A_242 : vector<16xf32>
      %exp3A_244 = math.exp %sub3A_243 : vector<16xf32>
      %reduce_sum3A_245 = arith.constant true
      %reduce_sum3A_246 = vector.broadcast %reduce_sum3A_245 : i1 to vector<16xi1>
      %reduce_sum3A_247 = tpu.scan <sum>, %exp3A_244 masked %reduce_sum3A_246 : vector<16xf32>, vector<16xi1> -> vector<16xf32>
      %reduce_sum3A_248 = vector.extract %reduce_sum3A_247[15] : f32 from vector<16xf32>
      %add3A_249 = arith.addf %add3A_241, %reduce_sum3A_248 : f32
      %broadcast_in_dim3A_250 = arith.constant 1.000000e+00 : f32
      %broadcast_in_dim3A_251 = vector.broadcast %broadcast_in_dim3A_250 : f32 to vector<16xf32>
      %mul3A_252 = vector.broadcast %add3A_249 : f32 to vector<16xf32>
      %mul3A_253 = arith.mulf %broadcast_in_dim3A_251, %mul3A_252 : vector<16xf32>
      %div3A_254 = arith.divf %exp3A_235, %mul3A_253 : vector<16xf32>
      %swap3A_255 = arith.constant 64 : index
      %swap3A_256 = tpu.vector_load %arg12[%swap3A_255] {strides = array<i32>} : memref<256xf32, #tpu.memory_space<vmem>>, vector<16xf32>,
      tpu.vector_store %arg12[%swap3A_255], %div3A_254 {strides = array<i32>} : memref<256xf32, #tpu.memory_space<vmem>>, vector<16xf32>,
      %div3A_257 = arith.divf %exp3A_244, %mul3A_253 : vector<16xf32>
      %swap3A_258 = arith.constant 80 : index
      %swap3A_259 = tpu.vector_load %arg12[%swap3A_258] {strides = array<i32>} : memref<256xf32, #tpu.memory_space<vmem>>, vector<16xf32>,
      tpu.vector_store %arg12[%swap3A_258], %div3A_257 {strides = array<i32>} : memref<256xf32, #tpu.memory_space<vmem>>, vector<16xf32>,
      %get3A_260 = arith.constant 3 : i32
      %get3A_261 = arith.index_cast %get3A_260 : i32 to index
      %get3A_262 = arith.constant 0 : index
      %get3A_263 = tpu.vector_load %arg10[%get3A_261, %get3A_262] {strides = array<i32>} : memref<8x32xi32, #tpu.memory_space<vmem>>, vector<16xi32>,
      %add3A_264 = arith.constant 192 : i32
      %add3A_265 = vector.broadcast %add3A_264 : i32 to vector<16xi32>
      %add3A_266 = arith.addi %get3A_263, %add3A_265 : vector<16xi32>
      %gather3A_267 = tpu.vector_load_idx %arg11[%add3A_266] : memref<512xf32, #tpu.memory_space<vmem>>[vector<16xi32>], vector<16xf32>,
      %reduce_max3A_268 = arith.constant true
      %reduce_max3A_269 = vector.broadcast %reduce_max3A_268 : i1 to vector<16xi1>
      %reduce_max3A_270 = tpu.scan <max>, %gather3A_267 masked %reduce_max3A_269 : vector<16xf32>, vector<16xi1> -> vector<16xf32>
      %reduce_max3A_271 = vector.extract %reduce_max3A_270[15] : f32 from vector<16xf32>
      %get3A_272 = arith.constant 3 : i32
      %get3A_273 = arith.index_cast %get3A_272 : i32 to index
      %get3A_274 = arith.constant 16 : index
      %get3A_275 = tpu.vector_load %arg10[%get3A_273, %get3A_274] {strides = array<i32>} : memref<8x32xi32, #tpu.memory_space<vmem>>, vector<16xi32>,
      %add3A_276 = arith.constant 192 : i32
      %add3A_277 = vector.broadcast %add3A_276 : i32 to vector<16xi32>
      %add3A_278 = arith.addi %get3A_275, %add3A_277 : vector<16xi32>
      %gather3A_279 = tpu.vector_load_idx %arg11[%add3A_278] : memref<512xf32, #tpu.memory_space<vmem>>[vector<16xi32>], vector<16xf32>,
      %reduce_max3A_280 = arith.constant true
      %reduce_max3A_281 = vector.broadcast %reduce_max3A_280 : i1 to vector<16xi1>
      %reduce_max3A_282 = tpu.scan <max>, %gather3A_279 masked %reduce_max3A_281 : vector<16xf32>, vector<16xi1> -> vector<16xf32>
      %reduce_max3A_283 = vector.extract %reduce_max3A_282[15] : f32 from vector<16xf32>
      %max3A_284 = arith.maximumf %reduce_max3A_271, %reduce_max3A_283 : f32
      %sub3A_285 = vector.broadcast %max3A_284 : f32 to vector<16xf32>
      %sub3A_286 = arith.subf %gather3A_267, %sub3A_285 : vector<16xf32>
      %exp3A_287 = math.exp %sub3A_286 : vector<16xf32>
      %reduce_sum3A_288 = arith.constant true
      %reduce_sum3A_289 = vector.broadcast %reduce_sum3A_288 : i1 to vector<16xi1>
      %reduce_sum3A_290 = tpu.scan <sum>, %exp3A_287 masked %reduce_sum3A_289 : vector<16xf32>, vector<16xi1> -> vector<16xf32>
      %reduce_sum3A_291 = vector.extract %reduce_sum3A_290[15] : f32 from vector<16xf32>
      %add3A_292 = arith.constant 0.000000e+00 : f32
      %add3A_293 = arith.addf %add3A_292, %reduce_sum3A_291 : f32
      %sub3A_294 = vector.broadcast %max3A_284 : f32 to vector<16xf32>
      %sub3A_295 = arith.subf %gather3A_279, %sub3A_294 : vector<16xf32>
      %exp3A_296 = math.exp %sub3A_295 : vector<16xf32>
      %reduce_sum3A_297 = arith.constant true
      %reduce_sum3A_298 = vector.broadcast %reduce_sum3A_297 : i1 to vector<16xi1>
      %reduce_sum3A_299 = tpu.scan <sum>, %exp3A_296 masked %reduce_sum3A_298 : vector<16xf32>, vector<16xi1> -> vector<16xf32>
      %reduce_sum3A_300 = vector.extract %reduce_sum3A_299[15] : f32 from vector<16xf32>
      %add3A_301 = arith.addf %add3A_293, %reduce_sum3A_300 : f32
      %broadcast_in_dim3A_302 = arith.constant 1.000000e+00 : f32
      %broadcast_in_dim3A_303 = vector.broadcast %broadcast_in_dim3A_302 : f32 to vector<16xf32>
      %mul3A_304 = vector.broadcast %add3A_301 : f32 to vector<16xf32>
      %mul3A_305 = arith.mulf %broadcast_in_dim3A_303, %mul3A_304 : vector<16xf32>
      %div3A_306 = arith.divf %exp3A_287, %mul3A_305 : vector<16xf32>
      %swap3A_307 = arith.constant 96 : index
      %swap3A_308 = tpu.vector_load %arg12[%swap3A_307] {strides = array<i32>} : memref<256xf32, #tpu.memory_space<vmem>>, vector<16xf32>,
      tpu.vector_store %arg12[%swap3A_307], %div3A_306 {strides = array<i32>} : memref<256xf32, #tpu.memory_space<vmem>>, vector<16xf32>,
      %div3A_309 = arith.divf %exp3A_296, %mul3A_305 : vector<16xf32>
      %swap3A_310 = arith.constant 112 : index
      %swap3A_311 = tpu.vector_load %arg12[%swap3A_310] {strides = array<i32>} : memref<256xf32, #tpu.memory_space<vmem>>, vector<16xf32>,
      tpu.vector_store %arg12[%swap3A_310], %div3A_309 {strides = array<i32>} : memref<256xf32, #tpu.memory_space<vmem>>, vector<16xf32>,
      %get3A_312 = arith.constant 4 : i32
      %get3A_313 = arith.index_cast %get3A_312 : i32 to index
      %get3A_314 = arith.constant 0 : index
      %get3A_315 = tpu.vector_load %arg10[%get3A_313, %get3A_314] {strides = array<i32>} : memref<8x32xi32, #tpu.memory_space<vmem>>, vector<16xi32>,
      %add3A_316 = arith.constant 256 : i32
      %add3A_317 = vector.broadcast %add3A_316 : i32 to vector<16xi32>
      %add3A_318 = arith.addi %get3A_315, %add3A_317 : vector<16xi32>
      %gather3A_319 = tpu.vector_load_idx %arg11[%add3A_318] : memref<512xf32, #tpu.memory_space<vmem>>[vector<16xi32>], vector<16xf32>,
      %reduce_max3A_320 = arith.constant true
      %reduce_max3A_321 = vector.broadcast %reduce_max3A_320 : i1 to vector<16xi1>
      %reduce_max3A_322 = tpu.scan <max>, %gather3A_319 masked %reduce_max3A_321 : vector<16xf32>, vector<16xi1> -> vector<16xf32>
      %reduce_max3A_323 = vector.extract %reduce_max3A_322[15] : f32 from vector<16xf32>
      %get3A_324 = arith.constant 4 : i32
      %get3A_325 = arith.index_cast %get3A_324 : i32 to index
      %get3A_326 = arith.constant 16 : index
      %get3A_327 = tpu.vector_load %arg10[%get3A_325, %get3A_326] {strides = array<i32>} : memref<8x32xi32, #tpu.memory_space<vmem>>, vector<16xi32>,
      %add3A_328 = arith.constant 256 : i32
      %add3A_329 = vector.broadcast %add3A_328 : i32 to vector<16xi32>
      %add3A_330 = arith.addi %get3A_327, %add3A_329 : vector<16xi32>
      %gather3A_331 = tpu.vector_load_idx %arg11[%add3A_330] : memref<512xf32, #tpu.memory_space<vmem>>[vector<16xi32>], vector<16xf32>,
      %reduce_max3A_332 = arith.constant true
      %reduce_max3A_333 = vector.broadcast %reduce_max3A_332 : i1 to vector<16xi1>
      %reduce_max3A_334 = tpu.scan <max>, %gather3A_331 masked %reduce_max3A_333 : vector<16xf32>, vector<16xi1> -> vector<16xf32>
      %reduce_max3A_335 = vector.extract %reduce_max3A_334[15] : f32 from vector<16xf32>
      %max3A_336 = arith.maximumf %reduce_max3A_323, %reduce_max3A_335 : f32
      %sub3A_337 = vector.broadcast %max3A_336 : f32 to vector<16xf32>
      %sub3A_338 = arith.subf %gather3A_319, %sub3A_337 : vector<16xf32>
      %exp3A_339 = math.exp %sub3A_338 : vector<16xf32>
      %reduce_sum3A_340 = arith.constant true
      %reduce_sum3A_341 = vector.broadcast %reduce_sum3A_340 : i1 to vector<16xi1>
      %reduce_sum3A_342 = tpu.scan <sum>, %exp3A_339 masked %reduce_sum3A_341 : vector<16xf32>, vector<16xi1> -> vector<16xf32>
      %reduce_sum3A_343 = vector.extract %reduce_sum3A_342[15] : f32 from vector<16xf32>
      %add3A_344 = arith.constant 0.000000e+00 : f32
      %add3A_345 = arith.addf %add3A_344, %reduce_sum3A_343 : f32
      %sub3A_346 = vector.broadcast %max3A_336 : f32 to vector<16xf32>
      %sub3A_347 = arith.subf %gather3A_331, %sub3A_346 : vector<16xf32>
      %exp3A_348 = math.exp %sub3A_347 : vector<16xf32>
      %reduce_sum3A_349 = arith.constant true
      %reduce_sum3A_350 = vector.broadcast %reduce_sum3A_349 : i1 to vector<16xi1>
      %reduce_sum3A_351 = tpu.scan <sum>, %exp3A_348 masked %reduce_sum3A_350 : vector<16xf32>, vector<16xi1> -> vector<16xf32>
      %reduce_sum3A_352 = vector.extract %reduce_sum3A_351[15] : f32 from vector<16xf32>
      %add3A_353 = arith.addf %add3A_345, %reduce_sum3A_352 : f32
      %broadcast_in_dim3A_354 = arith.constant 1.000000e+00 : f32
      %broadcast_in_dim3A_355 = vector.broadcast %broadcast_in_dim3A_354 : f32 to vector<16xf32>
      %mul3A_356 = vector.broadcast %add3A_353 : f32 to vector<16xf32>
      %mul3A_357 = arith.mulf %broadcast_in_dim3A_355, %mul3A_356 : vector<16xf32>
      %div3A_358 = arith.divf %exp3A_339, %mul3A_357 : vector<16xf32>
      %swap3A_359 = arith.constant 128 : index
      %swap3A_360 = tpu.vector_load %arg12[%swap3A_359] {strides = array<i32>} : memref<256xf32, #tpu.memory_space<vmem>>, vector<16xf32>,
      tpu.vector_store %arg12[%swap3A_359], %div3A_358 {strides = array<i32>} : memref<256xf32, #tpu.memory_space<vmem>>, vector<16xf32>,
      %div3A_361 = arith.divf %exp3A_348, %mul3A_357 : vector<16xf32>
      %swap3A_362 = arith.constant 144 : index
      %swap3A_363 = tpu.vector_load %arg12[%swap3A_362] {strides = array<i32>} : memref<256xf32, #tpu.memory_space<vmem>>, vector<16xf32>,
      tpu.vector_store %arg12[%swap3A_362], %div3A_361 {strides = array<i32>} : memref<256xf32, #tpu.memory_space<vmem>>, vector<16xf32>,
      %get3A_364 = arith.constant 5 : i32
      %get3A_365 = arith.index_cast %get3A_364 : i32 to index
      %get3A_366 = arith.constant 0 : index
      %get3A_367 = tpu.vector_load %arg10[%get3A_365, %get3A_366] {strides = array<i32>} : memref<8x32xi32, #tpu.memory_space<vmem>>, vector<16xi32>,
      %add3A_368 = arith.constant 320 : i32
      %add3A_369 = vector.broadcast %add3A_368 : i32 to vector<16xi32>
      %add3A_370 = arith.addi %get3A_367, %add3A_369 : vector<16xi32>
      %gather3A_371 = tpu.vector_load_idx %arg11[%add3A_370] : memref<512xf32, #tpu.memory_space<vmem>>[vector<16xi32>], vector<16xf32>,
      %reduce_max3A_372 = arith.constant true
      %reduce_max3A_373 = vector.broadcast %reduce_max3A_372 : i1 to vector<16xi1>
      %reduce_max3A_374 = tpu.scan <max>, %gather3A_371 masked %reduce_max3A_373 : vector<16xf32>, vector<16xi1> -> vector<16xf32>
      %reduce_max3A_375 = vector.extract %reduce_max3A_374[15] : f32 from vector<16xf32>
      %get3A_376 = arith.constant 5 : i32
      %get3A_377 = arith.index_cast %get3A_376 : i32 to index
      %get3A_378 = arith.constant 16 : index
      %get3A_379 = tpu.vector_load %arg10[%get3A_377, %get3A_378] {strides = array<i32>} : memref<8x32xi32, #tpu.memory_space<vmem>>, vector<16xi32>,
      %add3A_380 = arith.constant 320 : i32
      %add3A_381 = vector.broadcast %add3A_380 : i32 to vector<16xi32>
      %add3A_382 = arith.addi %get3A_379, %add3A_381 : vector<16xi32>
      %gather3A_383 = tpu.vector_load_idx %arg11[%add3A_382] : memref<512xf32, #tpu.memory_space<vmem>>[vector<16xi32>], vector<16xf32>,
      %reduce_max3A_384 = arith.constant true
      %reduce_max3A_385 = vector.broadcast %reduce_max3A_384 : i1 to vector<16xi1>
      %reduce_max3A_386 = tpu.scan <max>, %gather3A_383 masked %reduce_max3A_385 : vector<16xf32>, vector<16xi1> -> vector<16xf32>
      %reduce_max3A_387 = vector.extract %reduce_max3A_386[15] : f32 from vector<16xf32>
      %max3A_388 = arith.maximumf %reduce_max3A_375, %reduce_max3A_387 : f32
      %sub3A_389 = vector.broadcast %max3A_388 : f32 to vector<16xf32>
      %sub3A_390 = arith.subf %gather3A_371, %sub3A_389 : vector<16xf32>
      %exp3A_391 = math.exp %sub3A_390 : vector<16xf32>
      %reduce_sum3A_392 = arith.constant true
      %reduce_sum3A_393 = vector.broadcast %reduce_sum3A_392 : i1 to vector<16xi1>
      %reduce_sum3A_394 = tpu.scan <sum>, %exp3A_391 masked %reduce_sum3A_393 : vector<16xf32>, vector<16xi1> -> vector<16xf32>
      %reduce_sum3A_395 = vector.extract %reduce_sum3A_394[15] : f32 from vector<16xf32>
      %add3A_396 = arith.constant 0.000000e+00 : f32
      %add3A_397 = arith.addf %add3A_396, %reduce_sum3A_395 : f32
      %sub3A_398 = vector.broadcast %max3A_388 : f32 to vector<16xf32>
      %sub3A_399 = arith.subf %gather3A_383, %sub3A_398 : vector<16xf32>
      %exp3A_400 = math.exp %sub3A_399 : vector<16xf32>
      %reduce_sum3A_401 = arith.constant true
      %reduce_sum3A_402 = vector.broadcast %reduce_sum3A_401 : i1 to vector<16xi1>
      %reduce_sum3A_403 = tpu.scan <sum>, %exp3A_400 masked %reduce_sum3A_402 : vector<16xf32>, vector<16xi1> -> vector<16xf32>
      %reduce_sum3A_404 = vector.extract %reduce_sum3A_403[15] : f32 from vector<16xf32>
      %add3A_405 = arith.addf %add3A_397, %reduce_sum3A_404 : f32
      %broadcast_in_dim3A_406 = arith.constant 1.000000e+00 : f32
      %broadcast_in_dim3A_407 = vector.broadcast %broadcast_in_dim3A_406 : f32 to vector<16xf32>
      %mul3A_408 = vector.broadcast %add3A_405 : f32 to vector<16xf32>
      %mul3A_409 = arith.mulf %broadcast_in_dim3A_407, %mul3A_408 : vector<16xf32>
      %div3A_410 = arith.divf %exp3A_391, %mul3A_409 : vector<16xf32>
      %swap3A_411 = arith.constant 160 : index
      %swap3A_412 = tpu.vector_load %arg12[%swap3A_411] {strides = array<i32>} : memref<256xf32, #tpu.memory_space<vmem>>, vector<16xf32>,
      tpu.vector_store %arg12[%swap3A_411], %div3A_410 {strides = array<i32>} : memref<256xf32, #tpu.memory_space<vmem>>, vector<16xf32>,
      %div3A_413 = arith.divf %exp3A_400, %mul3A_409 : vector<16xf32>
      %swap3A_414 = arith.constant 176 : index
      %swap3A_415 = tpu.vector_load %arg12[%swap3A_414] {strides = array<i32>} : memref<256xf32, #tpu.memory_space<vmem>>, vector<16xf32>,
      tpu.vector_store %arg12[%swap3A_414], %div3A_413 {strides = array<i32>} : memref<256xf32, #tpu.memory_space<vmem>>, vector<16xf32>,
      %get3A_416 = arith.constant 6 : i32
      %get3A_417 = arith.index_cast %get3A_416 : i32 to index
      %get3A_418 = arith.constant 0 : index
      %get3A_419 = tpu.vector_load %arg10[%get3A_417, %get3A_418] {strides = array<i32>} : memref<8x32xi32, #tpu.memory_space<vmem>>, vector<16xi32>,
      %add3A_420 = arith.constant 384 : i32
      %add3A_421 = vector.broadcast %add3A_420 : i32 to vector<16xi32>
      %add3A_422 = arith.addi %get3A_419, %add3A_421 : vector<16xi32>
      %gather3A_423 = tpu.vector_load_idx %arg11[%add3A_422] : memref<512xf32, #tpu.memory_space<vmem>>[vector<16xi32>], vector<16xf32>,
      %reduce_max3A_424 = arith.constant true
      %reduce_max3A_425 = vector.broadcast %reduce_max3A_424 : i1 to vector<16xi1>
      %reduce_max3A_426 = tpu.scan <max>, %gather3A_423 masked %reduce_max3A_425 : vector<16xf32>, vector<16xi1> -> vector<16xf32>
      %reduce_max3A_427 = vector.extract %reduce_max3A_426[15] : f32 from vector<16xf32>
      %get3A_428 = arith.constant 6 : i32
      %get3A_429 = arith.index_cast %get3A_428 : i32 to index
      %get3A_430 = arith.constant 16 : index
      %get3A_431 = tpu.vector_load %arg10[%get3A_429, %get3A_430] {strides = array<i32>} : memref<8x32xi32, #tpu.memory_space<vmem>>, vector<16xi32>,
      %add3A_432 = arith.constant 384 : i32
      %add3A_433 = vector.broadcast %add3A_432 : i32 to vector<16xi32>
      %add3A_434 = arith.addi %get3A_431, %add3A_433 : vector<16xi32>
      %gather3A_435 = tpu.vector_load_idx %arg11[%add3A_434] : memref<512xf32, #tpu.memory_space<vmem>>[vector<16xi32>], vector<16xf32>,
      %reduce_max3A_436 = arith.constant true
      %reduce_max3A_437 = vector.broadcast %reduce_max3A_436 : i1 to vector<16xi1>
      %reduce_max3A_438 = tpu.scan <max>, %gather3A_435 masked %reduce_max3A_437 : vector<16xf32>, vector<16xi1> -> vector<16xf32>
      %reduce_max3A_439 = vector.extract %reduce_max3A_438[15] : f32 from vector<16xf32>
      %max3A_440 = arith.maximumf %reduce_max3A_427, %reduce_max3A_439 : f32
      %sub3A_441 = vector.broadcast %max3A_440 : f32 to vector<16xf32>
      %sub3A_442 = arith.subf %gather3A_423, %sub3A_441 : vector<16xf32>
      %exp3A_443 = math.exp %sub3A_442 : vector<16xf32>
      %reduce_sum3A_444 = arith.constant true
      %reduce_sum3A_445 = vector.broadcast %reduce_sum3A_444 : i1 to vector<16xi1>
      %reduce_sum3A_446 = tpu.scan <sum>, %exp3A_443 masked %reduce_sum3A_445 : vector<16xf32>, vector<16xi1> -> vector<16xf32>
      %reduce_sum3A_447 = vector.extract %reduce_sum3A_446[15] : f32 from vector<16xf32>
      %add3A_448 = arith.constant 0.000000e+00 : f32
      %add3A_449 = arith.addf %add3A_448, %reduce_sum3A_447 : f32
      %sub3A_450 = vector.broadcast %max3A_440 : f32 to vector<16xf32>
      %sub3A_451 = arith.subf %gather3A_435, %sub3A_450 : vector<16xf32>
      %exp3A_452 = math.exp %sub3A_451 : vector<16xf32>
      %reduce_sum3A_453 = arith.constant true
      %reduce_sum3A_454 = vector.broadcast %reduce_sum3A_453 : i1 to vector<16xi1>
      %reduce_sum3A_455 = tpu.scan <sum>, %exp3A_452 masked %reduce_sum3A_454 : vector<16xf32>, vector<16xi1> -> vector<16xf32>
      %reduce_sum3A_456 = vector.extract %reduce_sum3A_455[15] : f32 from vector<16xf32>
      %add3A_457 = arith.addf %add3A_449, %reduce_sum3A_456 : f32
      %broadcast_in_dim3A_458 = arith.constant 1.000000e+00 : f32
      %broadcast_in_dim3A_459 = vector.broadcast %broadcast_in_dim3A_458 : f32 to vector<16xf32>
      %mul3A_460 = vector.broadcast %add3A_457 : f32 to vector<16xf32>
      %mul3A_461 = arith.mulf %broadcast_in_dim3A_459, %mul3A_460 : vector<16xf32>
      %div3A_462 = arith.divf %exp3A_443, %mul3A_461 : vector<16xf32>
      %swap3A_463 = arith.constant 192 : index
      %swap3A_464 = tpu.vector_load %arg12[%swap3A_463] {strides = array<i32>} : memref<256xf32, #tpu.memory_space<vmem>>, vector<16xf32>,
      tpu.vector_store %arg12[%swap3A_463], %div3A_462 {strides = array<i32>} : memref<256xf32, #tpu.memory_space<vmem>>, vector<16xf32>,
      %div3A_465 = arith.divf %exp3A_452, %mul3A_461 : vector<16xf32>
      %swap3A_466 = arith.constant 208 : index
      %swap3A_467 = tpu.vector_load %arg12[%swap3A_466] {strides = array<i32>} : memref<256xf32, #tpu.memory_space<vmem>>, vector<16xf32>,
      tpu.vector_store %arg12[%swap3A_466], %div3A_465 {strides = array<i32>} : memref<256xf32, #tpu.memory_space<vmem>>, vector<16xf32>,
      %get3A_468 = arith.constant 7 : i32
      %get3A_469 = arith.index_cast %get3A_468 : i32 to index
      %get3A_470 = arith.constant 0 : index
      %get3A_471 = tpu.vector_load %arg10[%get3A_469, %get3A_470] {strides = array<i32>} : memref<8x32xi32, #tpu.memory_space<vmem>>, vector<16xi32>,
      %add3A_472 = arith.constant 448 : i32
      %add3A_473 = vector.broadcast %add3A_472 : i32 to vector<16xi32>
      %add3A_474 = arith.addi %get3A_471, %add3A_473 : vector<16xi32>
      %gather3A_475 = tpu.vector_load_idx %arg11[%add3A_474] : memref<512xf32, #tpu.memory_space<vmem>>[vector<16xi32>], vector<16xf32>,
      %reduce_max3A_476 = arith.constant true
      %reduce_max3A_477 = vector.broadcast %reduce_max3A_476 : i1 to vector<16xi1>
      %reduce_max3A_478 = tpu.scan <max>, %gather3A_475 masked %reduce_max3A_477 : vector<16xf32>, vector<16xi1> -> vector<16xf32>
      %reduce_max3A_479 = vector.extract %reduce_max3A_478[15] : f32 from vector<16xf32>
      %get3A_480 = arith.constant 7 : i32
      %get3A_481 = arith.index_cast %get3A_480 : i32 to index
      %get3A_482 = arith.constant 16 : index
      %get3A_483 = tpu.vector_load %arg10[%get3A_481, %get3A_482] {strides = array<i32>} : memref<8x32xi32, #tpu.memory_space<vmem>>, vector<16xi32>,
      %add3A_484 = arith.constant 448 : i32
      %add3A_485 = vector.broadcast %add3A_484 : i32 to vector<16xi32>
      %add3A_486 = arith.addi %get3A_483, %add3A_485 : vector<16xi32>
      %gather3A_487 = tpu.vector_load_idx %arg11[%add3A_486] : memref<512xf32, #tpu.memory_space<vmem>>[vector<16xi32>], vector<16xf32>,
      %reduce_max3A_488 = arith.constant true
      %reduce_max3A_489 = vector.broadcast %reduce_max3A_488 : i1 to vector<16xi1>
      %reduce_max3A_490 = tpu.scan <max>, %gather3A_487 masked %reduce_max3A_489 : vector<16xf32>, vector<16xi1> -> vector<16xf32>
      %reduce_max3A_491 = vector.extract %reduce_max3A_490[15] : f32 from vector<16xf32>
      %max3A_492 = arith.maximumf %reduce_max3A_479, %reduce_max3A_491 : f32
      %sub3A_493 = vector.broadcast %max3A_492 : f32 to vector<16xf32>
      %sub3A_494 = arith.subf %gather3A_475, %sub3A_493 : vector<16xf32>
      %exp3A_495 = math.exp %sub3A_494 : vector<16xf32>
      %reduce_sum3A_496 = arith.constant true
      %reduce_sum3A_497 = vector.broadcast %reduce_sum3A_496 : i1 to vector<16xi1>
      %reduce_sum3A_498 = tpu.scan <sum>, %exp3A_495 masked %reduce_sum3A_497 : vector<16xf32>, vector<16xi1> -> vector<16xf32>
      %reduce_sum3A_499 = vector.extract %reduce_sum3A_498[15] : f32 from vector<16xf32>
      %add3A_500 = arith.constant 0.000000e+00 : f32
      %add3A_501 = arith.addf %add3A_500, %reduce_sum3A_499 : f32
      %sub3A_502 = vector.broadcast %max3A_492 : f32 to vector<16xf32>
      %sub3A_503 = arith.subf %gather3A_487, %sub3A_502 : vector<16xf32>
      %exp3A_504 = math.exp %sub3A_503 : vector<16xf32>
      %reduce_sum3A_505 = arith.constant true
      %reduce_sum3A_506 = vector.broadcast %reduce_sum3A_505 : i1 to vector<16xi1>
      %reduce_sum3A_507 = tpu.scan <sum>, %exp3A_504 masked %reduce_sum3A_506 : vector<16xf32>, vector<16xi1> -> vector<16xf32>
      %reduce_sum3A_508 = vector.extract %reduce_sum3A_507[15] : f32 from vector<16xf32>
      %add3A_509 = arith.addf %add3A_501, %reduce_sum3A_508 : f32
      %broadcast_in_dim3A_510 = arith.constant 1.000000e+00 : f32
      %broadcast_in_dim3A_511 = vector.broadcast %broadcast_in_dim3A_510 : f32 to vector<16xf32>
      %mul3A_512 = vector.broadcast %add3A_509 : f32 to vector<16xf32>
      %mul3A_513 = arith.mulf %broadcast_in_dim3A_511, %mul3A_512 : vector<16xf32>
      %div3A_514 = arith.divf %exp3A_495, %mul3A_513 : vector<16xf32>
      %swap3A_515 = arith.constant 224 : index
      %swap3A_516 = tpu.vector_load %arg12[%swap3A_515] {strides = array<i32>} : memref<256xf32, #tpu.memory_space<vmem>>, vector<16xf32>,
      tpu.vector_store %arg12[%swap3A_515], %div3A_514 {strides = array<i32>} : memref<256xf32, #tpu.memory_space<vmem>>, vector<16xf32>,
      %div3A_517 = arith.divf %exp3A_504, %mul3A_513 : vector<16xf32>
      %swap3A_518 = arith.constant 240 : index
      %swap3A_519 = tpu.vector_load %arg12[%swap3A_518] {strides = array<i32>} : memref<256xf32, #tpu.memory_space<vmem>>, vector<16xf32>,
      tpu.vector_store %arg12[%swap3A_518], %div3A_517 {strides = array<i32>} : memref<256xf32, #tpu.memory_space<vmem>>, vector<16xf32>,
      %dma_wait3A = arith.constant 0 : i32
      %dma_wait3A_520 = arith.constant 0 : i32
      %dma_wait3A_521 = arith.constant 0 : i32
      %dma_wait3A_522 = arith.constant 0 : i32
      %dma_wait3A_523 = tpu.memref_slice %arg13[%dma_wait3A_520, %dma_wait3A_521, %dma_wait3A_522] : memref<8x32x128xf32, #tpu.memory_space<vmem>> -> memref<1x32x128xf32, #tpu.memory_space<vmem>>
      %dma_wait3A_524 = tpu.memref_squeeze %dma_wait3A_523 : memref<1x32x128xf32, #tpu.memory_space<vmem>> -> memref<32x128xf32, #tpu.memory_space<vmem>>
      %dma_wait3A_525 = arith.constant 0 : i32
      %dma_wait3A_526 = tpu.memref_slice %arg9[%dma_wait3A, %dma_wait3A_525] : memref<8x32xi32, #tpu.memory_space<vmem>> -> memref<1x32xi32, #tpu.memory_space<vmem>>
      %dma_wait3A_527 = tpu.memref_squeeze %dma_wait3A_526 : memref<1x32xi32, #tpu.memory_space<vmem>> -> memref<32xi32, #tpu.memory_space<vmem>>
      %dma_wait3A_528 = arith.constant 0 : i32
      %dma_wait3A_529 = arith.constant 0 : i32
      %dma_wait3A_530 = tpu.memref_slice %arg6[%dma_wait3A_528, %dma_wait3A_529] : memref<100000x128xf32, #tpu.memory_space<hbm>> -> memref<100000x128xf32, #tpu.memory_space<hbm>>
      tpu.wait_indirect_dma semaphore(%arg16 : memref<!tpu.dma_semaphore, #tpu.memory_space<semaphore_mem>>) src(%dma_wait3A_530 : memref<100000x128xf32, #tpu.memory_space<hbm>>) dst(%dma_wait3A_524 : memref<32x128xf32, #tpu.memory_space<vmem>>)
      %dma_wait3A_531 = arith.constant 1 : i32
      %dma_wait3A_532 = arith.constant 1 : i32
      %dma_wait3A_533 = arith.constant 0 : i32
      %dma_wait3A_534 = arith.constant 0 : i32
      %dma_wait3A_535 = tpu.memref_slice %arg13[%dma_wait3A_532, %dma_wait3A_533, %dma_wait3A_534] : memref<8x32x128xf32, #tpu.memory_space<vmem>> -> memref<1x32x128xf32, #tpu.memory_space<vmem>>
      %dma_wait3A_536 = tpu.memref_squeeze %dma_wait3A_535 : memref<1x32x128xf32, #tpu.memory_space<vmem>> -> memref<32x128xf32, #tpu.memory_space<vmem>>
      %dma_wait3A_537 = arith.constant 0 : i32
      %dma_wait3A_538 = tpu.memref_slice %arg9[%dma_wait3A_531, %dma_wait3A_537] : memref<8x32xi32, #tpu.memory_space<vmem>> -> memref<1x32xi32, #tpu.memory_space<vmem>>
      %dma_wait3A_539 = tpu.memref_squeeze %dma_wait3A_538 : memref<1x32xi32, #tpu.memory_space<vmem>> -> memref<32xi32, #tpu.memory_space<vmem>>
      %dma_wait3A_540 = arith.constant 0 : i32
      %dma_wait3A_541 = arith.constant 0 : i32
      %dma_wait3A_542 = tpu.memref_slice %arg6[%dma_wait3A_540, %dma_wait3A_541] : memref<100000x128xf32, #tpu.memory_space<hbm>> -> memref<100000x128xf32, #tpu.memory_space<hbm>>
      tpu.wait_indirect_dma semaphore(%arg16 : memref<!tpu.dma_semaphore, #tpu.memory_space<semaphore_mem>>) src(%dma_wait3A_542 : memref<100000x128xf32, #tpu.memory_space<hbm>>) dst(%dma_wait3A_536 : memref<32x128xf32, #tpu.memory_space<vmem>>)
      %dma_wait3A_543 = arith.constant 2 : i32
      %dma_wait3A_544 = arith.constant 2 : i32
      %dma_wait3A_545 = arith.constant 0 : i32
      %dma_wait3A_546 = arith.constant 0 : i32
      %dma_wait3A_547 = tpu.memref_slice %arg13[%dma_wait3A_544, %dma_wait3A_545, %dma_wait3A_546] : memref<8x32x128xf32, #tpu.memory_space<vmem>> -> memref<1x32x128xf32, #tpu.memory_space<vmem>>
      %dma_wait3A_548 = tpu.memref_squeeze %dma_wait3A_547 : memref<1x32x128xf32, #tpu.memory_space<vmem>> -> memref<32x128xf32, #tpu.memory_space<vmem>>
      %dma_wait3A_549 = arith.constant 0 : i32
      %dma_wait3A_550 = tpu.memref_slice %arg9[%dma_wait3A_543, %dma_wait3A_549] : memref<8x32xi32, #tpu.memory_space<vmem>> -> memref<1x32xi32, #tpu.memory_space<vmem>>
      %dma_wait3A_551 = tpu.memref_squeeze %dma_wait3A_550 : memref<1x32xi32, #tpu.memory_space<vmem>> -> memref<32xi32, #tpu.memory_space<vmem>>
      %dma_wait3A_552 = arith.constant 0 : i32
      %dma_wait3A_553 = arith.constant 0 : i32
      %dma_wait3A_554 = tpu.memref_slice %arg6[%dma_wait3A_552, %dma_wait3A_553] : memref<100000x128xf32, #tpu.memory_space<hbm>> -> memref<100000x128xf32, #tpu.memory_space<hbm>>
      tpu.wait_indirect_dma semaphore(%arg16 : memref<!tpu.dma_semaphore, #tpu.memory_space<semaphore_mem>>) src(%dma_wait3A_554 : memref<100000x128xf32, #tpu.memory_space<hbm>>) dst(%dma_wait3A_548 : memref<32x128xf32, #tpu.memory_space<vmem>>)
      %dma_wait3A_555 = arith.constant 3 : i32
      %dma_wait3A_556 = arith.constant 3 : i32
      %dma_wait3A_557 = arith.constant 0 : i32
      %dma_wait3A_558 = arith.constant 0 : i32
      %dma_wait3A_559 = tpu.memref_slice %arg13[%dma_wait3A_556, %dma_wait3A_557, %dma_wait3A_558] : memref<8x32x128xf32, #tpu.memory_space<vmem>> -> memref<1x32x128xf32, #tpu.memory_space<vmem>>
      %dma_wait3A_560 = tpu.memref_squeeze %dma_wait3A_559 : memref<1x32x128xf32, #tpu.memory_space<vmem>> -> memref<32x128xf32, #tpu.memory_space<vmem>>
      %dma_wait3A_561 = arith.constant 0 : i32
      %dma_wait3A_562 = tpu.memref_slice %arg9[%dma_wait3A_555, %dma_wait3A_561] : memref<8x32xi32, #tpu.memory_space<vmem>> -> memref<1x32xi32, #tpu.memory_space<vmem>>
      %dma_wait3A_563 = tpu.memref_squeeze %dma_wait3A_562 : memref<1x32xi32, #tpu.memory_space<vmem>> -> memref<32xi32, #tpu.memory_space<vmem>>
      %dma_wait3A_564 = arith.constant 0 : i32
      %dma_wait3A_565 = arith.constant 0 : i32
      %dma_wait3A_566 = tpu.memref_slice %arg6[%dma_wait3A_564, %dma_wait3A_565] : memref<100000x128xf32, #tpu.memory_space<hbm>> -> memref<100000x128xf32, #tpu.memory_space<hbm>>
      tpu.wait_indirect_dma semaphore(%arg16 : memref<!tpu.dma_semaphore, #tpu.memory_space<semaphore_mem>>) src(%dma_wait3A_566 : memref<100000x128xf32, #tpu.memory_space<hbm>>) dst(%dma_wait3A_560 : memref<32x128xf32, #tpu.memory_space<vmem>>)
      %dma_wait3A_567 = arith.constant 4 : i32
      %dma_wait3A_568 = arith.constant 4 : i32
      %dma_wait3A_569 = arith.constant 0 : i32
      %dma_wait3A_570 = arith.constant 0 : i32
      %dma_wait3A_571 = tpu.memref_slice %arg13[%dma_wait3A_568, %dma_wait3A_569, %dma_wait3A_570] : memref<8x32x128xf32, #tpu.memory_space<vmem>> -> memref<1x32x128xf32, #tpu.memory_space<vmem>>
      %dma_wait3A_572 = tpu.memref_squeeze %dma_wait3A_571 : memref<1x32x128xf32, #tpu.memory_space<vmem>> -> memref<32x128xf32, #tpu.memory_space<vmem>>
      %dma_wait3A_573 = arith.constant 0 : i32
      %dma_wait3A_574 = tpu.memref_slice %arg9[%dma_wait3A_567, %dma_wait3A_573] : memref<8x32xi32, #tpu.memory_space<vmem>> -> memref<1x32xi32, #tpu.memory_space<vmem>>
      %dma_wait3A_575 = tpu.memref_squeeze %dma_wait3A_574 : memref<1x32xi32, #tpu.memory_space<vmem>> -> memref<32xi32, #tpu.memory_space<vmem>>
      %dma_wait3A_576 = arith.constant 0 : i32
      %dma_wait3A_577 = arith.constant 0 : i32
      %dma_wait3A_578 = tpu.memref_slice %arg6[%dma_wait3A_576, %dma_wait3A_577] : memref<100000x128xf32, #tpu.memory_space<hbm>> -> memref<100000x128xf32, #tpu.memory_space<hbm>>
      tpu.wait_indirect_dma semaphore(%arg16 : memref<!tpu.dma_semaphore, #tpu.memory_space<semaphore_mem>>) src(%dma_wait3A_578 : memref<100000x128xf32, #tpu.memory_space<hbm>>) dst(%dma_wait3A_572 : memref<32x128xf32, #tpu.memory_space<vmem>>)
      %dma_wait3A_579 = arith.constant 5 : i32
      %dma_wait3A_580 = arith.constant 5 : i32
      %dma_wait3A_581 = arith.constant 0 : i32
      %dma_wait3A_582 = arith.constant 0 : i32
      %dma_wait3A_583 = tpu.memref_slice %arg13[%dma_wait3A_580, %dma_wait3A_581, %dma_wait3A_582] : memref<8x32x128xf32, #tpu.memory_space<vmem>> -> memref<1x32x128xf32, #tpu.memory_space<vmem>>
      %dma_wait3A_584 = tpu.memref_squeeze %dma_wait3A_583 : memref<1x32x128xf32, #tpu.memory_space<vmem>> -> memref<32x128xf32, #tpu.memory_space<vmem>>
      %dma_wait3A_585 = arith.constant 0 : i32
      %dma_wait3A_586 = tpu.memref_slice %arg9[%dma_wait3A_579, %dma_wait3A_585] : memref<8x32xi32, #tpu.memory_space<vmem>> -> memref<1x32xi32, #tpu.memory_space<vmem>>
      %dma_wait3A_587 = tpu.memref_squeeze %dma_wait3A_586 : memref<1x32xi32, #tpu.memory_space<vmem>> -> memref<32xi32, #tpu.memory_space<vmem>>
      %dma_wait3A_588 = arith.constant 0 : i32
      %dma_wait3A_589 = arith.constant 0 : i32
      %dma_wait3A_590 = tpu.memref_slice %arg6[%dma_wait3A_588, %dma_wait3A_589] : memref<100000x128xf32, #tpu.memory_space<hbm>> -> memref<100000x128xf32, #tpu.memory_space<hbm>>
      tpu.wait_indirect_dma semaphore(%arg16 : memref<!tpu.dma_semaphore, #tpu.memory_space<semaphore_mem>>) src(%dma_wait3A_590 : memref<100000x128xf32, #tpu.memory_space<hbm>>) dst(%dma_wait3A_584 : memref<32x128xf32, #tpu.memory_space<vmem>>)
      %dma_wait3A_591 = arith.constant 6 : i32
      %dma_wait3A_592 = arith.constant 6 : i32
      %dma_wait3A_593 = arith.constant 0 : i32
      %dma_wait3A_594 = arith.constant 0 : i32
      %dma_wait3A_595 = tpu.memref_slice %arg13[%dma_wait3A_592, %dma_wait3A_593, %dma_wait3A_594] : memref<8x32x128xf32, #tpu.memory_space<vmem>> -> memref<1x32x128xf32, #tpu.memory_space<vmem>>
      %dma_wait3A_596 = tpu.memref_squeeze %dma_wait3A_595 : memref<1x32x128xf32, #tpu.memory_space<vmem>> -> memref<32x128xf32, #tpu.memory_space<vmem>>
      %dma_wait3A_597 = arith.constant 0 : i32
      %dma_wait3A_598 = tpu.memref_slice %arg9[%dma_wait3A_591, %dma_wait3A_597] : memref<8x32xi32, #tpu.memory_space<vmem>> -> memref<1x32xi32, #tpu.memory_space<vmem>>
      %dma_wait3A_599 = tpu.memref_squeeze %dma_wait3A_598 : memref<1x32xi32, #tpu.memory_space<vmem>> -> memref<32xi32, #tpu.memory_space<vmem>>
      %dma_wait3A_600 = arith.constant 0 : i32
      %dma_wait3A_601 = arith.constant 0 : i32
      %dma_wait3A_602 = tpu.memref_slice %arg6[%dma_wait3A_600, %dma_wait3A_601] : memref<100000x128xf32, #tpu.memory_space<hbm>> -> memref<100000x128xf32, #tpu.memory_space<hbm>>
      tpu.wait_indirect_dma semaphore(%arg16 : memref<!tpu.dma_semaphore, #tpu.memory_space<semaphore_mem>>) src(%dma_wait3A_602 : memref<100000x128xf32, #tpu.memory_space<hbm>>) dst(%dma_wait3A_596 : memref<32x128xf32, #tpu.memory_space<vmem>>)
      %dma_wait3A_603 = arith.constant 7 : i32
      %dma_wait3A_604 = arith.constant 7 : i32
      %dma_wait3A_605 = arith.constant 0 : i32
      %dma_wait3A_606 = arith.constant 0 : i32
      %dma_wait3A_607 = tpu.memref_slice %arg13[%dma_wait3A_604, %dma_wait3A_605, %dma_wait3A_606] : memref<8x32x128xf32, #tpu.memory_space<vmem>> -> memref<1x32x128xf32, #tpu.memory_space<vmem>>
      %dma_wait3A_608 = tpu.memref_squeeze %dma_wait3A_607 : memref<1x32x128xf32, #tpu.memory_space<vmem>> -> memref<32x128xf32, #tpu.memory_space<vmem>>
      %dma_wait3A_609 = arith.constant 0 : i32
      %dma_wait3A_610 = tpu.memref_slice %arg9[%dma_wait3A_603, %dma_wait3A_609] : memref<8x32xi32, #tpu.memory_space<vmem>> -> memref<1x32xi32, #tpu.memory_space<vmem>>
      %dma_wait3A_611 = tpu.memref_squeeze %dma_wait3A_610 : memref<1x32xi32, #tpu.memory_space<vmem>> -> memref<32xi32, #tpu.memory_space<vmem>>
      %dma_wait3A_612 = arith.constant 0 : i32
      %dma_wait3A_613 = arith.constant 0 : i32
      %dma_wait3A_614 = tpu.memref_slice %arg6[%dma_wait3A_612, %dma_wait3A_613] : memref<100000x128xf32, #tpu.memory_space<hbm>> -> memref<100000x128xf32, #tpu.memory_space<hbm>>
      tpu.wait_indirect_dma semaphore(%arg16 : memref<!tpu.dma_semaphore, #tpu.memory_space<semaphore_mem>>) src(%dma_wait3A_614 : memref<100000x128xf32, #tpu.memory_space<hbm>>) dst(%dma_wait3A_608 : memref<32x128xf32, #tpu.memory_space<vmem>>)
      %dma_wait3A_615 = tpu.memref_slice %arg8[%mul3A_109] : memref<512xi32, #tpu.memory_space<vmem>> -> memref<8xi32, #tpu.memory_space<vmem>>
      %dma_wait3A_616 = arith.constant 0 : i32
      %dma_wait3A_617 = arith.constant 0 : i32
      %dma_wait3A_618 = tpu.memref_slice %arg6[%dma_wait3A_616, %dma_wait3A_617] : memref<100000x128xf32, #tpu.memory_space<hbm>> -> memref<100000x128xf32, #tpu.memory_space<hbm>>
      tpu.wait_indirect_dma semaphore(%arg17 : memref<!tpu.dma_semaphore, #tpu.memory_space<semaphore_mem>>) src(%dma_wait3A_618 : memref<100000x128xf32, #tpu.memory_space<hbm>>) dst(%arg14 : memref<8x128xf32, #tpu.memory_space<vmem>>)
      %broadcast_in_dim3A_619 = arith.constant 0.000000e+00 : f32
      %broadcast_in_dim3A_620 = vector.broadcast %broadcast_in_dim3A_619 : f32 to vector<16xf32>
      %broadcast_in_dim3A_621 = arith.constant 0.000000e+00 : f32
      %broadcast_in_dim3A_622 = vector.broadcast %broadcast_in_dim3A_621 : f32 to vector<16xf32>
      %broadcast_in_dim3A_623 = arith.constant 0.000000e+00 : f32
      %broadcast_in_dim3A_624 = vector.broadcast %broadcast_in_dim3A_623 : f32 to vector<16xf32>
      %broadcast_in_dim3A_625 = arith.constant 0.000000e+00 : f32
      %broadcast_in_dim3A_626 = vector.broadcast %broadcast_in_dim3A_625 : f32 to vector<16xf32>
      %broadcast_in_dim3A_627 = arith.constant 0.000000e+00 : f32
      %broadcast_in_dim3A_628 = vector.broadcast %broadcast_in_dim3A_627 : f32 to vector<16xf32>
      %broadcast_in_dim3A_629 = arith.constant 0.000000e+00 : f32
      %broadcast_in_dim3A_630 = vector.broadcast %broadcast_in_dim3A_629 : f32 to vector<16xf32>
      %broadcast_in_dim3A_631 = arith.constant 0.000000e+00 : f32
      %broadcast_in_dim3A_632 = vector.broadcast %broadcast_in_dim3A_631 : f32 to vector<16xf32>
      %broadcast_in_dim3A_633 = arith.constant 0.000000e+00 : f32
      %broadcast_in_dim3A_634 = vector.broadcast %broadcast_in_dim3A_633 : f32 to vector<16xf32>
      %scan3A_635 = arith.constant 0 : i32
      %scan3A_636 = arith.constant 32 : i32
      %scan3A_637 = arith.addi %scan3A_635, %scan3A_636 : i32
      %scan3A_638 = arith.constant 1 : i32
      %scan3A_639:8 = scf.for %scan3A_1563 = %scan3A_635 to %scan3A_637 step %scan3A_638 iter_args(%scan3A_1564 = %broadcast_in_dim3A_620, %scan3A_1565 = %broadcast_in_dim3A_622, %scan3A_1566 = %broadcast_in_dim3A_624, %scan3A_1567 = %broadcast_in_dim3A_626, %scan3A_1568 = %broadcast_in_dim3A_628, %scan3A_1569 = %broadcast_in_dim3A_630, %scan3A_1570 = %broadcast_in_dim3A_632, %scan3A_1571 = %broadcast_in_dim3A_634) -> (vector<16xf32>, vector<16xf32>, vector<16xf32>, vector<16xf32>, vector<16xf32>, vector<16xf32>, vector<16xf32>, vector<16xf32>)  : i32 {
        %broadcast_in_dim3A_1572 = arith.constant 0 : i32
        %broadcast_in_dim3A_1573 = vector.broadcast %broadcast_in_dim3A_1572 : i32 to vector<16xi32>
        %add3A_1574 = vector.broadcast %scan3A_1563 : i32 to vector<16xi32>
        %add3A_1575 = arith.addi %broadcast_in_dim3A_1573, %add3A_1574 : vector<16xi32>
        %gather3A_1576 = tpu.vector_load_idx %arg12[%add3A_1575] : memref<256xf32, #tpu.memory_space<vmem>>[vector<16xi32>], vector<16xf32>,
        %get3A_1577 = arith.constant 0 : i32
        %get3A_1578 = arith.index_cast %get3A_1577 : i32 to index
        %get3A_1579 = arith.index_cast %scan3A_1563 : i32 to index
        %get3A_1580 = arith.constant 0 : index
        %get3A_1581 = tpu.vector_load %arg13[%get3A_1578, %get3A_1579, %get3A_1580] {strides = array<i32>} : memref<8x32x128xf32, #tpu.memory_space<vmem>>, vector<16xf32>,
        %mul3A_1582 = arith.mulf %gather3A_1576, %get3A_1581 : vector<16xf32>
        %add3A_1583 = arith.addf %scan3A_1564, %mul3A_1582 : vector<16xf32>
        %get3A_1584 = arith.constant 0 : i32
        %get3A_1585 = arith.index_cast %get3A_1584 : i32 to index
        %get3A_1586 = arith.index_cast %scan3A_1563 : i32 to index
        %get3A_1587 = arith.constant 16 : index
        %get3A_1588 = tpu.vector_load %arg13[%get3A_1585, %get3A_1586, %get3A_1587] {strides = array<i32>} : memref<8x32x128xf32, #tpu.memory_space<vmem>>, vector<16xf32>,
        %mul3A_1589 = arith.mulf %gather3A_1576, %get3A_1588 : vector<16xf32>
        %add3A_1590 = arith.addf %scan3A_1565, %mul3A_1589 : vector<16xf32>
        %get3A_1591 = arith.constant 0 : i32
        %get3A_1592 = arith.index_cast %get3A_1591 : i32 to index
        %get3A_1593 = arith.index_cast %scan3A_1563 : i32 to index
        %get3A_1594 = arith.constant 32 : index
        %get3A_1595 = tpu.vector_load %arg13[%get3A_1592, %get3A_1593, %get3A_1594] {strides = array<i32>} : memref<8x32x128xf32, #tpu.memory_space<vmem>>, vector<16xf32>,
        %mul3A_1596 = arith.mulf %gather3A_1576, %get3A_1595 : vector<16xf32>
        %add3A_1597 = arith.addf %scan3A_1566, %mul3A_1596 : vector<16xf32>
        %get3A_1598 = arith.constant 0 : i32
        %get3A_1599 = arith.index_cast %get3A_1598 : i32 to index
        %get3A_1600 = arith.index_cast %scan3A_1563 : i32 to index
        %get3A_1601 = arith.constant 48 : index
        %get3A_1602 = tpu.vector_load %arg13[%get3A_1599, %get3A_1600, %get3A_1601] {strides = array<i32>} : memref<8x32x128xf32, #tpu.memory_space<vmem>>, vector<16xf32>,
        %mul3A_1603 = arith.mulf %gather3A_1576, %get3A_1602 : vector<16xf32>
        %add3A_1604 = arith.addf %scan3A_1567, %mul3A_1603 : vector<16xf32>
        %get3A_1605 = arith.constant 0 : i32
        %get3A_1606 = arith.index_cast %get3A_1605 : i32 to index
        %get3A_1607 = arith.index_cast %scan3A_1563 : i32 to index
        %get3A_1608 = arith.constant 64 : index
        %get3A_1609 = tpu.vector_load %arg13[%get3A_1606, %get3A_1607, %get3A_1608] {strides = array<i32>} : memref<8x32x128xf32, #tpu.memory_space<vmem>>, vector<16xf32>,
        %mul3A_1610 = arith.mulf %gather3A_1576, %get3A_1609 : vector<16xf32>
        %add3A_1611 = arith.addf %scan3A_1568, %mul3A_1610 : vector<16xf32>
        %get3A_1612 = arith.constant 0 : i32
        %get3A_1613 = arith.index_cast %get3A_1612 : i32 to index
        %get3A_1614 = arith.index_cast %scan3A_1563 : i32 to index
        %get3A_1615 = arith.constant 80 : index
        %get3A_1616 = tpu.vector_load %arg13[%get3A_1613, %get3A_1614, %get3A_1615] {strides = array<i32>} : memref<8x32x128xf32, #tpu.memory_space<vmem>>, vector<16xf32>,
        %mul3A_1617 = arith.mulf %gather3A_1576, %get3A_1616 : vector<16xf32>
        %add3A_1618 = arith.addf %scan3A_1569, %mul3A_1617 : vector<16xf32>
        %get3A_1619 = arith.constant 0 : i32
        %get3A_1620 = arith.index_cast %get3A_1619 : i32 to index
        %get3A_1621 = arith.index_cast %scan3A_1563 : i32 to index
        %get3A_1622 = arith.constant 96 : index
        %get3A_1623 = tpu.vector_load %arg13[%get3A_1620, %get3A_1621, %get3A_1622] {strides = array<i32>} : memref<8x32x128xf32, #tpu.memory_space<vmem>>, vector<16xf32>,
        %mul3A_1624 = arith.mulf %gather3A_1576, %get3A_1623 : vector<16xf32>
        %add3A_1625 = arith.addf %scan3A_1570, %mul3A_1624 : vector<16xf32>
        %get3A_1626 = arith.constant 0 : i32
        %get3A_1627 = arith.index_cast %get3A_1626 : i32 to index
        %get3A_1628 = arith.index_cast %scan3A_1563 : i32 to index
        %get3A_1629 = arith.constant 112 : index
        %get3A_1630 = tpu.vector_load %arg13[%get3A_1627, %get3A_1628, %get3A_1629] {strides = array<i32>} : memref<8x32x128xf32, #tpu.memory_space<vmem>>, vector<16xf32>,
        %mul3A_1631 = arith.mulf %gather3A_1576, %get3A_1630 : vector<16xf32>
        %add3A_1632 = arith.addf %scan3A_1571, %mul3A_1631 : vector<16xf32>
        scf.yield %add3A_1583, %add3A_1590, %add3A_1597, %add3A_1604, %add3A_1611, %add3A_1618, %add3A_1625, %add3A_1632 : vector<16xf32>, vector<16xf32>, vector<16xf32>, vector<16xf32>, vector<16xf32>, vector<16xf32>, vector<16xf32>, vector<16xf32>
      }
      %scan3A_640 = arith.constant 32 : i32
      %get3A_641 = arith.constant 0 : i32
      %get3A_642 = arith.index_cast %get3A_641 : i32 to index
      %get3A_643 = arith.constant 0 : index
      %get3A_644 = tpu.vector_load %arg14[%get3A_642, %get3A_643] {strides = array<i32>} : memref<8x128xf32, #tpu.memory_space<vmem>>, vector<16xf32>,
      %add3A_645 = arith.addf %scan3A_639#0, %get3A_644 : vector<16xf32>
      %max3A_646 = arith.constant 0.000000e+00 : f32
      %max3A_647 = vector.broadcast %max3A_646 : f32 to vector<16xf32>
      %max3A_648 = arith.maximumf %add3A_645, %max3A_647 : vector<16xf32>
      %swap3A_649 = arith.constant 0 : i32
      %swap3A_650 = arith.index_cast %swap3A_649 : i32 to index
      %swap3A_651 = arith.constant 0 : index
      %swap3A_652 = tpu.vector_load %arg15[%swap3A_650, %swap3A_651] {strides = array<i32>} : memref<8x128xf32, #tpu.memory_space<vmem>>, vector<16xf32>,
      tpu.vector_store %arg15[%swap3A_650, %swap3A_651], %max3A_648 {strides = array<i32>} : memref<8x128xf32, #tpu.memory_space<vmem>>, vector<16xf32>,
      %get3A_653 = arith.constant 0 : i32
      %get3A_654 = arith.index_cast %get3A_653 : i32 to index
      %get3A_655 = arith.constant 16 : index
      %get3A_656 = tpu.vector_load %arg14[%get3A_654, %get3A_655] {strides = array<i32>} : memref<8x128xf32, #tpu.memory_space<vmem>>, vector<16xf32>,
      %add3A_657 = arith.addf %scan3A_639#1, %get3A_656 : vector<16xf32>
      %max3A_658 = arith.constant 0.000000e+00 : f32
      %max3A_659 = vector.broadcast %max3A_658 : f32 to vector<16xf32>
      %max3A_660 = arith.maximumf %add3A_657, %max3A_659 : vector<16xf32>
      %swap3A_661 = arith.constant 0 : i32
      %swap3A_662 = arith.index_cast %swap3A_661 : i32 to index
      %swap3A_663 = arith.constant 16 : index
      %swap3A_664 = tpu.vector_load %arg15[%swap3A_662, %swap3A_663] {strides = array<i32>} : memref<8x128xf32, #tpu.memory_space<vmem>>, vector<16xf32>,
      tpu.vector_store %arg15[%swap3A_662, %swap3A_663], %max3A_660 {strides = array<i32>} : memref<8x128xf32, #tpu.memory_space<vmem>>, vector<16xf32>,
      %get3A_665 = arith.constant 0 : i32
      %get3A_666 = arith.index_cast %get3A_665 : i32 to index
      %get3A_667 = arith.constant 32 : index
      %get3A_668 = tpu.vector_load %arg14[%get3A_666, %get3A_667] {strides = array<i32>} : memref<8x128xf32, #tpu.memory_space<vmem>>, vector<16xf32>,
      %add3A_669 = arith.addf %scan3A_639#2, %get3A_668 : vector<16xf32>
      %max3A_670 = arith.constant 0.000000e+00 : f32
      %max3A_671 = vector.broadcast %max3A_670 : f32 to vector<16xf32>
      %max3A_672 = arith.maximumf %add3A_669, %max3A_671 : vector<16xf32>
      %swap3A_673 = arith.constant 0 : i32
      %swap3A_674 = arith.index_cast %swap3A_673 : i32 to index
      %swap3A_675 = arith.constant 32 : index
      %swap3A_676 = tpu.vector_load %arg15[%swap3A_674, %swap3A_675] {strides = array<i32>} : memref<8x128xf32, #tpu.memory_space<vmem>>, vector<16xf32>,
      tpu.vector_store %arg15[%swap3A_674, %swap3A_675], %max3A_672 {strides = array<i32>} : memref<8x128xf32, #tpu.memory_space<vmem>>, vector<16xf32>,
      %get3A_677 = arith.constant 0 : i32
      %get3A_678 = arith.index_cast %get3A_677 : i32 to index
      %get3A_679 = arith.constant 48 : index
      %get3A_680 = tpu.vector_load %arg14[%get3A_678, %get3A_679] {strides = array<i32>} : memref<8x128xf32, #tpu.memory_space<vmem>>, vector<16xf32>,
      %add3A_681 = arith.addf %scan3A_639#3, %get3A_680 : vector<16xf32>
      %max3A_682 = arith.constant 0.000000e+00 : f32
      %max3A_683 = vector.broadcast %max3A_682 : f32 to vector<16xf32>
      %max3A_684 = arith.maximumf %add3A_681, %max3A_683 : vector<16xf32>
      %swap3A_685 = arith.constant 0 : i32
      %swap3A_686 = arith.index_cast %swap3A_685 : i32 to index
      %swap3A_687 = arith.constant 48 : index
      %swap3A_688 = tpu.vector_load %arg15[%swap3A_686, %swap3A_687] {strides = array<i32>} : memref<8x128xf32, #tpu.memory_space<vmem>>, vector<16xf32>,
      tpu.vector_store %arg15[%swap3A_686, %swap3A_687], %max3A_684 {strides = array<i32>} : memref<8x128xf32, #tpu.memory_space<vmem>>, vector<16xf32>,
      %get3A_689 = arith.constant 0 : i32
      %get3A_690 = arith.index_cast %get3A_689 : i32 to index
      %get3A_691 = arith.constant 64 : index
      %get3A_692 = tpu.vector_load %arg14[%get3A_690, %get3A_691] {strides = array<i32>} : memref<8x128xf32, #tpu.memory_space<vmem>>, vector<16xf32>,
      %add3A_693 = arith.addf %scan3A_639#4, %get3A_692 : vector<16xf32>
      %max3A_694 = arith.constant 0.000000e+00 : f32
      %max3A_695 = vector.broadcast %max3A_694 : f32 to vector<16xf32>
      %max3A_696 = arith.maximumf %add3A_693, %max3A_695 : vector<16xf32>
      %swap3A_697 = arith.constant 0 : i32
      %swap3A_698 = arith.index_cast %swap3A_697 : i32 to index
      %swap3A_699 = arith.constant 64 : index
      %swap3A_700 = tpu.vector_load %arg15[%swap3A_698, %swap3A_699] {strides = array<i32>} : memref<8x128xf32, #tpu.memory_space<vmem>>, vector<16xf32>,
      tpu.vector_store %arg15[%swap3A_698, %swap3A_699], %max3A_696 {strides = array<i32>} : memref<8x128xf32, #tpu.memory_space<vmem>>, vector<16xf32>,
      %get3A_701 = arith.constant 0 : i32
      %get3A_702 = arith.index_cast %get3A_701 : i32 to index
      %get3A_703 = arith.constant 80 : index
      %get3A_704 = tpu.vector_load %arg14[%get3A_702, %get3A_703] {strides = array<i32>} : memref<8x128xf32, #tpu.memory_space<vmem>>, vector<16xf32>,
      %add3A_705 = arith.addf %scan3A_639#5, %get3A_704 : vector<16xf32>
      %max3A_706 = arith.constant 0.000000e+00 : f32
      %max3A_707 = vector.broadcast %max3A_706 : f32 to vector<16xf32>
      %max3A_708 = arith.maximumf %add3A_705, %max3A_707 : vector<16xf32>
      %swap3A_709 = arith.constant 0 : i32
      %swap3A_710 = arith.index_cast %swap3A_709 : i32 to index
      %swap3A_711 = arith.constant 80 : index
      %swap3A_712 = tpu.vector_load %arg15[%swap3A_710, %swap3A_711] {strides = array<i32>} : memref<8x128xf32, #tpu.memory_space<vmem>>, vector<16xf32>,
      tpu.vector_store %arg15[%swap3A_710, %swap3A_711], %max3A_708 {strides = array<i32>} : memref<8x128xf32, #tpu.memory_space<vmem>>, vector<16xf32>,
      %get3A_713 = arith.constant 0 : i32
      %get3A_714 = arith.index_cast %get3A_713 : i32 to index
      %get3A_715 = arith.constant 96 : index
      %get3A_716 = tpu.vector_load %arg14[%get3A_714, %get3A_715] {strides = array<i32>} : memref<8x128xf32, #tpu.memory_space<vmem>>, vector<16xf32>,
      %add3A_717 = arith.addf %scan3A_639#6, %get3A_716 : vector<16xf32>
      %max3A_718 = arith.constant 0.000000e+00 : f32
      %max3A_719 = vector.broadcast %max3A_718 : f32 to vector<16xf32>
      %max3A_720 = arith.maximumf %add3A_717, %max3A_719 : vector<16xf32>
      %swap3A_721 = arith.constant 0 : i32
      %swap3A_722 = arith.index_cast %swap3A_721 : i32 to index
      %swap3A_723 = arith.constant 96 : index
      %swap3A_724 = tpu.vector_load %arg15[%swap3A_722, %swap3A_723] {strides = array<i32>} : memref<8x128xf32, #tpu.memory_space<vmem>>, vector<16xf32>,
      tpu.vector_store %arg15[%swap3A_722, %swap3A_723], %max3A_720 {strides = array<i32>} : memref<8x128xf32, #tpu.memory_space<vmem>>, vector<16xf32>,
      %get3A_725 = arith.constant 0 : i32
      %get3A_726 = arith.index_cast %get3A_725 : i32 to index
      %get3A_727 = arith.constant 112 : index
      %get3A_728 = tpu.vector_load %arg14[%get3A_726, %get3A_727] {strides = array<i32>} : memref<8x128xf32, #tpu.memory_space<vmem>>, vector<16xf32>,
      %add3A_729 = arith.addf %scan3A_639#7, %get3A_728 : vector<16xf32>
      %max3A_730 = arith.constant 0.000000e+00 : f32
      %max3A_731 = vector.broadcast %max3A_730 : f32 to vector<16xf32>
      %max3A_732 = arith.maximumf %add3A_729, %max3A_731 : vector<16xf32>
      %swap3A_733 = arith.constant 0 : i32
      %swap3A_734 = arith.index_cast %swap3A_733 : i32 to index
      %swap3A_735 = arith.constant 112 : index
      %swap3A_736 = tpu.vector_load %arg15[%swap3A_734, %swap3A_735] {strides = array<i32>} : memref<8x128xf32, #tpu.memory_space<vmem>>, vector<16xf32>,
      tpu.vector_store %arg15[%swap3A_734, %swap3A_735], %max3A_732 {strides = array<i32>} : memref<8x128xf32, #tpu.memory_space<vmem>>, vector<16xf32>,
      %broadcast_in_dim3A_737 = arith.constant 0.000000e+00 : f32
      %broadcast_in_dim3A_738 = vector.broadcast %broadcast_in_dim3A_737 : f32 to vector<16xf32>
      %broadcast_in_dim3A_739 = arith.constant 0.000000e+00 : f32
      %broadcast_in_dim3A_740 = vector.broadcast %broadcast_in_dim3A_739 : f32 to vector<16xf32>
      %broadcast_in_dim3A_741 = arith.constant 0.000000e+00 : f32
      %broadcast_in_dim3A_742 = vector.broadcast %broadcast_in_dim3A_741 : f32 to vector<16xf32>
      %broadcast_in_dim3A_743 = arith.constant 0.000000e+00 : f32
      %broadcast_in_dim3A_744 = vector.broadcast %broadcast_in_dim3A_743 : f32 to vector<16xf32>
      %broadcast_in_dim3A_745 = arith.constant 0.000000e+00 : f32
      %broadcast_in_dim3A_746 = vector.broadcast %broadcast_in_dim3A_745 : f32 to vector<16xf32>
      %broadcast_in_dim3A_747 = arith.constant 0.000000e+00 : f32
      %broadcast_in_dim3A_748 = vector.broadcast %broadcast_in_dim3A_747 : f32 to vector<16xf32>
      %broadcast_in_dim3A_749 = arith.constant 0.000000e+00 : f32
      %broadcast_in_dim3A_750 = vector.broadcast %broadcast_in_dim3A_749 : f32 to vector<16xf32>
      %broadcast_in_dim3A_751 = arith.constant 0.000000e+00 : f32
      %broadcast_in_dim3A_752 = vector.broadcast %broadcast_in_dim3A_751 : f32 to vector<16xf32>
      %scan3A_753 = arith.constant 0 : i32
      %scan3A_754 = arith.constant 32 : i32
      %scan3A_755 = arith.addi %scan3A_753, %scan3A_754 : i32
      %scan3A_756 = arith.constant 1 : i32
      %scan3A_757:8 = scf.for %scan3A_1563 = %scan3A_753 to %scan3A_755 step %scan3A_756 iter_args(%scan3A_1564 = %broadcast_in_dim3A_738, %scan3A_1565 = %broadcast_in_dim3A_740, %scan3A_1566 = %broadcast_in_dim3A_742, %scan3A_1567 = %broadcast_in_dim3A_744, %scan3A_1568 = %broadcast_in_dim3A_746, %scan3A_1569 = %broadcast_in_dim3A_748, %scan3A_1570 = %broadcast_in_dim3A_750, %scan3A_1571 = %broadcast_in_dim3A_752) -> (vector<16xf32>, vector<16xf32>, vector<16xf32>, vector<16xf32>, vector<16xf32>, vector<16xf32>, vector<16xf32>, vector<16xf32>)  : i32 {
        %broadcast_in_dim3A_1572 = arith.constant 32 : i32
        %broadcast_in_dim3A_1573 = vector.broadcast %broadcast_in_dim3A_1572 : i32 to vector<16xi32>
        %add3A_1574 = vector.broadcast %scan3A_1563 : i32 to vector<16xi32>
        %add3A_1575 = arith.addi %broadcast_in_dim3A_1573, %add3A_1574 : vector<16xi32>
        %gather3A_1576 = tpu.vector_load_idx %arg12[%add3A_1575] : memref<256xf32, #tpu.memory_space<vmem>>[vector<16xi32>], vector<16xf32>,
        %get3A_1577 = arith.constant 1 : i32
        %get3A_1578 = arith.index_cast %get3A_1577 : i32 to index
        %get3A_1579 = arith.index_cast %scan3A_1563 : i32 to index
        %get3A_1580 = arith.constant 0 : index
        %get3A_1581 = tpu.vector_load %arg13[%get3A_1578, %get3A_1579, %get3A_1580] {strides = array<i32>} : memref<8x32x128xf32, #tpu.memory_space<vmem>>, vector<16xf32>,
        %mul3A_1582 = arith.mulf %gather3A_1576, %get3A_1581 : vector<16xf32>
        %add3A_1583 = arith.addf %scan3A_1564, %mul3A_1582 : vector<16xf32>
        %get3A_1584 = arith.constant 1 : i32
        %get3A_1585 = arith.index_cast %get3A_1584 : i32 to index
        %get3A_1586 = arith.index_cast %scan3A_1563 : i32 to index
        %get3A_1587 = arith.constant 16 : index
        %get3A_1588 = tpu.vector_load %arg13[%get3A_1585, %get3A_1586, %get3A_1587] {strides = array<i32>} : memref<8x32x128xf32, #tpu.memory_space<vmem>>, vector<16xf32>,
        %mul3A_1589 = arith.mulf %gather3A_1576, %get3A_1588 : vector<16xf32>
        %add3A_1590 = arith.addf %scan3A_1565, %mul3A_1589 : vector<16xf32>
        %get3A_1591 = arith.constant 1 : i32
        %get3A_1592 = arith.index_cast %get3A_1591 : i32 to index
        %get3A_1593 = arith.index_cast %scan3A_1563 : i32 to index
        %get3A_1594 = arith.constant 32 : index
        %get3A_1595 = tpu.vector_load %arg13[%get3A_1592, %get3A_1593, %get3A_1594] {strides = array<i32>} : memref<8x32x128xf32, #tpu.memory_space<vmem>>, vector<16xf32>,
        %mul3A_1596 = arith.mulf %gather3A_1576, %get3A_1595 : vector<16xf32>
        %add3A_1597 = arith.addf %scan3A_1566, %mul3A_1596 : vector<16xf32>
        %get3A_1598 = arith.constant 1 : i32
        %get3A_1599 = arith.index_cast %get3A_1598 : i32 to index
        %get3A_1600 = arith.index_cast %scan3A_1563 : i32 to index
        %get3A_1601 = arith.constant 48 : index
        %get3A_1602 = tpu.vector_load %arg13[%get3A_1599, %get3A_1600, %get3A_1601] {strides = array<i32>} : memref<8x32x128xf32, #tpu.memory_space<vmem>>, vector<16xf32>,
        %mul3A_1603 = arith.mulf %gather3A_1576, %get3A_1602 : vector<16xf32>
        %add3A_1604 = arith.addf %scan3A_1567, %mul3A_1603 : vector<16xf32>
        %get3A_1605 = arith.constant 1 : i32
        %get3A_1606 = arith.index_cast %get3A_1605 : i32 to index
        %get3A_1607 = arith.index_cast %scan3A_1563 : i32 to index
        %get3A_1608 = arith.constant 64 : index
        %get3A_1609 = tpu.vector_load %arg13[%get3A_1606, %get3A_1607, %get3A_1608] {strides = array<i32>} : memref<8x32x128xf32, #tpu.memory_space<vmem>>, vector<16xf32>,
        %mul3A_1610 = arith.mulf %gather3A_1576, %get3A_1609 : vector<16xf32>
        %add3A_1611 = arith.addf %scan3A_1568, %mul3A_1610 : vector<16xf32>
        %get3A_1612 = arith.constant 1 : i32
        %get3A_1613 = arith.index_cast %get3A_1612 : i32 to index
        %get3A_1614 = arith.index_cast %scan3A_1563 : i32 to index
        %get3A_1615 = arith.constant 80 : index
        %get3A_1616 = tpu.vector_load %arg13[%get3A_1613, %get3A_1614, %get3A_1615] {strides = array<i32>} : memref<8x32x128xf32, #tpu.memory_space<vmem>>, vector<16xf32>,
        %mul3A_1617 = arith.mulf %gather3A_1576, %get3A_1616 : vector<16xf32>
        %add3A_1618 = arith.addf %scan3A_1569, %mul3A_1617 : vector<16xf32>
        %get3A_1619 = arith.constant 1 : i32
        %get3A_1620 = arith.index_cast %get3A_1619 : i32 to index
        %get3A_1621 = arith.index_cast %scan3A_1563 : i32 to index
        %get3A_1622 = arith.constant 96 : index
        %get3A_1623 = tpu.vector_load %arg13[%get3A_1620, %get3A_1621, %get3A_1622] {strides = array<i32>} : memref<8x32x128xf32, #tpu.memory_space<vmem>>, vector<16xf32>,
        %mul3A_1624 = arith.mulf %gather3A_1576, %get3A_1623 : vector<16xf32>
        %add3A_1625 = arith.addf %scan3A_1570, %mul3A_1624 : vector<16xf32>
        %get3A_1626 = arith.constant 1 : i32
        %get3A_1627 = arith.index_cast %get3A_1626 : i32 to index
        %get3A_1628 = arith.index_cast %scan3A_1563 : i32 to index
        %get3A_1629 = arith.constant 112 : index
        %get3A_1630 = tpu.vector_load %arg13[%get3A_1627, %get3A_1628, %get3A_1629] {strides = array<i32>} : memref<8x32x128xf32, #tpu.memory_space<vmem>>, vector<16xf32>,
        %mul3A_1631 = arith.mulf %gather3A_1576, %get3A_1630 : vector<16xf32>
        %add3A_1632 = arith.addf %scan3A_1571, %mul3A_1631 : vector<16xf32>
        scf.yield %add3A_1583, %add3A_1590, %add3A_1597, %add3A_1604, %add3A_1611, %add3A_1618, %add3A_1625, %add3A_1632 : vector<16xf32>, vector<16xf32>, vector<16xf32>, vector<16xf32>, vector<16xf32>, vector<16xf32>, vector<16xf32>, vector<16xf32>
      }
      %scan3A_758 = arith.constant 32 : i32
      %get3A_759 = arith.constant 1 : i32
      %get3A_760 = arith.index_cast %get3A_759 : i32 to index
      %get3A_761 = arith.constant 0 : index
      %get3A_762 = tpu.vector_load %arg14[%get3A_760, %get3A_761] {strides = array<i32>} : memref<8x128xf32, #tpu.memory_space<vmem>>, vector<16xf32>,
      %add3A_763 = arith.addf %scan3A_757#0, %get3A_762 : vector<16xf32>
      %max3A_764 = arith.constant 0.000000e+00 : f32
      %max3A_765 = vector.broadcast %max3A_764 : f32 to vector<16xf32>
      %max3A_766 = arith.maximumf %add3A_763, %max3A_765 : vector<16xf32>
      %swap3A_767 = arith.constant 1 : i32
      %swap3A_768 = arith.index_cast %swap3A_767 : i32 to index
      %swap3A_769 = arith.constant 0 : index
      %swap3A_770 = tpu.vector_load %arg15[%swap3A_768, %swap3A_769] {strides = array<i32>} : memref<8x128xf32, #tpu.memory_space<vmem>>, vector<16xf32>,
      tpu.vector_store %arg15[%swap3A_768, %swap3A_769], %max3A_766 {strides = array<i32>} : memref<8x128xf32, #tpu.memory_space<vmem>>, vector<16xf32>,
      %get3A_771 = arith.constant 1 : i32
      %get3A_772 = arith.index_cast %get3A_771 : i32 to index
      %get3A_773 = arith.constant 16 : index
      %get3A_774 = tpu.vector_load %arg14[%get3A_772, %get3A_773] {strides = array<i32>} : memref<8x128xf32, #tpu.memory_space<vmem>>, vector<16xf32>,
      %add3A_775 = arith.addf %scan3A_757#1, %get3A_774 : vector<16xf32>
      %max3A_776 = arith.constant 0.000000e+00 : f32
      %max3A_777 = vector.broadcast %max3A_776 : f32 to vector<16xf32>
      %max3A_778 = arith.maximumf %add3A_775, %max3A_777 : vector<16xf32>
      %swap3A_779 = arith.constant 1 : i32
      %swap3A_780 = arith.index_cast %swap3A_779 : i32 to index
      %swap3A_781 = arith.constant 16 : index
      %swap3A_782 = tpu.vector_load %arg15[%swap3A_780, %swap3A_781] {strides = array<i32>} : memref<8x128xf32, #tpu.memory_space<vmem>>, vector<16xf32>,
      tpu.vector_store %arg15[%swap3A_780, %swap3A_781], %max3A_778 {strides = array<i32>} : memref<8x128xf32, #tpu.memory_space<vmem>>, vector<16xf32>,
      %get3A_783 = arith.constant 1 : i32
      %get3A_784 = arith.index_cast %get3A_783 : i32 to index
      %get3A_785 = arith.constant 32 : index
      %get3A_786 = tpu.vector_load %arg14[%get3A_784, %get3A_785] {strides = array<i32>} : memref<8x128xf32, #tpu.memory_space<vmem>>, vector<16xf32>,
      %add3A_787 = arith.addf %scan3A_757#2, %get3A_786 : vector<16xf32>
      %max3A_788 = arith.constant 0.000000e+00 : f32
      %max3A_789 = vector.broadcast %max3A_788 : f32 to vector<16xf32>
      %max3A_790 = arith.maximumf %add3A_787, %max3A_789 : vector<16xf32>
      %swap3A_791 = arith.constant 1 : i32
      %swap3A_792 = arith.index_cast %swap3A_791 : i32 to index
      %swap3A_793 = arith.constant 32 : index
      %swap3A_794 = tpu.vector_load %arg15[%swap3A_792, %swap3A_793] {strides = array<i32>} : memref<8x128xf32, #tpu.memory_space<vmem>>, vector<16xf32>,
      tpu.vector_store %arg15[%swap3A_792, %swap3A_793], %max3A_790 {strides = array<i32>} : memref<8x128xf32, #tpu.memory_space<vmem>>, vector<16xf32>,
      %get3A_795 = arith.constant 1 : i32
      %get3A_796 = arith.index_cast %get3A_795 : i32 to index
      %get3A_797 = arith.constant 48 : index
      %get3A_798 = tpu.vector_load %arg14[%get3A_796, %get3A_797] {strides = array<i32>} : memref<8x128xf32, #tpu.memory_space<vmem>>, vector<16xf32>,
      %add3A_799 = arith.addf %scan3A_757#3, %get3A_798 : vector<16xf32>
      %max3A_800 = arith.constant 0.000000e+00 : f32
      %max3A_801 = vector.broadcast %max3A_800 : f32 to vector<16xf32>
      %max3A_802 = arith.maximumf %add3A_799, %max3A_801 : vector<16xf32>
      %swap3A_803 = arith.constant 1 : i32
      %swap3A_804 = arith.index_cast %swap3A_803 : i32 to index
      %swap3A_805 = arith.constant 48 : index
      %swap3A_806 = tpu.vector_load %arg15[%swap3A_804, %swap3A_805] {strides = array<i32>} : memref<8x128xf32, #tpu.memory_space<vmem>>, vector<16xf32>,
      tpu.vector_store %arg15[%swap3A_804, %swap3A_805], %max3A_802 {strides = array<i32>} : memref<8x128xf32, #tpu.memory_space<vmem>>, vector<16xf32>,
      %get3A_807 = arith.constant 1 : i32
      %get3A_808 = arith.index_cast %get3A_807 : i32 to index
      %get3A_809 = arith.constant 64 : index
      %get3A_810 = tpu.vector_load %arg14[%get3A_808, %get3A_809] {strides = array<i32>} : memref<8x128xf32, #tpu.memory_space<vmem>>, vector<16xf32>,
      %add3A_811 = arith.addf %scan3A_757#4, %get3A_810 : vector<16xf32>
      %max3A_812 = arith.constant 0.000000e+00 : f32
      %max3A_813 = vector.broadcast %max3A_812 : f32 to vector<16xf32>
      %max3A_814 = arith.maximumf %add3A_811, %max3A_813 : vector<16xf32>
      %swap3A_815 = arith.constant 1 : i32
      %swap3A_816 = arith.index_cast %swap3A_815 : i32 to index
      %swap3A_817 = arith.constant 64 : index
      %swap3A_818 = tpu.vector_load %arg15[%swap3A_816, %swap3A_817] {strides = array<i32>} : memref<8x128xf32, #tpu.memory_space<vmem>>, vector<16xf32>,
      tpu.vector_store %arg15[%swap3A_816, %swap3A_817], %max3A_814 {strides = array<i32>} : memref<8x128xf32, #tpu.memory_space<vmem>>, vector<16xf32>,
      %get3A_819 = arith.constant 1 : i32
      %get3A_820 = arith.index_cast %get3A_819 : i32 to index
      %get3A_821 = arith.constant 80 : index
      %get3A_822 = tpu.vector_load %arg14[%get3A_820, %get3A_821] {strides = array<i32>} : memref<8x128xf32, #tpu.memory_space<vmem>>, vector<16xf32>,
      %add3A_823 = arith.addf %scan3A_757#5, %get3A_822 : vector<16xf32>
      %max3A_824 = arith.constant 0.000000e+00 : f32
      %max3A_825 = vector.broadcast %max3A_824 : f32 to vector<16xf32>
      %max3A_826 = arith.maximumf %add3A_823, %max3A_825 : vector<16xf32>
      %swap3A_827 = arith.constant 1 : i32
      %swap3A_828 = arith.index_cast %swap3A_827 : i32 to index
      %swap3A_829 = arith.constant 80 : index
      %swap3A_830 = tpu.vector_load %arg15[%swap3A_828, %swap3A_829] {strides = array<i32>} : memref<8x128xf32, #tpu.memory_space<vmem>>, vector<16xf32>,
      tpu.vector_store %arg15[%swap3A_828, %swap3A_829], %max3A_826 {strides = array<i32>} : memref<8x128xf32, #tpu.memory_space<vmem>>, vector<16xf32>,
      %get3A_831 = arith.constant 1 : i32
      %get3A_832 = arith.index_cast %get3A_831 : i32 to index
      %get3A_833 = arith.constant 96 : index
      %get3A_834 = tpu.vector_load %arg14[%get3A_832, %get3A_833] {strides = array<i32>} : memref<8x128xf32, #tpu.memory_space<vmem>>, vector<16xf32>,
      %add3A_835 = arith.addf %scan3A_757#6, %get3A_834 : vector<16xf32>
      %max3A_836 = arith.constant 0.000000e+00 : f32
      %max3A_837 = vector.broadcast %max3A_836 : f32 to vector<16xf32>
      %max3A_838 = arith.maximumf %add3A_835, %max3A_837 : vector<16xf32>
      %swap3A_839 = arith.constant 1 : i32
      %swap3A_840 = arith.index_cast %swap3A_839 : i32 to index
      %swap3A_841 = arith.constant 96 : index
      %swap3A_842 = tpu.vector_load %arg15[%swap3A_840, %swap3A_841] {strides = array<i32>} : memref<8x128xf32, #tpu.memory_space<vmem>>, vector<16xf32>,
      tpu.vector_store %arg15[%swap3A_840, %swap3A_841], %max3A_838 {strides = array<i32>} : memref<8x128xf32, #tpu.memory_space<vmem>>, vector<16xf32>,
      %get3A_843 = arith.constant 1 : i32
      %get3A_844 = arith.index_cast %get3A_843 : i32 to index
      %get3A_845 = arith.constant 112 : index
      %get3A_846 = tpu.vector_load %arg14[%get3A_844, %get3A_845] {strides = array<i32>} : memref<8x128xf32, #tpu.memory_space<vmem>>, vector<16xf32>,
      %add3A_847 = arith.addf %scan3A_757#7, %get3A_846 : vector<16xf32>
      %max3A_848 = arith.constant 0.000000e+00 : f32
      %max3A_849 = vector.broadcast %max3A_848 : f32 to vector<16xf32>
      %max3A_850 = arith.maximumf %add3A_847, %max3A_849 : vector<16xf32>
      %swap3A_851 = arith.constant 1 : i32
      %swap3A_852 = arith.index_cast %swap3A_851 : i32 to index
      %swap3A_853 = arith.constant 112 : index
      %swap3A_854 = tpu.vector_load %arg15[%swap3A_852, %swap3A_853] {strides = array<i32>} : memref<8x128xf32, #tpu.memory_space<vmem>>, vector<16xf32>,
      tpu.vector_store %arg15[%swap3A_852, %swap3A_853], %max3A_850 {strides = array<i32>} : memref<8x128xf32, #tpu.memory_space<vmem>>, vector<16xf32>,
      %broadcast_in_dim3A_855 = arith.constant 0.000000e+00 : f32
      %broadcast_in_dim3A_856 = vector.broadcast %broadcast_in_dim3A_855 : f32 to vector<16xf32>
      %broadcast_in_dim3A_857 = arith.constant 0.000000e+00 : f32
      %broadcast_in_dim3A_858 = vector.broadcast %broadcast_in_dim3A_857 : f32 to vector<16xf32>
      %broadcast_in_dim3A_859 = arith.constant 0.000000e+00 : f32
      %broadcast_in_dim3A_860 = vector.broadcast %broadcast_in_dim3A_859 : f32 to vector<16xf32>
      %broadcast_in_dim3A_861 = arith.constant 0.000000e+00 : f32
      %broadcast_in_dim3A_862 = vector.broadcast %broadcast_in_dim3A_861 : f32 to vector<16xf32>
      %broadcast_in_dim3A_863 = arith.constant 0.000000e+00 : f32
      %broadcast_in_dim3A_864 = vector.broadcast %broadcast_in_dim3A_863 : f32 to vector<16xf32>
      %broadcast_in_dim3A_865 = arith.constant 0.000000e+00 : f32
      %broadcast_in_dim3A_866 = vector.broadcast %broadcast_in_dim3A_865 : f32 to vector<16xf32>
      %broadcast_in_dim3A_867 = arith.constant 0.000000e+00 : f32
      %broadcast_in_dim3A_868 = vector.broadcast %broadcast_in_dim3A_867 : f32 to vector<16xf32>
      %broadcast_in_dim3A_869 = arith.constant 0.000000e+00 : f32
      %broadcast_in_dim3A_870 = vector.broadcast %broadcast_in_dim3A_869 : f32 to vector<16xf32>
      %scan3A_871 = arith.constant 0 : i32
      %scan3A_872 = arith.constant 32 : i32
      %scan3A_873 = arith.addi %scan3A_871, %scan3A_872 : i32
      %scan3A_874 = arith.constant 1 : i32
      %scan3A_875:8 = scf.for %scan3A_1563 = %scan3A_871 to %scan3A_873 step %scan3A_874 iter_args(%scan3A_1564 = %broadcast_in_dim3A_856, %scan3A_1565 = %broadcast_in_dim3A_858, %scan3A_1566 = %broadcast_in_dim3A_860, %scan3A_1567 = %broadcast_in_dim3A_862, %scan3A_1568 = %broadcast_in_dim3A_864, %scan3A_1569 = %broadcast_in_dim3A_866, %scan3A_1570 = %broadcast_in_dim3A_868, %scan3A_1571 = %broadcast_in_dim3A_870) -> (vector<16xf32>, vector<16xf32>, vector<16xf32>, vector<16xf32>, vector<16xf32>, vector<16xf32>, vector<16xf32>, vector<16xf32>)  : i32 {
        %broadcast_in_dim3A_1572 = arith.constant 64 : i32
        %broadcast_in_dim3A_1573 = vector.broadcast %broadcast_in_dim3A_1572 : i32 to vector<16xi32>
        %add3A_1574 = vector.broadcast %scan3A_1563 : i32 to vector<16xi32>
        %add3A_1575 = arith.addi %broadcast_in_dim3A_1573, %add3A_1574 : vector<16xi32>
        %gather3A_1576 = tpu.vector_load_idx %arg12[%add3A_1575] : memref<256xf32, #tpu.memory_space<vmem>>[vector<16xi32>], vector<16xf32>,
        %get3A_1577 = arith.constant 2 : i32
        %get3A_1578 = arith.index_cast %get3A_1577 : i32 to index
        %get3A_1579 = arith.index_cast %scan3A_1563 : i32 to index
        %get3A_1580 = arith.constant 0 : index
        %get3A_1581 = tpu.vector_load %arg13[%get3A_1578, %get3A_1579, %get3A_1580] {strides = array<i32>} : memref<8x32x128xf32, #tpu.memory_space<vmem>>, vector<16xf32>,
        %mul3A_1582 = arith.mulf %gather3A_1576, %get3A_1581 : vector<16xf32>
        %add3A_1583 = arith.addf %scan3A_1564, %mul3A_1582 : vector<16xf32>
        %get3A_1584 = arith.constant 2 : i32
        %get3A_1585 = arith.index_cast %get3A_1584 : i32 to index
        %get3A_1586 = arith.index_cast %scan3A_1563 : i32 to index
        %get3A_1587 = arith.constant 16 : index
        %get3A_1588 = tpu.vector_load %arg13[%get3A_1585, %get3A_1586, %get3A_1587] {strides = array<i32>} : memref<8x32x128xf32, #tpu.memory_space<vmem>>, vector<16xf32>,
        %mul3A_1589 = arith.mulf %gather3A_1576, %get3A_1588 : vector<16xf32>
        %add3A_1590 = arith.addf %scan3A_1565, %mul3A_1589 : vector<16xf32>
        %get3A_1591 = arith.constant 2 : i32
        %get3A_1592 = arith.index_cast %get3A_1591 : i32 to index
        %get3A_1593 = arith.index_cast %scan3A_1563 : i32 to index
        %get3A_1594 = arith.constant 32 : index
        %get3A_1595 = tpu.vector_load %arg13[%get3A_1592, %get3A_1593, %get3A_1594] {strides = array<i32>} : memref<8x32x128xf32, #tpu.memory_space<vmem>>, vector<16xf32>,
        %mul3A_1596 = arith.mulf %gather3A_1576, %get3A_1595 : vector<16xf32>
        %add3A_1597 = arith.addf %scan3A_1566, %mul3A_1596 : vector<16xf32>
        %get3A_1598 = arith.constant 2 : i32
        %get3A_1599 = arith.index_cast %get3A_1598 : i32 to index
        %get3A_1600 = arith.index_cast %scan3A_1563 : i32 to index
        %get3A_1601 = arith.constant 48 : index
        %get3A_1602 = tpu.vector_load %arg13[%get3A_1599, %get3A_1600, %get3A_1601] {strides = array<i32>} : memref<8x32x128xf32, #tpu.memory_space<vmem>>, vector<16xf32>,
        %mul3A_1603 = arith.mulf %gather3A_1576, %get3A_1602 : vector<16xf32>
        %add3A_1604 = arith.addf %scan3A_1567, %mul3A_1603 : vector<16xf32>
        %get3A_1605 = arith.constant 2 : i32
        %get3A_1606 = arith.index_cast %get3A_1605 : i32 to index
        %get3A_1607 = arith.index_cast %scan3A_1563 : i32 to index
        %get3A_1608 = arith.constant 64 : index
        %get3A_1609 = tpu.vector_load %arg13[%get3A_1606, %get3A_1607, %get3A_1608] {strides = array<i32>} : memref<8x32x128xf32, #tpu.memory_space<vmem>>, vector<16xf32>,
        %mul3A_1610 = arith.mulf %gather3A_1576, %get3A_1609 : vector<16xf32>
        %add3A_1611 = arith.addf %scan3A_1568, %mul3A_1610 : vector<16xf32>
        %get3A_1612 = arith.constant 2 : i32
        %get3A_1613 = arith.index_cast %get3A_1612 : i32 to index
        %get3A_1614 = arith.index_cast %scan3A_1563 : i32 to index
        %get3A_1615 = arith.constant 80 : index
        %get3A_1616 = tpu.vector_load %arg13[%get3A_1613, %get3A_1614, %get3A_1615] {strides = array<i32>} : memref<8x32x128xf32, #tpu.memory_space<vmem>>, vector<16xf32>,
        %mul3A_1617 = arith.mulf %gather3A_1576, %get3A_1616 : vector<16xf32>
        %add3A_1618 = arith.addf %scan3A_1569, %mul3A_1617 : vector<16xf32>
        %get3A_1619 = arith.constant 2 : i32
        %get3A_1620 = arith.index_cast %get3A_1619 : i32 to index
        %get3A_1621 = arith.index_cast %scan3A_1563 : i32 to index
        %get3A_1622 = arith.constant 96 : index
        %get3A_1623 = tpu.vector_load %arg13[%get3A_1620, %get3A_1621, %get3A_1622] {strides = array<i32>} : memref<8x32x128xf32, #tpu.memory_space<vmem>>, vector<16xf32>,
        %mul3A_1624 = arith.mulf %gather3A_1576, %get3A_1623 : vector<16xf32>
        %add3A_1625 = arith.addf %scan3A_1570, %mul3A_1624 : vector<16xf32>
        %get3A_1626 = arith.constant 2 : i32
        %get3A_1627 = arith.index_cast %get3A_1626 : i32 to index
        %get3A_1628 = arith.index_cast %scan3A_1563 : i32 to index
        %get3A_1629 = arith.constant 112 : index
        %get3A_1630 = tpu.vector_load %arg13[%get3A_1627, %get3A_1628, %get3A_1629] {strides = array<i32>} : memref<8x32x128xf32, #tpu.memory_space<vmem>>, vector<16xf32>,
        %mul3A_1631 = arith.mulf %gather3A_1576, %get3A_1630 : vector<16xf32>
        %add3A_1632 = arith.addf %scan3A_1571, %mul3A_1631 : vector<16xf32>
        scf.yield %add3A_1583, %add3A_1590, %add3A_1597, %add3A_1604, %add3A_1611, %add3A_1618, %add3A_1625, %add3A_1632 : vector<16xf32>, vector<16xf32>, vector<16xf32>, vector<16xf32>, vector<16xf32>, vector<16xf32>, vector<16xf32>, vector<16xf32>
      }
      %scan3A_876 = arith.constant 32 : i32
      %get3A_877 = arith.constant 2 : i32
      %get3A_878 = arith.index_cast %get3A_877 : i32 to index
      %get3A_879 = arith.constant 0 : index
      %get3A_880 = tpu.vector_load %arg14[%get3A_878, %get3A_879] {strides = array<i32>} : memref<8x128xf32, #tpu.memory_space<vmem>>, vector<16xf32>,
      %add3A_881 = arith.addf %scan3A_875#0, %get3A_880 : vector<16xf32>
      %max3A_882 = arith.constant 0.000000e+00 : f32
      %max3A_883 = vector.broadcast %max3A_882 : f32 to vector<16xf32>
      %max3A_884 = arith.maximumf %add3A_881, %max3A_883 : vector<16xf32>
      %swap3A_885 = arith.constant 2 : i32
      %swap3A_886 = arith.index_cast %swap3A_885 : i32 to index
      %swap3A_887 = arith.constant 0 : index
      %swap3A_888 = tpu.vector_load %arg15[%swap3A_886, %swap3A_887] {strides = array<i32>} : memref<8x128xf32, #tpu.memory_space<vmem>>, vector<16xf32>,
      tpu.vector_store %arg15[%swap3A_886, %swap3A_887], %max3A_884 {strides = array<i32>} : memref<8x128xf32, #tpu.memory_space<vmem>>, vector<16xf32>,
      %get3A_889 = arith.constant 2 : i32
      %get3A_890 = arith.index_cast %get3A_889 : i32 to index
      %get3A_891 = arith.constant 16 : index
      %get3A_892 = tpu.vector_load %arg14[%get3A_890, %get3A_891] {strides = array<i32>} : memref<8x128xf32, #tpu.memory_space<vmem>>, vector<16xf32>,
      %add3A_893 = arith.addf %scan3A_875#1, %get3A_892 : vector<16xf32>
      %max3A_894 = arith.constant 0.000000e+00 : f32
      %max3A_895 = vector.broadcast %max3A_894 : f32 to vector<16xf32>
      %max3A_896 = arith.maximumf %add3A_893, %max3A_895 : vector<16xf32>
      %swap3A_897 = arith.constant 2 : i32
      %swap3A_898 = arith.index_cast %swap3A_897 : i32 to index
      %swap3A_899 = arith.constant 16 : index
      %swap3A_900 = tpu.vector_load %arg15[%swap3A_898, %swap3A_899] {strides = array<i32>} : memref<8x128xf32, #tpu.memory_space<vmem>>, vector<16xf32>,
      tpu.vector_store %arg15[%swap3A_898, %swap3A_899], %max3A_896 {strides = array<i32>} : memref<8x128xf32, #tpu.memory_space<vmem>>, vector<16xf32>,
      %get3A_901 = arith.constant 2 : i32
      %get3A_902 = arith.index_cast %get3A_901 : i32 to index
      %get3A_903 = arith.constant 32 : index
      %get3A_904 = tpu.vector_load %arg14[%get3A_902, %get3A_903] {strides = array<i32>} : memref<8x128xf32, #tpu.memory_space<vmem>>, vector<16xf32>,
      %add3A_905 = arith.addf %scan3A_875#2, %get3A_904 : vector<16xf32>
      %max3A_906 = arith.constant 0.000000e+00 : f32
      %max3A_907 = vector.broadcast %max3A_906 : f32 to vector<16xf32>
      %max3A_908 = arith.maximumf %add3A_905, %max3A_907 : vector<16xf32>
      %swap3A_909 = arith.constant 2 : i32
      %swap3A_910 = arith.index_cast %swap3A_909 : i32 to index
      %swap3A_911 = arith.constant 32 : index
      %swap3A_912 = tpu.vector_load %arg15[%swap3A_910, %swap3A_911] {strides = array<i32>} : memref<8x128xf32, #tpu.memory_space<vmem>>, vector<16xf32>,
      tpu.vector_store %arg15[%swap3A_910, %swap3A_911], %max3A_908 {strides = array<i32>} : memref<8x128xf32, #tpu.memory_space<vmem>>, vector<16xf32>,
      %get3A_913 = arith.constant 2 : i32
      %get3A_914 = arith.index_cast %get3A_913 : i32 to index
      %get3A_915 = arith.constant 48 : index
      %get3A_916 = tpu.vector_load %arg14[%get3A_914, %get3A_915] {strides = array<i32>} : memref<8x128xf32, #tpu.memory_space<vmem>>, vector<16xf32>,
      %add3A_917 = arith.addf %scan3A_875#3, %get3A_916 : vector<16xf32>
      %max3A_918 = arith.constant 0.000000e+00 : f32
      %max3A_919 = vector.broadcast %max3A_918 : f32 to vector<16xf32>
      %max3A_920 = arith.maximumf %add3A_917, %max3A_919 : vector<16xf32>
      %swap3A_921 = arith.constant 2 : i32
      %swap3A_922 = arith.index_cast %swap3A_921 : i32 to index
      %swap3A_923 = arith.constant 48 : index
      %swap3A_924 = tpu.vector_load %arg15[%swap3A_922, %swap3A_923] {strides = array<i32>} : memref<8x128xf32, #tpu.memory_space<vmem>>, vector<16xf32>,
      tpu.vector_store %arg15[%swap3A_922, %swap3A_923], %max3A_920 {strides = array<i32>} : memref<8x128xf32, #tpu.memory_space<vmem>>, vector<16xf32>,
      %get3A_925 = arith.constant 2 : i32
      %get3A_926 = arith.index_cast %get3A_925 : i32 to index
      %get3A_927 = arith.constant 64 : index
      %get3A_928 = tpu.vector_load %arg14[%get3A_926, %get3A_927] {strides = array<i32>} : memref<8x128xf32, #tpu.memory_space<vmem>>, vector<16xf32>,
      %add3A_929 = arith.addf %scan3A_875#4, %get3A_928 : vector<16xf32>
      %max3A_930 = arith.constant 0.000000e+00 : f32
      %max3A_931 = vector.broadcast %max3A_930 : f32 to vector<16xf32>
      %max3A_932 = arith.maximumf %add3A_929, %max3A_931 : vector<16xf32>
      %swap3A_933 = arith.constant 2 : i32
      %swap3A_934 = arith.index_cast %swap3A_933 : i32 to index
      %swap3A_935 = arith.constant 64 : index
      %swap3A_936 = tpu.vector_load %arg15[%swap3A_934, %swap3A_935] {strides = array<i32>} : memref<8x128xf32, #tpu.memory_space<vmem>>, vector<16xf32>,
      tpu.vector_store %arg15[%swap3A_934, %swap3A_935], %max3A_932 {strides = array<i32>} : memref<8x128xf32, #tpu.memory_space<vmem>>, vector<16xf32>,
      %get3A_937 = arith.constant 2 : i32
      %get3A_938 = arith.index_cast %get3A_937 : i32 to index
      %get3A_939 = arith.constant 80 : index
      %get3A_940 = tpu.vector_load %arg14[%get3A_938, %get3A_939] {strides = array<i32>} : memref<8x128xf32, #tpu.memory_space<vmem>>, vector<16xf32>,
      %add3A_941 = arith.addf %scan3A_875#5, %get3A_940 : vector<16xf32>
      %max3A_942 = arith.constant 0.000000e+00 : f32
      %max3A_943 = vector.broadcast %max3A_942 : f32 to vector<16xf32>
      %max3A_944 = arith.maximumf %add3A_941, %max3A_943 : vector<16xf32>
      %swap3A_945 = arith.constant 2 : i32
      %swap3A_946 = arith.index_cast %swap3A_945 : i32 to index
      %swap3A_947 = arith.constant 80 : index
      %swap3A_948 = tpu.vector_load %arg15[%swap3A_946, %swap3A_947] {strides = array<i32>} : memref<8x128xf32, #tpu.memory_space<vmem>>, vector<16xf32>,
      tpu.vector_store %arg15[%swap3A_946, %swap3A_947], %max3A_944 {strides = array<i32>} : memref<8x128xf32, #tpu.memory_space<vmem>>, vector<16xf32>,
      %get3A_949 = arith.constant 2 : i32
      %get3A_950 = arith.index_cast %get3A_949 : i32 to index
      %get3A_951 = arith.constant 96 : index
      %get3A_952 = tpu.vector_load %arg14[%get3A_950, %get3A_951] {strides = array<i32>} : memref<8x128xf32, #tpu.memory_space<vmem>>, vector<16xf32>,
      %add3A_953 = arith.addf %scan3A_875#6, %get3A_952 : vector<16xf32>
      %max3A_954 = arith.constant 0.000000e+00 : f32
      %max3A_955 = vector.broadcast %max3A_954 : f32 to vector<16xf32>
      %max3A_956 = arith.maximumf %add3A_953, %max3A_955 : vector<16xf32>
      %swap3A_957 = arith.constant 2 : i32
      %swap3A_958 = arith.index_cast %swap3A_957 : i32 to index
      %swap3A_959 = arith.constant 96 : index
      %swap3A_960 = tpu.vector_load %arg15[%swap3A_958, %swap3A_959] {strides = array<i32>} : memref<8x128xf32, #tpu.memory_space<vmem>>, vector<16xf32>,
      tpu.vector_store %arg15[%swap3A_958, %swap3A_959], %max3A_956 {strides = array<i32>} : memref<8x128xf32, #tpu.memory_space<vmem>>, vector<16xf32>,
      %get3A_961 = arith.constant 2 : i32
      %get3A_962 = arith.index_cast %get3A_961 : i32 to index
      %get3A_963 = arith.constant 112 : index
      %get3A_964 = tpu.vector_load %arg14[%get3A_962, %get3A_963] {strides = array<i32>} : memref<8x128xf32, #tpu.memory_space<vmem>>, vector<16xf32>,
      %add3A_965 = arith.addf %scan3A_875#7, %get3A_964 : vector<16xf32>
      %max3A_966 = arith.constant 0.000000e+00 : f32
      %max3A_967 = vector.broadcast %max3A_966 : f32 to vector<16xf32>
      %max3A_968 = arith.maximumf %add3A_965, %max3A_967 : vector<16xf32>
      %swap3A_969 = arith.constant 2 : i32
      %swap3A_970 = arith.index_cast %swap3A_969 : i32 to index
      %swap3A_971 = arith.constant 112 : index
      %swap3A_972 = tpu.vector_load %arg15[%swap3A_970, %swap3A_971] {strides = array<i32>} : memref<8x128xf32, #tpu.memory_space<vmem>>, vector<16xf32>,
      tpu.vector_store %arg15[%swap3A_970, %swap3A_971], %max3A_968 {strides = array<i32>} : memref<8x128xf32, #tpu.memory_space<vmem>>, vector<16xf32>,
      %broadcast_in_dim3A_973 = arith.constant 0.000000e+00 : f32
      %broadcast_in_dim3A_974 = vector.broadcast %broadcast_in_dim3A_973 : f32 to vector<16xf32>
      %broadcast_in_dim3A_975 = arith.constant 0.000000e+00 : f32
      %broadcast_in_dim3A_976 = vector.broadcast %broadcast_in_dim3A_975 : f32 to vector<16xf32>
      %broadcast_in_dim3A_977 = arith.constant 0.000000e+00 : f32
      %broadcast_in_dim3A_978 = vector.broadcast %broadcast_in_dim3A_977 : f32 to vector<16xf32>
      %broadcast_in_dim3A_979 = arith.constant 0.000000e+00 : f32
      %broadcast_in_dim3A_980 = vector.broadcast %broadcast_in_dim3A_979 : f32 to vector<16xf32>
      %broadcast_in_dim3A_981 = arith.constant 0.000000e+00 : f32
      %broadcast_in_dim3A_982 = vector.broadcast %broadcast_in_dim3A_981 : f32 to vector<16xf32>
      %broadcast_in_dim3A_983 = arith.constant 0.000000e+00 : f32
      %broadcast_in_dim3A_984 = vector.broadcast %broadcast_in_dim3A_983 : f32 to vector<16xf32>
      %broadcast_in_dim3A_985 = arith.constant 0.000000e+00 : f32
      %broadcast_in_dim3A_986 = vector.broadcast %broadcast_in_dim3A_985 : f32 to vector<16xf32>
      %broadcast_in_dim3A_987 = arith.constant 0.000000e+00 : f32
      %broadcast_in_dim3A_988 = vector.broadcast %broadcast_in_dim3A_987 : f32 to vector<16xf32>
      %scan3A_989 = arith.constant 0 : i32
      %scan3A_990 = arith.constant 32 : i32
      %scan3A_991 = arith.addi %scan3A_989, %scan3A_990 : i32
      %scan3A_992 = arith.constant 1 : i32
      %scan3A_993:8 = scf.for %scan3A_1563 = %scan3A_989 to %scan3A_991 step %scan3A_992 iter_args(%scan3A_1564 = %broadcast_in_dim3A_974, %scan3A_1565 = %broadcast_in_dim3A_976, %scan3A_1566 = %broadcast_in_dim3A_978, %scan3A_1567 = %broadcast_in_dim3A_980, %scan3A_1568 = %broadcast_in_dim3A_982, %scan3A_1569 = %broadcast_in_dim3A_984, %scan3A_1570 = %broadcast_in_dim3A_986, %scan3A_1571 = %broadcast_in_dim3A_988) -> (vector<16xf32>, vector<16xf32>, vector<16xf32>, vector<16xf32>, vector<16xf32>, vector<16xf32>, vector<16xf32>, vector<16xf32>)  : i32 {
        %broadcast_in_dim3A_1572 = arith.constant 96 : i32
        %broadcast_in_dim3A_1573 = vector.broadcast %broadcast_in_dim3A_1572 : i32 to vector<16xi32>
        %add3A_1574 = vector.broadcast %scan3A_1563 : i32 to vector<16xi32>
        %add3A_1575 = arith.addi %broadcast_in_dim3A_1573, %add3A_1574 : vector<16xi32>
        %gather3A_1576 = tpu.vector_load_idx %arg12[%add3A_1575] : memref<256xf32, #tpu.memory_space<vmem>>[vector<16xi32>], vector<16xf32>,
        %get3A_1577 = arith.constant 3 : i32
        %get3A_1578 = arith.index_cast %get3A_1577 : i32 to index
        %get3A_1579 = arith.index_cast %scan3A_1563 : i32 to index
        %get3A_1580 = arith.constant 0 : index
        %get3A_1581 = tpu.vector_load %arg13[%get3A_1578, %get3A_1579, %get3A_1580] {strides = array<i32>} : memref<8x32x128xf32, #tpu.memory_space<vmem>>, vector<16xf32>,
        %mul3A_1582 = arith.mulf %gather3A_1576, %get3A_1581 : vector<16xf32>
        %add3A_1583 = arith.addf %scan3A_1564, %mul3A_1582 : vector<16xf32>
        %get3A_1584 = arith.constant 3 : i32
        %get3A_1585 = arith.index_cast %get3A_1584 : i32 to index
        %get3A_1586 = arith.index_cast %scan3A_1563 : i32 to index
        %get3A_1587 = arith.constant 16 : index
        %get3A_1588 = tpu.vector_load %arg13[%get3A_1585, %get3A_1586, %get3A_1587] {strides = array<i32>} : memref<8x32x128xf32, #tpu.memory_space<vmem>>, vector<16xf32>,
        %mul3A_1589 = arith.mulf %gather3A_1576, %get3A_1588 : vector<16xf32>
        %add3A_1590 = arith.addf %scan3A_1565, %mul3A_1589 : vector<16xf32>
        %get3A_1591 = arith.constant 3 : i32
        %get3A_1592 = arith.index_cast %get3A_1591 : i32 to index
        %get3A_1593 = arith.index_cast %scan3A_1563 : i32 to index
        %get3A_1594 = arith.constant 32 : index
        %get3A_1595 = tpu.vector_load %arg13[%get3A_1592, %get3A_1593, %get3A_1594] {strides = array<i32>} : memref<8x32x128xf32, #tpu.memory_space<vmem>>, vector<16xf32>,
        %mul3A_1596 = arith.mulf %gather3A_1576, %get3A_1595 : vector<16xf32>
        %add3A_1597 = arith.addf %scan3A_1566, %mul3A_1596 : vector<16xf32>
        %get3A_1598 = arith.constant 3 : i32
        %get3A_1599 = arith.index_cast %get3A_1598 : i32 to index
        %get3A_1600 = arith.index_cast %scan3A_1563 : i32 to index
        %get3A_1601 = arith.constant 48 : index
        %get3A_1602 = tpu.vector_load %arg13[%get3A_1599, %get3A_1600, %get3A_1601] {strides = array<i32>} : memref<8x32x128xf32, #tpu.memory_space<vmem>>, vector<16xf32>,
        %mul3A_1603 = arith.mulf %gather3A_1576, %get3A_1602 : vector<16xf32>
        %add3A_1604 = arith.addf %scan3A_1567, %mul3A_1603 : vector<16xf32>
        %get3A_1605 = arith.constant 3 : i32
        %get3A_1606 = arith.index_cast %get3A_1605 : i32 to index
        %get3A_1607 = arith.index_cast %scan3A_1563 : i32 to index
        %get3A_1608 = arith.constant 64 : index
        %get3A_1609 = tpu.vector_load %arg13[%get3A_1606, %get3A_1607, %get3A_1608] {strides = array<i32>} : memref<8x32x128xf32, #tpu.memory_space<vmem>>, vector<16xf32>,
        %mul3A_1610 = arith.mulf %gather3A_1576, %get3A_1609 : vector<16xf32>
        %add3A_1611 = arith.addf %scan3A_1568, %mul3A_1610 : vector<16xf32>
        %get3A_1612 = arith.constant 3 : i32
        %get3A_1613 = arith.index_cast %get3A_1612 : i32 to index
        %get3A_1614 = arith.index_cast %scan3A_1563 : i32 to index
        %get3A_1615 = arith.constant 80 : index
        %get3A_1616 = tpu.vector_load %arg13[%get3A_1613, %get3A_1614, %get3A_1615] {strides = array<i32>} : memref<8x32x128xf32, #tpu.memory_space<vmem>>, vector<16xf32>,
        %mul3A_1617 = arith.mulf %gather3A_1576, %get3A_1616 : vector<16xf32>
        %add3A_1618 = arith.addf %scan3A_1569, %mul3A_1617 : vector<16xf32>
        %get3A_1619 = arith.constant 3 : i32
        %get3A_1620 = arith.index_cast %get3A_1619 : i32 to index
        %get3A_1621 = arith.index_cast %scan3A_1563 : i32 to index
        %get3A_1622 = arith.constant 96 : index
        %get3A_1623 = tpu.vector_load %arg13[%get3A_1620, %get3A_1621, %get3A_1622] {strides = array<i32>} : memref<8x32x128xf32, #tpu.memory_space<vmem>>, vector<16xf32>,
        %mul3A_1624 = arith.mulf %gather3A_1576, %get3A_1623 : vector<16xf32>
        %add3A_1625 = arith.addf %scan3A_1570, %mul3A_1624 : vector<16xf32>
        %get3A_1626 = arith.constant 3 : i32
        %get3A_1627 = arith.index_cast %get3A_1626 : i32 to index
        %get3A_1628 = arith.index_cast %scan3A_1563 : i32 to index
        %get3A_1629 = arith.constant 112 : index
        %get3A_1630 = tpu.vector_load %arg13[%get3A_1627, %get3A_1628, %get3A_1629] {strides = array<i32>} : memref<8x32x128xf32, #tpu.memory_space<vmem>>, vector<16xf32>,
        %mul3A_1631 = arith.mulf %gather3A_1576, %get3A_1630 : vector<16xf32>
        %add3A_1632 = arith.addf %scan3A_1571, %mul3A_1631 : vector<16xf32>
        scf.yield %add3A_1583, %add3A_1590, %add3A_1597, %add3A_1604, %add3A_1611, %add3A_1618, %add3A_1625, %add3A_1632 : vector<16xf32>, vector<16xf32>, vector<16xf32>, vector<16xf32>, vector<16xf32>, vector<16xf32>, vector<16xf32>, vector<16xf32>
      }
      %scan3A_994 = arith.constant 32 : i32
      %get3A_995 = arith.constant 3 : i32
      %get3A_996 = arith.index_cast %get3A_995 : i32 to index
      %get3A_997 = arith.constant 0 : index
      %get3A_998 = tpu.vector_load %arg14[%get3A_996, %get3A_997] {strides = array<i32>} : memref<8x128xf32, #tpu.memory_space<vmem>>, vector<16xf32>,
      %add3A_999 = arith.addf %scan3A_993#0, %get3A_998 : vector<16xf32>
      %max3A_1000 = arith.constant 0.000000e+00 : f32
      %max3A_1001 = vector.broadcast %max3A_1000 : f32 to vector<16xf32>
      %max3A_1002 = arith.maximumf %add3A_999, %max3A_1001 : vector<16xf32>
      %swap3A_1003 = arith.constant 3 : i32
      %swap3A_1004 = arith.index_cast %swap3A_1003 : i32 to index
      %swap3A_1005 = arith.constant 0 : index
      %swap3A_1006 = tpu.vector_load %arg15[%swap3A_1004, %swap3A_1005] {strides = array<i32>} : memref<8x128xf32, #tpu.memory_space<vmem>>, vector<16xf32>,
      tpu.vector_store %arg15[%swap3A_1004, %swap3A_1005], %max3A_1002 {strides = array<i32>} : memref<8x128xf32, #tpu.memory_space<vmem>>, vector<16xf32>,
      %get3A_1007 = arith.constant 3 : i32
      %get3A_1008 = arith.index_cast %get3A_1007 : i32 to index
      %get3A_1009 = arith.constant 16 : index
      %get3A_1010 = tpu.vector_load %arg14[%get3A_1008, %get3A_1009] {strides = array<i32>} : memref<8x128xf32, #tpu.memory_space<vmem>>, vector<16xf32>,
      %add3A_1011 = arith.addf %scan3A_993#1, %get3A_1010 : vector<16xf32>
      %max3A_1012 = arith.constant 0.000000e+00 : f32
      %max3A_1013 = vector.broadcast %max3A_1012 : f32 to vector<16xf32>
      %max3A_1014 = arith.maximumf %add3A_1011, %max3A_1013 : vector<16xf32>
      %swap3A_1015 = arith.constant 3 : i32
      %swap3A_1016 = arith.index_cast %swap3A_1015 : i32 to index
      %swap3A_1017 = arith.constant 16 : index
      %swap3A_1018 = tpu.vector_load %arg15[%swap3A_1016, %swap3A_1017] {strides = array<i32>} : memref<8x128xf32, #tpu.memory_space<vmem>>, vector<16xf32>,
      tpu.vector_store %arg15[%swap3A_1016, %swap3A_1017], %max3A_1014 {strides = array<i32>} : memref<8x128xf32, #tpu.memory_space<vmem>>, vector<16xf32>,
      %get3A_1019 = arith.constant 3 : i32
      %get3A_1020 = arith.index_cast %get3A_1019 : i32 to index
      %get3A_1021 = arith.constant 32 : index
      %get3A_1022 = tpu.vector_load %arg14[%get3A_1020, %get3A_1021] {strides = array<i32>} : memref<8x128xf32, #tpu.memory_space<vmem>>, vector<16xf32>,
      %add3A_1023 = arith.addf %scan3A_993#2, %get3A_1022 : vector<16xf32>
      %max3A_1024 = arith.constant 0.000000e+00 : f32
      %max3A_1025 = vector.broadcast %max3A_1024 : f32 to vector<16xf32>
      %max3A_1026 = arith.maximumf %add3A_1023, %max3A_1025 : vector<16xf32>
      %swap3A_1027 = arith.constant 3 : i32
      %swap3A_1028 = arith.index_cast %swap3A_1027 : i32 to index
      %swap3A_1029 = arith.constant 32 : index
      %swap3A_1030 = tpu.vector_load %arg15[%swap3A_1028, %swap3A_1029] {strides = array<i32>} : memref<8x128xf32, #tpu.memory_space<vmem>>, vector<16xf32>,
      tpu.vector_store %arg15[%swap3A_1028, %swap3A_1029], %max3A_1026 {strides = array<i32>} : memref<8x128xf32, #tpu.memory_space<vmem>>, vector<16xf32>,
      %get3A_1031 = arith.constant 3 : i32
      %get3A_1032 = arith.index_cast %get3A_1031 : i32 to index
      %get3A_1033 = arith.constant 48 : index
      %get3A_1034 = tpu.vector_load %arg14[%get3A_1032, %get3A_1033] {strides = array<i32>} : memref<8x128xf32, #tpu.memory_space<vmem>>, vector<16xf32>,
      %add3A_1035 = arith.addf %scan3A_993#3, %get3A_1034 : vector<16xf32>
      %max3A_1036 = arith.constant 0.000000e+00 : f32
      %max3A_1037 = vector.broadcast %max3A_1036 : f32 to vector<16xf32>
      %max3A_1038 = arith.maximumf %add3A_1035, %max3A_1037 : vector<16xf32>
      %swap3A_1039 = arith.constant 3 : i32
      %swap3A_1040 = arith.index_cast %swap3A_1039 : i32 to index
      %swap3A_1041 = arith.constant 48 : index
      %swap3A_1042 = tpu.vector_load %arg15[%swap3A_1040, %swap3A_1041] {strides = array<i32>} : memref<8x128xf32, #tpu.memory_space<vmem>>, vector<16xf32>,
      tpu.vector_store %arg15[%swap3A_1040, %swap3A_1041], %max3A_1038 {strides = array<i32>} : memref<8x128xf32, #tpu.memory_space<vmem>>, vector<16xf32>,
      %get3A_1043 = arith.constant 3 : i32
      %get3A_1044 = arith.index_cast %get3A_1043 : i32 to index
      %get3A_1045 = arith.constant 64 : index
      %get3A_1046 = tpu.vector_load %arg14[%get3A_1044, %get3A_1045] {strides = array<i32>} : memref<8x128xf32, #tpu.memory_space<vmem>>, vector<16xf32>,
      %add3A_1047 = arith.addf %scan3A_993#4, %get3A_1046 : vector<16xf32>
      %max3A_1048 = arith.constant 0.000000e+00 : f32
      %max3A_1049 = vector.broadcast %max3A_1048 : f32 to vector<16xf32>
      %max3A_1050 = arith.maximumf %add3A_1047, %max3A_1049 : vector<16xf32>
      %swap3A_1051 = arith.constant 3 : i32
      %swap3A_1052 = arith.index_cast %swap3A_1051 : i32 to index
      %swap3A_1053 = arith.constant 64 : index
      %swap3A_1054 = tpu.vector_load %arg15[%swap3A_1052, %swap3A_1053] {strides = array<i32>} : memref<8x128xf32, #tpu.memory_space<vmem>>, vector<16xf32>,
      tpu.vector_store %arg15[%swap3A_1052, %swap3A_1053], %max3A_1050 {strides = array<i32>} : memref<8x128xf32, #tpu.memory_space<vmem>>, vector<16xf32>,
      %get3A_1055 = arith.constant 3 : i32
      %get3A_1056 = arith.index_cast %get3A_1055 : i32 to index
      %get3A_1057 = arith.constant 80 : index
      %get3A_1058 = tpu.vector_load %arg14[%get3A_1056, %get3A_1057] {strides = array<i32>} : memref<8x128xf32, #tpu.memory_space<vmem>>, vector<16xf32>,
      %add3A_1059 = arith.addf %scan3A_993#5, %get3A_1058 : vector<16xf32>
      %max3A_1060 = arith.constant 0.000000e+00 : f32
      %max3A_1061 = vector.broadcast %max3A_1060 : f32 to vector<16xf32>
      %max3A_1062 = arith.maximumf %add3A_1059, %max3A_1061 : vector<16xf32>
      %swap3A_1063 = arith.constant 3 : i32
      %swap3A_1064 = arith.index_cast %swap3A_1063 : i32 to index
      %swap3A_1065 = arith.constant 80 : index
      %swap3A_1066 = tpu.vector_load %arg15[%swap3A_1064, %swap3A_1065] {strides = array<i32>} : memref<8x128xf32, #tpu.memory_space<vmem>>, vector<16xf32>,
      tpu.vector_store %arg15[%swap3A_1064, %swap3A_1065], %max3A_1062 {strides = array<i32>} : memref<8x128xf32, #tpu.memory_space<vmem>>, vector<16xf32>,
      %get3A_1067 = arith.constant 3 : i32
      %get3A_1068 = arith.index_cast %get3A_1067 : i32 to index
      %get3A_1069 = arith.constant 96 : index
      %get3A_1070 = tpu.vector_load %arg14[%get3A_1068, %get3A_1069] {strides = array<i32>} : memref<8x128xf32, #tpu.memory_space<vmem>>, vector<16xf32>,
      %add3A_1071 = arith.addf %scan3A_993#6, %get3A_1070 : vector<16xf32>
      %max3A_1072 = arith.constant 0.000000e+00 : f32
      %max3A_1073 = vector.broadcast %max3A_1072 : f32 to vector<16xf32>
      %max3A_1074 = arith.maximumf %add3A_1071, %max3A_1073 : vector<16xf32>
      %swap3A_1075 = arith.constant 3 : i32
      %swap3A_1076 = arith.index_cast %swap3A_1075 : i32 to index
      %swap3A_1077 = arith.constant 96 : index
      %swap3A_1078 = tpu.vector_load %arg15[%swap3A_1076, %swap3A_1077] {strides = array<i32>} : memref<8x128xf32, #tpu.memory_space<vmem>>, vector<16xf32>,
      tpu.vector_store %arg15[%swap3A_1076, %swap3A_1077], %max3A_1074 {strides = array<i32>} : memref<8x128xf32, #tpu.memory_space<vmem>>, vector<16xf32>,
      %get3A_1079 = arith.constant 3 : i32
      %get3A_1080 = arith.index_cast %get3A_1079 : i32 to index
      %get3A_1081 = arith.constant 112 : index
      %get3A_1082 = tpu.vector_load %arg14[%get3A_1080, %get3A_1081] {strides = array<i32>} : memref<8x128xf32, #tpu.memory_space<vmem>>, vector<16xf32>,
      %add3A_1083 = arith.addf %scan3A_993#7, %get3A_1082 : vector<16xf32>
      %max3A_1084 = arith.constant 0.000000e+00 : f32
      %max3A_1085 = vector.broadcast %max3A_1084 : f32 to vector<16xf32>
      %max3A_1086 = arith.maximumf %add3A_1083, %max3A_1085 : vector<16xf32>
      %swap3A_1087 = arith.constant 3 : i32
      %swap3A_1088 = arith.index_cast %swap3A_1087 : i32 to index
      %swap3A_1089 = arith.constant 112 : index
      %swap3A_1090 = tpu.vector_load %arg15[%swap3A_1088, %swap3A_1089] {strides = array<i32>} : memref<8x128xf32, #tpu.memory_space<vmem>>, vector<16xf32>,
      tpu.vector_store %arg15[%swap3A_1088, %swap3A_1089], %max3A_1086 {strides = array<i32>} : memref<8x128xf32, #tpu.memory_space<vmem>>, vector<16xf32>,
      %broadcast_in_dim3A_1091 = arith.constant 0.000000e+00 : f32
      %broadcast_in_dim3A_1092 = vector.broadcast %broadcast_in_dim3A_1091 : f32 to vector<16xf32>
      %broadcast_in_dim3A_1093 = arith.constant 0.000000e+00 : f32
      %broadcast_in_dim3A_1094 = vector.broadcast %broadcast_in_dim3A_1093 : f32 to vector<16xf32>
      %broadcast_in_dim3A_1095 = arith.constant 0.000000e+00 : f32
      %broadcast_in_dim3A_1096 = vector.broadcast %broadcast_in_dim3A_1095 : f32 to vector<16xf32>
      %broadcast_in_dim3A_1097 = arith.constant 0.000000e+00 : f32
      %broadcast_in_dim3A_1098 = vector.broadcast %broadcast_in_dim3A_1097 : f32 to vector<16xf32>
      %broadcast_in_dim3A_1099 = arith.constant 0.000000e+00 : f32
      %broadcast_in_dim3A_1100 = vector.broadcast %broadcast_in_dim3A_1099 : f32 to vector<16xf32>
      %broadcast_in_dim3A_1101 = arith.constant 0.000000e+00 : f32
      %broadcast_in_dim3A_1102 = vector.broadcast %broadcast_in_dim3A_1101 : f32 to vector<16xf32>
      %broadcast_in_dim3A_1103 = arith.constant 0.000000e+00 : f32
      %broadcast_in_dim3A_1104 = vector.broadcast %broadcast_in_dim3A_1103 : f32 to vector<16xf32>
      %broadcast_in_dim3A_1105 = arith.constant 0.000000e+00 : f32
      %broadcast_in_dim3A_1106 = vector.broadcast %broadcast_in_dim3A_1105 : f32 to vector<16xf32>
      %scan3A_1107 = arith.constant 0 : i32
      %scan3A_1108 = arith.constant 32 : i32
      %scan3A_1109 = arith.addi %scan3A_1107, %scan3A_1108 : i32
      %scan3A_1110 = arith.constant 1 : i32
      %scan3A_1111:8 = scf.for %scan3A_1563 = %scan3A_1107 to %scan3A_1109 step %scan3A_1110 iter_args(%scan3A_1564 = %broadcast_in_dim3A_1092, %scan3A_1565 = %broadcast_in_dim3A_1094, %scan3A_1566 = %broadcast_in_dim3A_1096, %scan3A_1567 = %broadcast_in_dim3A_1098, %scan3A_1568 = %broadcast_in_dim3A_1100, %scan3A_1569 = %broadcast_in_dim3A_1102, %scan3A_1570 = %broadcast_in_dim3A_1104, %scan3A_1571 = %broadcast_in_dim3A_1106) -> (vector<16xf32>, vector<16xf32>, vector<16xf32>, vector<16xf32>, vector<16xf32>, vector<16xf32>, vector<16xf32>, vector<16xf32>)  : i32 {
        %broadcast_in_dim3A_1572 = arith.constant 128 : i32
        %broadcast_in_dim3A_1573 = vector.broadcast %broadcast_in_dim3A_1572 : i32 to vector<16xi32>
        %add3A_1574 = vector.broadcast %scan3A_1563 : i32 to vector<16xi32>
        %add3A_1575 = arith.addi %broadcast_in_dim3A_1573, %add3A_1574 : vector<16xi32>
        %gather3A_1576 = tpu.vector_load_idx %arg12[%add3A_1575] : memref<256xf32, #tpu.memory_space<vmem>>[vector<16xi32>], vector<16xf32>,
        %get3A_1577 = arith.constant 4 : i32
        %get3A_1578 = arith.index_cast %get3A_1577 : i32 to index
        %get3A_1579 = arith.index_cast %scan3A_1563 : i32 to index
        %get3A_1580 = arith.constant 0 : index
        %get3A_1581 = tpu.vector_load %arg13[%get3A_1578, %get3A_1579, %get3A_1580] {strides = array<i32>} : memref<8x32x128xf32, #tpu.memory_space<vmem>>, vector<16xf32>,
        %mul3A_1582 = arith.mulf %gather3A_1576, %get3A_1581 : vector<16xf32>
        %add3A_1583 = arith.addf %scan3A_1564, %mul3A_1582 : vector<16xf32>
        %get3A_1584 = arith.constant 4 : i32
        %get3A_1585 = arith.index_cast %get3A_1584 : i32 to index
        %get3A_1586 = arith.index_cast %scan3A_1563 : i32 to index
        %get3A_1587 = arith.constant 16 : index
        %get3A_1588 = tpu.vector_load %arg13[%get3A_1585, %get3A_1586, %get3A_1587] {strides = array<i32>} : memref<8x32x128xf32, #tpu.memory_space<vmem>>, vector<16xf32>,
        %mul3A_1589 = arith.mulf %gather3A_1576, %get3A_1588 : vector<16xf32>
        %add3A_1590 = arith.addf %scan3A_1565, %mul3A_1589 : vector<16xf32>
        %get3A_1591 = arith.constant 4 : i32
        %get3A_1592 = arith.index_cast %get3A_1591 : i32 to index
        %get3A_1593 = arith.index_cast %scan3A_1563 : i32 to index
        %get3A_1594 = arith.constant 32 : index
        %get3A_1595 = tpu.vector_load %arg13[%get3A_1592, %get3A_1593, %get3A_1594] {strides = array<i32>} : memref<8x32x128xf32, #tpu.memory_space<vmem>>, vector<16xf32>,
        %mul3A_1596 = arith.mulf %gather3A_1576, %get3A_1595 : vector<16xf32>
        %add3A_1597 = arith.addf %scan3A_1566, %mul3A_1596 : vector<16xf32>
        %get3A_1598 = arith.constant 4 : i32
        %get3A_1599 = arith.index_cast %get3A_1598 : i32 to index
        %get3A_1600 = arith.index_cast %scan3A_1563 : i32 to index
        %get3A_1601 = arith.constant 48 : index
        %get3A_1602 = tpu.vector_load %arg13[%get3A_1599, %get3A_1600, %get3A_1601] {strides = array<i32>} : memref<8x32x128xf32, #tpu.memory_space<vmem>>, vector<16xf32>,
        %mul3A_1603 = arith.mulf %gather3A_1576, %get3A_1602 : vector<16xf32>
        %add3A_1604 = arith.addf %scan3A_1567, %mul3A_1603 : vector<16xf32>
        %get3A_1605 = arith.constant 4 : i32
        %get3A_1606 = arith.index_cast %get3A_1605 : i32 to index
        %get3A_1607 = arith.index_cast %scan3A_1563 : i32 to index
        %get3A_1608 = arith.constant 64 : index
        %get3A_1609 = tpu.vector_load %arg13[%get3A_1606, %get3A_1607, %get3A_1608] {strides = array<i32>} : memref<8x32x128xf32, #tpu.memory_space<vmem>>, vector<16xf32>,
        %mul3A_1610 = arith.mulf %gather3A_1576, %get3A_1609 : vector<16xf32>
        %add3A_1611 = arith.addf %scan3A_1568, %mul3A_1610 : vector<16xf32>
        %get3A_1612 = arith.constant 4 : i32
        %get3A_1613 = arith.index_cast %get3A_1612 : i32 to index
        %get3A_1614 = arith.index_cast %scan3A_1563 : i32 to index
        %get3A_1615 = arith.constant 80 : index
        %get3A_1616 = tpu.vector_load %arg13[%get3A_1613, %get3A_1614, %get3A_1615] {strides = array<i32>} : memref<8x32x128xf32, #tpu.memory_space<vmem>>, vector<16xf32>,
        %mul3A_1617 = arith.mulf %gather3A_1576, %get3A_1616 : vector<16xf32>
        %add3A_1618 = arith.addf %scan3A_1569, %mul3A_1617 : vector<16xf32>
        %get3A_1619 = arith.constant 4 : i32
        %get3A_1620 = arith.index_cast %get3A_1619 : i32 to index
        %get3A_1621 = arith.index_cast %scan3A_1563 : i32 to index
        %get3A_1622 = arith.constant 96 : index
        %get3A_1623 = tpu.vector_load %arg13[%get3A_1620, %get3A_1621, %get3A_1622] {strides = array<i32>} : memref<8x32x128xf32, #tpu.memory_space<vmem>>, vector<16xf32>,
        %mul3A_1624 = arith.mulf %gather3A_1576, %get3A_1623 : vector<16xf32>
        %add3A_1625 = arith.addf %scan3A_1570, %mul3A_1624 : vector<16xf32>
        %get3A_1626 = arith.constant 4 : i32
        %get3A_1627 = arith.index_cast %get3A_1626 : i32 to index
        %get3A_1628 = arith.index_cast %scan3A_1563 : i32 to index
        %get3A_1629 = arith.constant 112 : index
        %get3A_1630 = tpu.vector_load %arg13[%get3A_1627, %get3A_1628, %get3A_1629] {strides = array<i32>} : memref<8x32x128xf32, #tpu.memory_space<vmem>>, vector<16xf32>,
        %mul3A_1631 = arith.mulf %gather3A_1576, %get3A_1630 : vector<16xf32>
        %add3A_1632 = arith.addf %scan3A_1571, %mul3A_1631 : vector<16xf32>
        scf.yield %add3A_1583, %add3A_1590, %add3A_1597, %add3A_1604, %add3A_1611, %add3A_1618, %add3A_1625, %add3A_1632 : vector<16xf32>, vector<16xf32>, vector<16xf32>, vector<16xf32>, vector<16xf32>, vector<16xf32>, vector<16xf32>, vector<16xf32>
      }
      %scan3A_1112 = arith.constant 32 : i32
      %get3A_1113 = arith.constant 4 : i32
      %get3A_1114 = arith.index_cast %get3A_1113 : i32 to index
      %get3A_1115 = arith.constant 0 : index
      %get3A_1116 = tpu.vector_load %arg14[%get3A_1114, %get3A_1115] {strides = array<i32>} : memref<8x128xf32, #tpu.memory_space<vmem>>, vector<16xf32>,
      %add3A_1117 = arith.addf %scan3A_1111#0, %get3A_1116 : vector<16xf32>
      %max3A_1118 = arith.constant 0.000000e+00 : f32
      %max3A_1119 = vector.broadcast %max3A_1118 : f32 to vector<16xf32>
      %max3A_1120 = arith.maximumf %add3A_1117, %max3A_1119 : vector<16xf32>
      %swap3A_1121 = arith.constant 4 : i32
      %swap3A_1122 = arith.index_cast %swap3A_1121 : i32 to index
      %swap3A_1123 = arith.constant 0 : index
      %swap3A_1124 = tpu.vector_load %arg15[%swap3A_1122, %swap3A_1123] {strides = array<i32>} : memref<8x128xf32, #tpu.memory_space<vmem>>, vector<16xf32>,
      tpu.vector_store %arg15[%swap3A_1122, %swap3A_1123], %max3A_1120 {strides = array<i32>} : memref<8x128xf32, #tpu.memory_space<vmem>>, vector<16xf32>,
      %get3A_1125 = arith.constant 4 : i32
      %get3A_1126 = arith.index_cast %get3A_1125 : i32 to index
      %get3A_1127 = arith.constant 16 : index
      %get3A_1128 = tpu.vector_load %arg14[%get3A_1126, %get3A_1127] {strides = array<i32>} : memref<8x128xf32, #tpu.memory_space<vmem>>, vector<16xf32>,
      %add3A_1129 = arith.addf %scan3A_1111#1, %get3A_1128 : vector<16xf32>
      %max3A_1130 = arith.constant 0.000000e+00 : f32
      %max3A_1131 = vector.broadcast %max3A_1130 : f32 to vector<16xf32>
      %max3A_1132 = arith.maximumf %add3A_1129, %max3A_1131 : vector<16xf32>
      %swap3A_1133 = arith.constant 4 : i32
      %swap3A_1134 = arith.index_cast %swap3A_1133 : i32 to index
      %swap3A_1135 = arith.constant 16 : index
      %swap3A_1136 = tpu.vector_load %arg15[%swap3A_1134, %swap3A_1135] {strides = array<i32>} : memref<8x128xf32, #tpu.memory_space<vmem>>, vector<16xf32>,
      tpu.vector_store %arg15[%swap3A_1134, %swap3A_1135], %max3A_1132 {strides = array<i32>} : memref<8x128xf32, #tpu.memory_space<vmem>>, vector<16xf32>,
      %get3A_1137 = arith.constant 4 : i32
      %get3A_1138 = arith.index_cast %get3A_1137 : i32 to index
      %get3A_1139 = arith.constant 32 : index
      %get3A_1140 = tpu.vector_load %arg14[%get3A_1138, %get3A_1139] {strides = array<i32>} : memref<8x128xf32, #tpu.memory_space<vmem>>, vector<16xf32>,
      %add3A_1141 = arith.addf %scan3A_1111#2, %get3A_1140 : vector<16xf32>
      %max3A_1142 = arith.constant 0.000000e+00 : f32
      %max3A_1143 = vector.broadcast %max3A_1142 : f32 to vector<16xf32>
      %max3A_1144 = arith.maximumf %add3A_1141, %max3A_1143 : vector<16xf32>
      %swap3A_1145 = arith.constant 4 : i32
      %swap3A_1146 = arith.index_cast %swap3A_1145 : i32 to index
      %swap3A_1147 = arith.constant 32 : index
      %swap3A_1148 = tpu.vector_load %arg15[%swap3A_1146, %swap3A_1147] {strides = array<i32>} : memref<8x128xf32, #tpu.memory_space<vmem>>, vector<16xf32>,
      tpu.vector_store %arg15[%swap3A_1146, %swap3A_1147], %max3A_1144 {strides = array<i32>} : memref<8x128xf32, #tpu.memory_space<vmem>>, vector<16xf32>,
      %get3A_1149 = arith.constant 4 : i32
      %get3A_1150 = arith.index_cast %get3A_1149 : i32 to index
      %get3A_1151 = arith.constant 48 : index
      %get3A_1152 = tpu.vector_load %arg14[%get3A_1150, %get3A_1151] {strides = array<i32>} : memref<8x128xf32, #tpu.memory_space<vmem>>, vector<16xf32>,
      %add3A_1153 = arith.addf %scan3A_1111#3, %get3A_1152 : vector<16xf32>
      %max3A_1154 = arith.constant 0.000000e+00 : f32
      %max3A_1155 = vector.broadcast %max3A_1154 : f32 to vector<16xf32>
      %max3A_1156 = arith.maximumf %add3A_1153, %max3A_1155 : vector<16xf32>
      %swap3A_1157 = arith.constant 4 : i32
      %swap3A_1158 = arith.index_cast %swap3A_1157 : i32 to index
      %swap3A_1159 = arith.constant 48 : index
      %swap3A_1160 = tpu.vector_load %arg15[%swap3A_1158, %swap3A_1159] {strides = array<i32>} : memref<8x128xf32, #tpu.memory_space<vmem>>, vector<16xf32>,
      tpu.vector_store %arg15[%swap3A_1158, %swap3A_1159], %max3A_1156 {strides = array<i32>} : memref<8x128xf32, #tpu.memory_space<vmem>>, vector<16xf32>,
      %get3A_1161 = arith.constant 4 : i32
      %get3A_1162 = arith.index_cast %get3A_1161 : i32 to index
      %get3A_1163 = arith.constant 64 : index
      %get3A_1164 = tpu.vector_load %arg14[%get3A_1162, %get3A_1163] {strides = array<i32>} : memref<8x128xf32, #tpu.memory_space<vmem>>, vector<16xf32>,
      %add3A_1165 = arith.addf %scan3A_1111#4, %get3A_1164 : vector<16xf32>
      %max3A_1166 = arith.constant 0.000000e+00 : f32
      %max3A_1167 = vector.broadcast %max3A_1166 : f32 to vector<16xf32>
      %max3A_1168 = arith.maximumf %add3A_1165, %max3A_1167 : vector<16xf32>
      %swap3A_1169 = arith.constant 4 : i32
      %swap3A_1170 = arith.index_cast %swap3A_1169 : i32 to index
      %swap3A_1171 = arith.constant 64 : index
      %swap3A_1172 = tpu.vector_load %arg15[%swap3A_1170, %swap3A_1171] {strides = array<i32>} : memref<8x128xf32, #tpu.memory_space<vmem>>, vector<16xf32>,
      tpu.vector_store %arg15[%swap3A_1170, %swap3A_1171], %max3A_1168 {strides = array<i32>} : memref<8x128xf32, #tpu.memory_space<vmem>>, vector<16xf32>,
      %get3A_1173 = arith.constant 4 : i32
      %get3A_1174 = arith.index_cast %get3A_1173 : i32 to index
      %get3A_1175 = arith.constant 80 : index
      %get3A_1176 = tpu.vector_load %arg14[%get3A_1174, %get3A_1175] {strides = array<i32>} : memref<8x128xf32, #tpu.memory_space<vmem>>, vector<16xf32>,
      %add3A_1177 = arith.addf %scan3A_1111#5, %get3A_1176 : vector<16xf32>
      %max3A_1178 = arith.constant 0.000000e+00 : f32
      %max3A_1179 = vector.broadcast %max3A_1178 : f32 to vector<16xf32>
      %max3A_1180 = arith.maximumf %add3A_1177, %max3A_1179 : vector<16xf32>
      %swap3A_1181 = arith.constant 4 : i32
      %swap3A_1182 = arith.index_cast %swap3A_1181 : i32 to index
      %swap3A_1183 = arith.constant 80 : index
      %swap3A_1184 = tpu.vector_load %arg15[%swap3A_1182, %swap3A_1183] {strides = array<i32>} : memref<8x128xf32, #tpu.memory_space<vmem>>, vector<16xf32>,
      tpu.vector_store %arg15[%swap3A_1182, %swap3A_1183], %max3A_1180 {strides = array<i32>} : memref<8x128xf32, #tpu.memory_space<vmem>>, vector<16xf32>,
      %get3A_1185 = arith.constant 4 : i32
      %get3A_1186 = arith.index_cast %get3A_1185 : i32 to index
      %get3A_1187 = arith.constant 96 : index
      %get3A_1188 = tpu.vector_load %arg14[%get3A_1186, %get3A_1187] {strides = array<i32>} : memref<8x128xf32, #tpu.memory_space<vmem>>, vector<16xf32>,
      %add3A_1189 = arith.addf %scan3A_1111#6, %get3A_1188 : vector<16xf32>
      %max3A_1190 = arith.constant 0.000000e+00 : f32
      %max3A_1191 = vector.broadcast %max3A_1190 : f32 to vector<16xf32>
      %max3A_1192 = arith.maximumf %add3A_1189, %max3A_1191 : vector<16xf32>
      %swap3A_1193 = arith.constant 4 : i32
      %swap3A_1194 = arith.index_cast %swap3A_1193 : i32 to index
      %swap3A_1195 = arith.constant 96 : index
      %swap3A_1196 = tpu.vector_load %arg15[%swap3A_1194, %swap3A_1195] {strides = array<i32>} : memref<8x128xf32, #tpu.memory_space<vmem>>, vector<16xf32>,
      tpu.vector_store %arg15[%swap3A_1194, %swap3A_1195], %max3A_1192 {strides = array<i32>} : memref<8x128xf32, #tpu.memory_space<vmem>>, vector<16xf32>,
      %get3A_1197 = arith.constant 4 : i32
      %get3A_1198 = arith.index_cast %get3A_1197 : i32 to index
      %get3A_1199 = arith.constant 112 : index
      %get3A_1200 = tpu.vector_load %arg14[%get3A_1198, %get3A_1199] {strides = array<i32>} : memref<8x128xf32, #tpu.memory_space<vmem>>, vector<16xf32>,
      %add3A_1201 = arith.addf %scan3A_1111#7, %get3A_1200 : vector<16xf32>
      %max3A_1202 = arith.constant 0.000000e+00 : f32
      %max3A_1203 = vector.broadcast %max3A_1202 : f32 to vector<16xf32>
      %max3A_1204 = arith.maximumf %add3A_1201, %max3A_1203 : vector<16xf32>
      %swap3A_1205 = arith.constant 4 : i32
      %swap3A_1206 = arith.index_cast %swap3A_1205 : i32 to index
      %swap3A_1207 = arith.constant 112 : index
      %swap3A_1208 = tpu.vector_load %arg15[%swap3A_1206, %swap3A_1207] {strides = array<i32>} : memref<8x128xf32, #tpu.memory_space<vmem>>, vector<16xf32>,
      tpu.vector_store %arg15[%swap3A_1206, %swap3A_1207], %max3A_1204 {strides = array<i32>} : memref<8x128xf32, #tpu.memory_space<vmem>>, vector<16xf32>,
      %broadcast_in_dim3A_1209 = arith.constant 0.000000e+00 : f32
      %broadcast_in_dim3A_1210 = vector.broadcast %broadcast_in_dim3A_1209 : f32 to vector<16xf32>
      %broadcast_in_dim3A_1211 = arith.constant 0.000000e+00 : f32
      %broadcast_in_dim3A_1212 = vector.broadcast %broadcast_in_dim3A_1211 : f32 to vector<16xf32>
      %broadcast_in_dim3A_1213 = arith.constant 0.000000e+00 : f32
      %broadcast_in_dim3A_1214 = vector.broadcast %broadcast_in_dim3A_1213 : f32 to vector<16xf32>
      %broadcast_in_dim3A_1215 = arith.constant 0.000000e+00 : f32
      %broadcast_in_dim3A_1216 = vector.broadcast %broadcast_in_dim3A_1215 : f32 to vector<16xf32>
      %broadcast_in_dim3A_1217 = arith.constant 0.000000e+00 : f32
      %broadcast_in_dim3A_1218 = vector.broadcast %broadcast_in_dim3A_1217 : f32 to vector<16xf32>
      %broadcast_in_dim3A_1219 = arith.constant 0.000000e+00 : f32
      %broadcast_in_dim3A_1220 = vector.broadcast %broadcast_in_dim3A_1219 : f32 to vector<16xf32>
      %broadcast_in_dim3A_1221 = arith.constant 0.000000e+00 : f32
      %broadcast_in_dim3A_1222 = vector.broadcast %broadcast_in_dim3A_1221 : f32 to vector<16xf32>
      %broadcast_in_dim3A_1223 = arith.constant 0.000000e+00 : f32
      %broadcast_in_dim3A_1224 = vector.broadcast %broadcast_in_dim3A_1223 : f32 to vector<16xf32>
      %scan3A_1225 = arith.constant 0 : i32
      %scan3A_1226 = arith.constant 32 : i32
      %scan3A_1227 = arith.addi %scan3A_1225, %scan3A_1226 : i32
      %scan3A_1228 = arith.constant 1 : i32
      %scan3A_1229:8 = scf.for %scan3A_1563 = %scan3A_1225 to %scan3A_1227 step %scan3A_1228 iter_args(%scan3A_1564 = %broadcast_in_dim3A_1210, %scan3A_1565 = %broadcast_in_dim3A_1212, %scan3A_1566 = %broadcast_in_dim3A_1214, %scan3A_1567 = %broadcast_in_dim3A_1216, %scan3A_1568 = %broadcast_in_dim3A_1218, %scan3A_1569 = %broadcast_in_dim3A_1220, %scan3A_1570 = %broadcast_in_dim3A_1222, %scan3A_1571 = %broadcast_in_dim3A_1224) -> (vector<16xf32>, vector<16xf32>, vector<16xf32>, vector<16xf32>, vector<16xf32>, vector<16xf32>, vector<16xf32>, vector<16xf32>)  : i32 {
        %broadcast_in_dim3A_1572 = arith.constant 160 : i32
        %broadcast_in_dim3A_1573 = vector.broadcast %broadcast_in_dim3A_1572 : i32 to vector<16xi32>
        %add3A_1574 = vector.broadcast %scan3A_1563 : i32 to vector<16xi32>
        %add3A_1575 = arith.addi %broadcast_in_dim3A_1573, %add3A_1574 : vector<16xi32>
        %gather3A_1576 = tpu.vector_load_idx %arg12[%add3A_1575] : memref<256xf32, #tpu.memory_space<vmem>>[vector<16xi32>], vector<16xf32>,
        %get3A_1577 = arith.constant 5 : i32
        %get3A_1578 = arith.index_cast %get3A_1577 : i32 to index
        %get3A_1579 = arith.index_cast %scan3A_1563 : i32 to index
        %get3A_1580 = arith.constant 0 : index
        %get3A_1581 = tpu.vector_load %arg13[%get3A_1578, %get3A_1579, %get3A_1580] {strides = array<i32>} : memref<8x32x128xf32, #tpu.memory_space<vmem>>, vector<16xf32>,
        %mul3A_1582 = arith.mulf %gather3A_1576, %get3A_1581 : vector<16xf32>
        %add3A_1583 = arith.addf %scan3A_1564, %mul3A_1582 : vector<16xf32>
        %get3A_1584 = arith.constant 5 : i32
        %get3A_1585 = arith.index_cast %get3A_1584 : i32 to index
        %get3A_1586 = arith.index_cast %scan3A_1563 : i32 to index
        %get3A_1587 = arith.constant 16 : index
        %get3A_1588 = tpu.vector_load %arg13[%get3A_1585, %get3A_1586, %get3A_1587] {strides = array<i32>} : memref<8x32x128xf32, #tpu.memory_space<vmem>>, vector<16xf32>,
        %mul3A_1589 = arith.mulf %gather3A_1576, %get3A_1588 : vector<16xf32>
        %add3A_1590 = arith.addf %scan3A_1565, %mul3A_1589 : vector<16xf32>
        %get3A_1591 = arith.constant 5 : i32
        %get3A_1592 = arith.index_cast %get3A_1591 : i32 to index
        %get3A_1593 = arith.index_cast %scan3A_1563 : i32 to index
        %get3A_1594 = arith.constant 32 : index
        %get3A_1595 = tpu.vector_load %arg13[%get3A_1592, %get3A_1593, %get3A_1594] {strides = array<i32>} : memref<8x32x128xf32, #tpu.memory_space<vmem>>, vector<16xf32>,
        %mul3A_1596 = arith.mulf %gather3A_1576, %get3A_1595 : vector<16xf32>
        %add3A_1597 = arith.addf %scan3A_1566, %mul3A_1596 : vector<16xf32>
        %get3A_1598 = arith.constant 5 : i32
        %get3A_1599 = arith.index_cast %get3A_1598 : i32 to index
        %get3A_1600 = arith.index_cast %scan3A_1563 : i32 to index
        %get3A_1601 = arith.constant 48 : index
        %get3A_1602 = tpu.vector_load %arg13[%get3A_1599, %get3A_1600, %get3A_1601] {strides = array<i32>} : memref<8x32x128xf32, #tpu.memory_space<vmem>>, vector<16xf32>,
        %mul3A_1603 = arith.mulf %gather3A_1576, %get3A_1602 : vector<16xf32>
        %add3A_1604 = arith.addf %scan3A_1567, %mul3A_1603 : vector<16xf32>
        %get3A_1605 = arith.constant 5 : i32
        %get3A_1606 = arith.index_cast %get3A_1605 : i32 to index
        %get3A_1607 = arith.index_cast %scan3A_1563 : i32 to index
        %get3A_1608 = arith.constant 64 : index
        %get3A_1609 = tpu.vector_load %arg13[%get3A_1606, %get3A_1607, %get3A_1608] {strides = array<i32>} : memref<8x32x128xf32, #tpu.memory_space<vmem>>, vector<16xf32>,
        %mul3A_1610 = arith.mulf %gather3A_1576, %get3A_1609 : vector<16xf32>
        %add3A_1611 = arith.addf %scan3A_1568, %mul3A_1610 : vector<16xf32>
        %get3A_1612 = arith.constant 5 : i32
        %get3A_1613 = arith.index_cast %get3A_1612 : i32 to index
        %get3A_1614 = arith.index_cast %scan3A_1563 : i32 to index
        %get3A_1615 = arith.constant 80 : index
        %get3A_1616 = tpu.vector_load %arg13[%get3A_1613, %get3A_1614, %get3A_1615] {strides = array<i32>} : memref<8x32x128xf32, #tpu.memory_space<vmem>>, vector<16xf32>,
        %mul3A_1617 = arith.mulf %gather3A_1576, %get3A_1616 : vector<16xf32>
        %add3A_1618 = arith.addf %scan3A_1569, %mul3A_1617 : vector<16xf32>
        %get3A_1619 = arith.constant 5 : i32
        %get3A_1620 = arith.index_cast %get3A_1619 : i32 to index
        %get3A_1621 = arith.index_cast %scan3A_1563 : i32 to index
        %get3A_1622 = arith.constant 96 : index
        %get3A_1623 = tpu.vector_load %arg13[%get3A_1620, %get3A_1621, %get3A_1622] {strides = array<i32>} : memref<8x32x128xf32, #tpu.memory_space<vmem>>, vector<16xf32>,
        %mul3A_1624 = arith.mulf %gather3A_1576, %get3A_1623 : vector<16xf32>
        %add3A_1625 = arith.addf %scan3A_1570, %mul3A_1624 : vector<16xf32>
        %get3A_1626 = arith.constant 5 : i32
        %get3A_1627 = arith.index_cast %get3A_1626 : i32 to index
        %get3A_1628 = arith.index_cast %scan3A_1563 : i32 to index
        %get3A_1629 = arith.constant 112 : index
        %get3A_1630 = tpu.vector_load %arg13[%get3A_1627, %get3A_1628, %get3A_1629] {strides = array<i32>} : memref<8x32x128xf32, #tpu.memory_space<vmem>>, vector<16xf32>,
        %mul3A_1631 = arith.mulf %gather3A_1576, %get3A_1630 : vector<16xf32>
        %add3A_1632 = arith.addf %scan3A_1571, %mul3A_1631 : vector<16xf32>
        scf.yield %add3A_1583, %add3A_1590, %add3A_1597, %add3A_1604, %add3A_1611, %add3A_1618, %add3A_1625, %add3A_1632 : vector<16xf32>, vector<16xf32>, vector<16xf32>, vector<16xf32>, vector<16xf32>, vector<16xf32>, vector<16xf32>, vector<16xf32>
      }
      %scan3A_1230 = arith.constant 32 : i32
      %get3A_1231 = arith.constant 5 : i32
      %get3A_1232 = arith.index_cast %get3A_1231 : i32 to index
      %get3A_1233 = arith.constant 0 : index
      %get3A_1234 = tpu.vector_load %arg14[%get3A_1232, %get3A_1233] {strides = array<i32>} : memref<8x128xf32, #tpu.memory_space<vmem>>, vector<16xf32>,
      %add3A_1235 = arith.addf %scan3A_1229#0, %get3A_1234 : vector<16xf32>
      %max3A_1236 = arith.constant 0.000000e+00 : f32
      %max3A_1237 = vector.broadcast %max3A_1236 : f32 to vector<16xf32>
      %max3A_1238 = arith.maximumf %add3A_1235, %max3A_1237 : vector<16xf32>
      %swap3A_1239 = arith.constant 5 : i32
      %swap3A_1240 = arith.index_cast %swap3A_1239 : i32 to index
      %swap3A_1241 = arith.constant 0 : index
      %swap3A_1242 = tpu.vector_load %arg15[%swap3A_1240, %swap3A_1241] {strides = array<i32>} : memref<8x128xf32, #tpu.memory_space<vmem>>, vector<16xf32>,
      tpu.vector_store %arg15[%swap3A_1240, %swap3A_1241], %max3A_1238 {strides = array<i32>} : memref<8x128xf32, #tpu.memory_space<vmem>>, vector<16xf32>,
      %get3A_1243 = arith.constant 5 : i32
      %get3A_1244 = arith.index_cast %get3A_1243 : i32 to index
      %get3A_1245 = arith.constant 16 : index
      %get3A_1246 = tpu.vector_load %arg14[%get3A_1244, %get3A_1245] {strides = array<i32>} : memref<8x128xf32, #tpu.memory_space<vmem>>, vector<16xf32>,
      %add3A_1247 = arith.addf %scan3A_1229#1, %get3A_1246 : vector<16xf32>
      %max3A_1248 = arith.constant 0.000000e+00 : f32
      %max3A_1249 = vector.broadcast %max3A_1248 : f32 to vector<16xf32>
      %max3A_1250 = arith.maximumf %add3A_1247, %max3A_1249 : vector<16xf32>
      %swap3A_1251 = arith.constant 5 : i32
      %swap3A_1252 = arith.index_cast %swap3A_1251 : i32 to index
      %swap3A_1253 = arith.constant 16 : index
      %swap3A_1254 = tpu.vector_load %arg15[%swap3A_1252, %swap3A_1253] {strides = array<i32>} : memref<8x128xf32, #tpu.memory_space<vmem>>, vector<16xf32>,
      tpu.vector_store %arg15[%swap3A_1252, %swap3A_1253], %max3A_1250 {strides = array<i32>} : memref<8x128xf32, #tpu.memory_space<vmem>>, vector<16xf32>,
      %get3A_1255 = arith.constant 5 : i32
      %get3A_1256 = arith.index_cast %get3A_1255 : i32 to index
      %get3A_1257 = arith.constant 32 : index
      %get3A_1258 = tpu.vector_load %arg14[%get3A_1256, %get3A_1257] {strides = array<i32>} : memref<8x128xf32, #tpu.memory_space<vmem>>, vector<16xf32>,
      %add3A_1259 = arith.addf %scan3A_1229#2, %get3A_1258 : vector<16xf32>
      %max3A_1260 = arith.constant 0.000000e+00 : f32
      %max3A_1261 = vector.broadcast %max3A_1260 : f32 to vector<16xf32>
      %max3A_1262 = arith.maximumf %add3A_1259, %max3A_1261 : vector<16xf32>
      %swap3A_1263 = arith.constant 5 : i32
      %swap3A_1264 = arith.index_cast %swap3A_1263 : i32 to index
      %swap3A_1265 = arith.constant 32 : index
      %swap3A_1266 = tpu.vector_load %arg15[%swap3A_1264, %swap3A_1265] {strides = array<i32>} : memref<8x128xf32, #tpu.memory_space<vmem>>, vector<16xf32>,
      tpu.vector_store %arg15[%swap3A_1264, %swap3A_1265], %max3A_1262 {strides = array<i32>} : memref<8x128xf32, #tpu.memory_space<vmem>>, vector<16xf32>,
      %get3A_1267 = arith.constant 5 : i32
      %get3A_1268 = arith.index_cast %get3A_1267 : i32 to index
      %get3A_1269 = arith.constant 48 : index
      %get3A_1270 = tpu.vector_load %arg14[%get3A_1268, %get3A_1269] {strides = array<i32>} : memref<8x128xf32, #tpu.memory_space<vmem>>, vector<16xf32>,
      %add3A_1271 = arith.addf %scan3A_1229#3, %get3A_1270 : vector<16xf32>
      %max3A_1272 = arith.constant 0.000000e+00 : f32
      %max3A_1273 = vector.broadcast %max3A_1272 : f32 to vector<16xf32>
      %max3A_1274 = arith.maximumf %add3A_1271, %max3A_1273 : vector<16xf32>
      %swap3A_1275 = arith.constant 5 : i32
      %swap3A_1276 = arith.index_cast %swap3A_1275 : i32 to index
      %swap3A_1277 = arith.constant 48 : index
      %swap3A_1278 = tpu.vector_load %arg15[%swap3A_1276, %swap3A_1277] {strides = array<i32>} : memref<8x128xf32, #tpu.memory_space<vmem>>, vector<16xf32>,
      tpu.vector_store %arg15[%swap3A_1276, %swap3A_1277], %max3A_1274 {strides = array<i32>} : memref<8x128xf32, #tpu.memory_space<vmem>>, vector<16xf32>,
      %get3A_1279 = arith.constant 5 : i32
      %get3A_1280 = arith.index_cast %get3A_1279 : i32 to index
      %get3A_1281 = arith.constant 64 : index
      %get3A_1282 = tpu.vector_load %arg14[%get3A_1280, %get3A_1281] {strides = array<i32>} : memref<8x128xf32, #tpu.memory_space<vmem>>, vector<16xf32>,
      %add3A_1283 = arith.addf %scan3A_1229#4, %get3A_1282 : vector<16xf32>
      %max3A_1284 = arith.constant 0.000000e+00 : f32
      %max3A_1285 = vector.broadcast %max3A_1284 : f32 to vector<16xf32>
      %max3A_1286 = arith.maximumf %add3A_1283, %max3A_1285 : vector<16xf32>
      %swap3A_1287 = arith.constant 5 : i32
      %swap3A_1288 = arith.index_cast %swap3A_1287 : i32 to index
      %swap3A_1289 = arith.constant 64 : index
      %swap3A_1290 = tpu.vector_load %arg15[%swap3A_1288, %swap3A_1289] {strides = array<i32>} : memref<8x128xf32, #tpu.memory_space<vmem>>, vector<16xf32>,
      tpu.vector_store %arg15[%swap3A_1288, %swap3A_1289], %max3A_1286 {strides = array<i32>} : memref<8x128xf32, #tpu.memory_space<vmem>>, vector<16xf32>,
      %get3A_1291 = arith.constant 5 : i32
      %get3A_1292 = arith.index_cast %get3A_1291 : i32 to index
      %get3A_1293 = arith.constant 80 : index
      %get3A_1294 = tpu.vector_load %arg14[%get3A_1292, %get3A_1293] {strides = array<i32>} : memref<8x128xf32, #tpu.memory_space<vmem>>, vector<16xf32>,
      %add3A_1295 = arith.addf %scan3A_1229#5, %get3A_1294 : vector<16xf32>
      %max3A_1296 = arith.constant 0.000000e+00 : f32
      %max3A_1297 = vector.broadcast %max3A_1296 : f32 to vector<16xf32>
      %max3A_1298 = arith.maximumf %add3A_1295, %max3A_1297 : vector<16xf32>
      %swap3A_1299 = arith.constant 5 : i32
      %swap3A_1300 = arith.index_cast %swap3A_1299 : i32 to index
      %swap3A_1301 = arith.constant 80 : index
      %swap3A_1302 = tpu.vector_load %arg15[%swap3A_1300, %swap3A_1301] {strides = array<i32>} : memref<8x128xf32, #tpu.memory_space<vmem>>, vector<16xf32>,
      tpu.vector_store %arg15[%swap3A_1300, %swap3A_1301], %max3A_1298 {strides = array<i32>} : memref<8x128xf32, #tpu.memory_space<vmem>>, vector<16xf32>,
      %get3A_1303 = arith.constant 5 : i32
      %get3A_1304 = arith.index_cast %get3A_1303 : i32 to index
      %get3A_1305 = arith.constant 96 : index
      %get3A_1306 = tpu.vector_load %arg14[%get3A_1304, %get3A_1305] {strides = array<i32>} : memref<8x128xf32, #tpu.memory_space<vmem>>, vector<16xf32>,
      %add3A_1307 = arith.addf %scan3A_1229#6, %get3A_1306 : vector<16xf32>
      %max3A_1308 = arith.constant 0.000000e+00 : f32
      %max3A_1309 = vector.broadcast %max3A_1308 : f32 to vector<16xf32>
      %max3A_1310 = arith.maximumf %add3A_1307, %max3A_1309 : vector<16xf32>
      %swap3A_1311 = arith.constant 5 : i32
      %swap3A_1312 = arith.index_cast %swap3A_1311 : i32 to index
      %swap3A_1313 = arith.constant 96 : index
      %swap3A_1314 = tpu.vector_load %arg15[%swap3A_1312, %swap3A_1313] {strides = array<i32>} : memref<8x128xf32, #tpu.memory_space<vmem>>, vector<16xf32>,
      tpu.vector_store %arg15[%swap3A_1312, %swap3A_1313], %max3A_1310 {strides = array<i32>} : memref<8x128xf32, #tpu.memory_space<vmem>>, vector<16xf32>,
      %get3A_1315 = arith.constant 5 : i32
      %get3A_1316 = arith.index_cast %get3A_1315 : i32 to index
      %get3A_1317 = arith.constant 112 : index
      %get3A_1318 = tpu.vector_load %arg14[%get3A_1316, %get3A_1317] {strides = array<i32>} : memref<8x128xf32, #tpu.memory_space<vmem>>, vector<16xf32>,
      %add3A_1319 = arith.addf %scan3A_1229#7, %get3A_1318 : vector<16xf32>
      %max3A_1320 = arith.constant 0.000000e+00 : f32
      %max3A_1321 = vector.broadcast %max3A_1320 : f32 to vector<16xf32>
      %max3A_1322 = arith.maximumf %add3A_1319, %max3A_1321 : vector<16xf32>
      %swap3A_1323 = arith.constant 5 : i32
      %swap3A_1324 = arith.index_cast %swap3A_1323 : i32 to index
      %swap3A_1325 = arith.constant 112 : index
      %swap3A_1326 = tpu.vector_load %arg15[%swap3A_1324, %swap3A_1325] {strides = array<i32>} : memref<8x128xf32, #tpu.memory_space<vmem>>, vector<16xf32>,
      tpu.vector_store %arg15[%swap3A_1324, %swap3A_1325], %max3A_1322 {strides = array<i32>} : memref<8x128xf32, #tpu.memory_space<vmem>>, vector<16xf32>,
      %broadcast_in_dim3A_1327 = arith.constant 0.000000e+00 : f32
      %broadcast_in_dim3A_1328 = vector.broadcast %broadcast_in_dim3A_1327 : f32 to vector<16xf32>
      %broadcast_in_dim3A_1329 = arith.constant 0.000000e+00 : f32
      %broadcast_in_dim3A_1330 = vector.broadcast %broadcast_in_dim3A_1329 : f32 to vector<16xf32>
      %broadcast_in_dim3A_1331 = arith.constant 0.000000e+00 : f32
      %broadcast_in_dim3A_1332 = vector.broadcast %broadcast_in_dim3A_1331 : f32 to vector<16xf32>
      %broadcast_in_dim3A_1333 = arith.constant 0.000000e+00 : f32
      %broadcast_in_dim3A_1334 = vector.broadcast %broadcast_in_dim3A_1333 : f32 to vector<16xf32>
      %broadcast_in_dim3A_1335 = arith.constant 0.000000e+00 : f32
      %broadcast_in_dim3A_1336 = vector.broadcast %broadcast_in_dim3A_1335 : f32 to vector<16xf32>
      %broadcast_in_dim3A_1337 = arith.constant 0.000000e+00 : f32
      %broadcast_in_dim3A_1338 = vector.broadcast %broadcast_in_dim3A_1337 : f32 to vector<16xf32>
      %broadcast_in_dim3A_1339 = arith.constant 0.000000e+00 : f32
      %broadcast_in_dim3A_1340 = vector.broadcast %broadcast_in_dim3A_1339 : f32 to vector<16xf32>
      %broadcast_in_dim3A_1341 = arith.constant 0.000000e+00 : f32
      %broadcast_in_dim3A_1342 = vector.broadcast %broadcast_in_dim3A_1341 : f32 to vector<16xf32>
      %scan3A_1343 = arith.constant 0 : i32
      %scan3A_1344 = arith.constant 32 : i32
      %scan3A_1345 = arith.addi %scan3A_1343, %scan3A_1344 : i32
      %scan3A_1346 = arith.constant 1 : i32
      %scan3A_1347:8 = scf.for %scan3A_1563 = %scan3A_1343 to %scan3A_1345 step %scan3A_1346 iter_args(%scan3A_1564 = %broadcast_in_dim3A_1328, %scan3A_1565 = %broadcast_in_dim3A_1330, %scan3A_1566 = %broadcast_in_dim3A_1332, %scan3A_1567 = %broadcast_in_dim3A_1334, %scan3A_1568 = %broadcast_in_dim3A_1336, %scan3A_1569 = %broadcast_in_dim3A_1338, %scan3A_1570 = %broadcast_in_dim3A_1340, %scan3A_1571 = %broadcast_in_dim3A_1342) -> (vector<16xf32>, vector<16xf32>, vector<16xf32>, vector<16xf32>, vector<16xf32>, vector<16xf32>, vector<16xf32>, vector<16xf32>)  : i32 {
        %broadcast_in_dim3A_1572 = arith.constant 192 : i32
        %broadcast_in_dim3A_1573 = vector.broadcast %broadcast_in_dim3A_1572 : i32 to vector<16xi32>
        %add3A_1574 = vector.broadcast %scan3A_1563 : i32 to vector<16xi32>
        %add3A_1575 = arith.addi %broadcast_in_dim3A_1573, %add3A_1574 : vector<16xi32>
        %gather3A_1576 = tpu.vector_load_idx %arg12[%add3A_1575] : memref<256xf32, #tpu.memory_space<vmem>>[vector<16xi32>], vector<16xf32>,
        %get3A_1577 = arith.constant 6 : i32
        %get3A_1578 = arith.index_cast %get3A_1577 : i32 to index
        %get3A_1579 = arith.index_cast %scan3A_1563 : i32 to index
        %get3A_1580 = arith.constant 0 : index
        %get3A_1581 = tpu.vector_load %arg13[%get3A_1578, %get3A_1579, %get3A_1580] {strides = array<i32>} : memref<8x32x128xf32, #tpu.memory_space<vmem>>, vector<16xf32>,
        %mul3A_1582 = arith.mulf %gather3A_1576, %get3A_1581 : vector<16xf32>
        %add3A_1583 = arith.addf %scan3A_1564, %mul3A_1582 : vector<16xf32>
        %get3A_1584 = arith.constant 6 : i32
        %get3A_1585 = arith.index_cast %get3A_1584 : i32 to index
        %get3A_1586 = arith.index_cast %scan3A_1563 : i32 to index
        %get3A_1587 = arith.constant 16 : index
        %get3A_1588 = tpu.vector_load %arg13[%get3A_1585, %get3A_1586, %get3A_1587] {strides = array<i32>} : memref<8x32x128xf32, #tpu.memory_space<vmem>>, vector<16xf32>,
        %mul3A_1589 = arith.mulf %gather3A_1576, %get3A_1588 : vector<16xf32>
        %add3A_1590 = arith.addf %scan3A_1565, %mul3A_1589 : vector<16xf32>
        %get3A_1591 = arith.constant 6 : i32
        %get3A_1592 = arith.index_cast %get3A_1591 : i32 to index
        %get3A_1593 = arith.index_cast %scan3A_1563 : i32 to index
        %get3A_1594 = arith.constant 32 : index
        %get3A_1595 = tpu.vector_load %arg13[%get3A_1592, %get3A_1593, %get3A_1594] {strides = array<i32>} : memref<8x32x128xf32, #tpu.memory_space<vmem>>, vector<16xf32>,
        %mul3A_1596 = arith.mulf %gather3A_1576, %get3A_1595 : vector<16xf32>
        %add3A_1597 = arith.addf %scan3A_1566, %mul3A_1596 : vector<16xf32>
        %get3A_1598 = arith.constant 6 : i32
        %get3A_1599 = arith.index_cast %get3A_1598 : i32 to index
        %get3A_1600 = arith.index_cast %scan3A_1563 : i32 to index
        %get3A_1601 = arith.constant 48 : index
        %get3A_1602 = tpu.vector_load %arg13[%get3A_1599, %get3A_1600, %get3A_1601] {strides = array<i32>} : memref<8x32x128xf32, #tpu.memory_space<vmem>>, vector<16xf32>,
        %mul3A_1603 = arith.mulf %gather3A_1576, %get3A_1602 : vector<16xf32>
        %add3A_1604 = arith.addf %scan3A_1567, %mul3A_1603 : vector<16xf32>
        %get3A_1605 = arith.constant 6 : i32
        %get3A_1606 = arith.index_cast %get3A_1605 : i32 to index
        %get3A_1607 = arith.index_cast %scan3A_1563 : i32 to index
        %get3A_1608 = arith.constant 64 : index
        %get3A_1609 = tpu.vector_load %arg13[%get3A_1606, %get3A_1607, %get3A_1608] {strides = array<i32>} : memref<8x32x128xf32, #tpu.memory_space<vmem>>, vector<16xf32>,
        %mul3A_1610 = arith.mulf %gather3A_1576, %get3A_1609 : vector<16xf32>
        %add3A_1611 = arith.addf %scan3A_1568, %mul3A_1610 : vector<16xf32>
        %get3A_1612 = arith.constant 6 : i32
        %get3A_1613 = arith.index_cast %get3A_1612 : i32 to index
        %get3A_1614 = arith.index_cast %scan3A_1563 : i32 to index
        %get3A_1615 = arith.constant 80 : index
        %get3A_1616 = tpu.vector_load %arg13[%get3A_1613, %get3A_1614, %get3A_1615] {strides = array<i32>} : memref<8x32x128xf32, #tpu.memory_space<vmem>>, vector<16xf32>,
        %mul3A_1617 = arith.mulf %gather3A_1576, %get3A_1616 : vector<16xf32>
        %add3A_1618 = arith.addf %scan3A_1569, %mul3A_1617 : vector<16xf32>
        %get3A_1619 = arith.constant 6 : i32
        %get3A_1620 = arith.index_cast %get3A_1619 : i32 to index
        %get3A_1621 = arith.index_cast %scan3A_1563 : i32 to index
        %get3A_1622 = arith.constant 96 : index
        %get3A_1623 = tpu.vector_load %arg13[%get3A_1620, %get3A_1621, %get3A_1622] {strides = array<i32>} : memref<8x32x128xf32, #tpu.memory_space<vmem>>, vector<16xf32>,
        %mul3A_1624 = arith.mulf %gather3A_1576, %get3A_1623 : vector<16xf32>
        %add3A_1625 = arith.addf %scan3A_1570, %mul3A_1624 : vector<16xf32>
        %get3A_1626 = arith.constant 6 : i32
        %get3A_1627 = arith.index_cast %get3A_1626 : i32 to index
        %get3A_1628 = arith.index_cast %scan3A_1563 : i32 to index
        %get3A_1629 = arith.constant 112 : index
        %get3A_1630 = tpu.vector_load %arg13[%get3A_1627, %get3A_1628, %get3A_1629] {strides = array<i32>} : memref<8x32x128xf32, #tpu.memory_space<vmem>>, vector<16xf32>,
        %mul3A_1631 = arith.mulf %gather3A_1576, %get3A_1630 : vector<16xf32>
        %add3A_1632 = arith.addf %scan3A_1571, %mul3A_1631 : vector<16xf32>
        scf.yield %add3A_1583, %add3A_1590, %add3A_1597, %add3A_1604, %add3A_1611, %add3A_1618, %add3A_1625, %add3A_1632 : vector<16xf32>, vector<16xf32>, vector<16xf32>, vector<16xf32>, vector<16xf32>, vector<16xf32>, vector<16xf32>, vector<16xf32>
      }
      %scan3A_1348 = arith.constant 32 : i32
      %get3A_1349 = arith.constant 6 : i32
      %get3A_1350 = arith.index_cast %get3A_1349 : i32 to index
      %get3A_1351 = arith.constant 0 : index
      %get3A_1352 = tpu.vector_load %arg14[%get3A_1350, %get3A_1351] {strides = array<i32>} : memref<8x128xf32, #tpu.memory_space<vmem>>, vector<16xf32>,
      %add3A_1353 = arith.addf %scan3A_1347#0, %get3A_1352 : vector<16xf32>
      %max3A_1354 = arith.constant 0.000000e+00 : f32
      %max3A_1355 = vector.broadcast %max3A_1354 : f32 to vector<16xf32>
      %max3A_1356 = arith.maximumf %add3A_1353, %max3A_1355 : vector<16xf32>
      %swap3A_1357 = arith.constant 6 : i32
      %swap3A_1358 = arith.index_cast %swap3A_1357 : i32 to index
      %swap3A_1359 = arith.constant 0 : index
      %swap3A_1360 = tpu.vector_load %arg15[%swap3A_1358, %swap3A_1359] {strides = array<i32>} : memref<8x128xf32, #tpu.memory_space<vmem>>, vector<16xf32>,
      tpu.vector_store %arg15[%swap3A_1358, %swap3A_1359], %max3A_1356 {strides = array<i32>} : memref<8x128xf32, #tpu.memory_space<vmem>>, vector<16xf32>,
      %get3A_1361 = arith.constant 6 : i32
      %get3A_1362 = arith.index_cast %get3A_1361 : i32 to index
      %get3A_1363 = arith.constant 16 : index
      %get3A_1364 = tpu.vector_load %arg14[%get3A_1362, %get3A_1363] {strides = array<i32>} : memref<8x128xf32, #tpu.memory_space<vmem>>, vector<16xf32>,
      %add3A_1365 = arith.addf %scan3A_1347#1, %get3A_1364 : vector<16xf32>
      %max3A_1366 = arith.constant 0.000000e+00 : f32
      %max3A_1367 = vector.broadcast %max3A_1366 : f32 to vector<16xf32>
      %max3A_1368 = arith.maximumf %add3A_1365, %max3A_1367 : vector<16xf32>
      %swap3A_1369 = arith.constant 6 : i32
      %swap3A_1370 = arith.index_cast %swap3A_1369 : i32 to index
      %swap3A_1371 = arith.constant 16 : index
      %swap3A_1372 = tpu.vector_load %arg15[%swap3A_1370, %swap3A_1371] {strides = array<i32>} : memref<8x128xf32, #tpu.memory_space<vmem>>, vector<16xf32>,
      tpu.vector_store %arg15[%swap3A_1370, %swap3A_1371], %max3A_1368 {strides = array<i32>} : memref<8x128xf32, #tpu.memory_space<vmem>>, vector<16xf32>,
      %get3A_1373 = arith.constant 6 : i32
      %get3A_1374 = arith.index_cast %get3A_1373 : i32 to index
      %get3A_1375 = arith.constant 32 : index
      %get3A_1376 = tpu.vector_load %arg14[%get3A_1374, %get3A_1375] {strides = array<i32>} : memref<8x128xf32, #tpu.memory_space<vmem>>, vector<16xf32>,
      %add3A_1377 = arith.addf %scan3A_1347#2, %get3A_1376 : vector<16xf32>
      %max3A_1378 = arith.constant 0.000000e+00 : f32
      %max3A_1379 = vector.broadcast %max3A_1378 : f32 to vector<16xf32>
      %max3A_1380 = arith.maximumf %add3A_1377, %max3A_1379 : vector<16xf32>
      %swap3A_1381 = arith.constant 6 : i32
      %swap3A_1382 = arith.index_cast %swap3A_1381 : i32 to index
      %swap3A_1383 = arith.constant 32 : index
      %swap3A_1384 = tpu.vector_load %arg15[%swap3A_1382, %swap3A_1383] {strides = array<i32>} : memref<8x128xf32, #tpu.memory_space<vmem>>, vector<16xf32>,
      tpu.vector_store %arg15[%swap3A_1382, %swap3A_1383], %max3A_1380 {strides = array<i32>} : memref<8x128xf32, #tpu.memory_space<vmem>>, vector<16xf32>,
      %get3A_1385 = arith.constant 6 : i32
      %get3A_1386 = arith.index_cast %get3A_1385 : i32 to index
      %get3A_1387 = arith.constant 48 : index
      %get3A_1388 = tpu.vector_load %arg14[%get3A_1386, %get3A_1387] {strides = array<i32>} : memref<8x128xf32, #tpu.memory_space<vmem>>, vector<16xf32>,
      %add3A_1389 = arith.addf %scan3A_1347#3, %get3A_1388 : vector<16xf32>
      %max3A_1390 = arith.constant 0.000000e+00 : f32
      %max3A_1391 = vector.broadcast %max3A_1390 : f32 to vector<16xf32>
      %max3A_1392 = arith.maximumf %add3A_1389, %max3A_1391 : vector<16xf32>
      %swap3A_1393 = arith.constant 6 : i32
      %swap3A_1394 = arith.index_cast %swap3A_1393 : i32 to index
      %swap3A_1395 = arith.constant 48 : index
      %swap3A_1396 = tpu.vector_load %arg15[%swap3A_1394, %swap3A_1395] {strides = array<i32>} : memref<8x128xf32, #tpu.memory_space<vmem>>, vector<16xf32>,
      tpu.vector_store %arg15[%swap3A_1394, %swap3A_1395], %max3A_1392 {strides = array<i32>} : memref<8x128xf32, #tpu.memory_space<vmem>>, vector<16xf32>,
      %get3A_1397 = arith.constant 6 : i32
      %get3A_1398 = arith.index_cast %get3A_1397 : i32 to index
      %get3A_1399 = arith.constant 64 : index
      %get3A_1400 = tpu.vector_load %arg14[%get3A_1398, %get3A_1399] {strides = array<i32>} : memref<8x128xf32, #tpu.memory_space<vmem>>, vector<16xf32>,
      %add3A_1401 = arith.addf %scan3A_1347#4, %get3A_1400 : vector<16xf32>
      %max3A_1402 = arith.constant 0.000000e+00 : f32
      %max3A_1403 = vector.broadcast %max3A_1402 : f32 to vector<16xf32>
      %max3A_1404 = arith.maximumf %add3A_1401, %max3A_1403 : vector<16xf32>
      %swap3A_1405 = arith.constant 6 : i32
      %swap3A_1406 = arith.index_cast %swap3A_1405 : i32 to index
      %swap3A_1407 = arith.constant 64 : index
      %swap3A_1408 = tpu.vector_load %arg15[%swap3A_1406, %swap3A_1407] {strides = array<i32>} : memref<8x128xf32, #tpu.memory_space<vmem>>, vector<16xf32>,
      tpu.vector_store %arg15[%swap3A_1406, %swap3A_1407], %max3A_1404 {strides = array<i32>} : memref<8x128xf32, #tpu.memory_space<vmem>>, vector<16xf32>,
      %get3A_1409 = arith.constant 6 : i32
      %get3A_1410 = arith.index_cast %get3A_1409 : i32 to index
      %get3A_1411 = arith.constant 80 : index
      %get3A_1412 = tpu.vector_load %arg14[%get3A_1410, %get3A_1411] {strides = array<i32>} : memref<8x128xf32, #tpu.memory_space<vmem>>, vector<16xf32>,
      %add3A_1413 = arith.addf %scan3A_1347#5, %get3A_1412 : vector<16xf32>
      %max3A_1414 = arith.constant 0.000000e+00 : f32
      %max3A_1415 = vector.broadcast %max3A_1414 : f32 to vector<16xf32>
      %max3A_1416 = arith.maximumf %add3A_1413, %max3A_1415 : vector<16xf32>
      %swap3A_1417 = arith.constant 6 : i32
      %swap3A_1418 = arith.index_cast %swap3A_1417 : i32 to index
      %swap3A_1419 = arith.constant 80 : index
      %swap3A_1420 = tpu.vector_load %arg15[%swap3A_1418, %swap3A_1419] {strides = array<i32>} : memref<8x128xf32, #tpu.memory_space<vmem>>, vector<16xf32>,
      tpu.vector_store %arg15[%swap3A_1418, %swap3A_1419], %max3A_1416 {strides = array<i32>} : memref<8x128xf32, #tpu.memory_space<vmem>>, vector<16xf32>,
      %get3A_1421 = arith.constant 6 : i32
      %get3A_1422 = arith.index_cast %get3A_1421 : i32 to index
      %get3A_1423 = arith.constant 96 : index
      %get3A_1424 = tpu.vector_load %arg14[%get3A_1422, %get3A_1423] {strides = array<i32>} : memref<8x128xf32, #tpu.memory_space<vmem>>, vector<16xf32>,
      %add3A_1425 = arith.addf %scan3A_1347#6, %get3A_1424 : vector<16xf32>
      %max3A_1426 = arith.constant 0.000000e+00 : f32
      %max3A_1427 = vector.broadcast %max3A_1426 : f32 to vector<16xf32>
      %max3A_1428 = arith.maximumf %add3A_1425, %max3A_1427 : vector<16xf32>
      %swap3A_1429 = arith.constant 6 : i32
      %swap3A_1430 = arith.index_cast %swap3A_1429 : i32 to index
      %swap3A_1431 = arith.constant 96 : index
      %swap3A_1432 = tpu.vector_load %arg15[%swap3A_1430, %swap3A_1431] {strides = array<i32>} : memref<8x128xf32, #tpu.memory_space<vmem>>, vector<16xf32>,
      tpu.vector_store %arg15[%swap3A_1430, %swap3A_1431], %max3A_1428 {strides = array<i32>} : memref<8x128xf32, #tpu.memory_space<vmem>>, vector<16xf32>,
      %get3A_1433 = arith.constant 6 : i32
      %get3A_1434 = arith.index_cast %get3A_1433 : i32 to index
      %get3A_1435 = arith.constant 112 : index
      %get3A_1436 = tpu.vector_load %arg14[%get3A_1434, %get3A_1435] {strides = array<i32>} : memref<8x128xf32, #tpu.memory_space<vmem>>, vector<16xf32>,
      %add3A_1437 = arith.addf %scan3A_1347#7, %get3A_1436 : vector<16xf32>
      %max3A_1438 = arith.constant 0.000000e+00 : f32
      %max3A_1439 = vector.broadcast %max3A_1438 : f32 to vector<16xf32>
      %max3A_1440 = arith.maximumf %add3A_1437, %max3A_1439 : vector<16xf32>
      %swap3A_1441 = arith.constant 6 : i32
      %swap3A_1442 = arith.index_cast %swap3A_1441 : i32 to index
      %swap3A_1443 = arith.constant 112 : index
      %swap3A_1444 = tpu.vector_load %arg15[%swap3A_1442, %swap3A_1443] {strides = array<i32>} : memref<8x128xf32, #tpu.memory_space<vmem>>, vector<16xf32>,
      tpu.vector_store %arg15[%swap3A_1442, %swap3A_1443], %max3A_1440 {strides = array<i32>} : memref<8x128xf32, #tpu.memory_space<vmem>>, vector<16xf32>,
      %broadcast_in_dim3A_1445 = arith.constant 0.000000e+00 : f32
      %broadcast_in_dim3A_1446 = vector.broadcast %broadcast_in_dim3A_1445 : f32 to vector<16xf32>
      %broadcast_in_dim3A_1447 = arith.constant 0.000000e+00 : f32
      %broadcast_in_dim3A_1448 = vector.broadcast %broadcast_in_dim3A_1447 : f32 to vector<16xf32>
      %broadcast_in_dim3A_1449 = arith.constant 0.000000e+00 : f32
      %broadcast_in_dim3A_1450 = vector.broadcast %broadcast_in_dim3A_1449 : f32 to vector<16xf32>
      %broadcast_in_dim3A_1451 = arith.constant 0.000000e+00 : f32
      %broadcast_in_dim3A_1452 = vector.broadcast %broadcast_in_dim3A_1451 : f32 to vector<16xf32>
      %broadcast_in_dim3A_1453 = arith.constant 0.000000e+00 : f32
      %broadcast_in_dim3A_1454 = vector.broadcast %broadcast_in_dim3A_1453 : f32 to vector<16xf32>
      %broadcast_in_dim3A_1455 = arith.constant 0.000000e+00 : f32
      %broadcast_in_dim3A_1456 = vector.broadcast %broadcast_in_dim3A_1455 : f32 to vector<16xf32>
      %broadcast_in_dim3A_1457 = arith.constant 0.000000e+00 : f32
      %broadcast_in_dim3A_1458 = vector.broadcast %broadcast_in_dim3A_1457 : f32 to vector<16xf32>
      %broadcast_in_dim3A_1459 = arith.constant 0.000000e+00 : f32
      %broadcast_in_dim3A_1460 = vector.broadcast %broadcast_in_dim3A_1459 : f32 to vector<16xf32>
      %scan3A_1461 = arith.constant 0 : i32
      %scan3A_1462 = arith.constant 32 : i32
      %scan3A_1463 = arith.addi %scan3A_1461, %scan3A_1462 : i32
      %scan3A_1464 = arith.constant 1 : i32
      %scan3A_1465:8 = scf.for %scan3A_1563 = %scan3A_1461 to %scan3A_1463 step %scan3A_1464 iter_args(%scan3A_1564 = %broadcast_in_dim3A_1446, %scan3A_1565 = %broadcast_in_dim3A_1448, %scan3A_1566 = %broadcast_in_dim3A_1450, %scan3A_1567 = %broadcast_in_dim3A_1452, %scan3A_1568 = %broadcast_in_dim3A_1454, %scan3A_1569 = %broadcast_in_dim3A_1456, %scan3A_1570 = %broadcast_in_dim3A_1458, %scan3A_1571 = %broadcast_in_dim3A_1460) -> (vector<16xf32>, vector<16xf32>, vector<16xf32>, vector<16xf32>, vector<16xf32>, vector<16xf32>, vector<16xf32>, vector<16xf32>)  : i32 {
        %broadcast_in_dim3A_1572 = arith.constant 224 : i32
        %broadcast_in_dim3A_1573 = vector.broadcast %broadcast_in_dim3A_1572 : i32 to vector<16xi32>
        %add3A_1574 = vector.broadcast %scan3A_1563 : i32 to vector<16xi32>
        %add3A_1575 = arith.addi %broadcast_in_dim3A_1573, %add3A_1574 : vector<16xi32>
        %gather3A_1576 = tpu.vector_load_idx %arg12[%add3A_1575] : memref<256xf32, #tpu.memory_space<vmem>>[vector<16xi32>], vector<16xf32>,
        %get3A_1577 = arith.constant 7 : i32
        %get3A_1578 = arith.index_cast %get3A_1577 : i32 to index
        %get3A_1579 = arith.index_cast %scan3A_1563 : i32 to index
        %get3A_1580 = arith.constant 0 : index
        %get3A_1581 = tpu.vector_load %arg13[%get3A_1578, %get3A_1579, %get3A_1580] {strides = array<i32>} : memref<8x32x128xf32, #tpu.memory_space<vmem>>, vector<16xf32>,
        %mul3A_1582 = arith.mulf %gather3A_1576, %get3A_1581 : vector<16xf32>
        %add3A_1583 = arith.addf %scan3A_1564, %mul3A_1582 : vector<16xf32>
        %get3A_1584 = arith.constant 7 : i32
        %get3A_1585 = arith.index_cast %get3A_1584 : i32 to index
        %get3A_1586 = arith.index_cast %scan3A_1563 : i32 to index
        %get3A_1587 = arith.constant 16 : index
        %get3A_1588 = tpu.vector_load %arg13[%get3A_1585, %get3A_1586, %get3A_1587] {strides = array<i32>} : memref<8x32x128xf32, #tpu.memory_space<vmem>>, vector<16xf32>,
        %mul3A_1589 = arith.mulf %gather3A_1576, %get3A_1588 : vector<16xf32>
        %add3A_1590 = arith.addf %scan3A_1565, %mul3A_1589 : vector<16xf32>
        %get3A_1591 = arith.constant 7 : i32
        %get3A_1592 = arith.index_cast %get3A_1591 : i32 to index
        %get3A_1593 = arith.index_cast %scan3A_1563 : i32 to index
        %get3A_1594 = arith.constant 32 : index
        %get3A_1595 = tpu.vector_load %arg13[%get3A_1592, %get3A_1593, %get3A_1594] {strides = array<i32>} : memref<8x32x128xf32, #tpu.memory_space<vmem>>, vector<16xf32>,
        %mul3A_1596 = arith.mulf %gather3A_1576, %get3A_1595 : vector<16xf32>
        %add3A_1597 = arith.addf %scan3A_1566, %mul3A_1596 : vector<16xf32>
        %get3A_1598 = arith.constant 7 : i32
        %get3A_1599 = arith.index_cast %get3A_1598 : i32 to index
        %get3A_1600 = arith.index_cast %scan3A_1563 : i32 to index
        %get3A_1601 = arith.constant 48 : index
        %get3A_1602 = tpu.vector_load %arg13[%get3A_1599, %get3A_1600, %get3A_1601] {strides = array<i32>} : memref<8x32x128xf32, #tpu.memory_space<vmem>>, vector<16xf32>,
        %mul3A_1603 = arith.mulf %gather3A_1576, %get3A_1602 : vector<16xf32>
        %add3A_1604 = arith.addf %scan3A_1567, %mul3A_1603 : vector<16xf32>
        %get3A_1605 = arith.constant 7 : i32
        %get3A_1606 = arith.index_cast %get3A_1605 : i32 to index
        %get3A_1607 = arith.index_cast %scan3A_1563 : i32 to index
        %get3A_1608 = arith.constant 64 : index
        %get3A_1609 = tpu.vector_load %arg13[%get3A_1606, %get3A_1607, %get3A_1608] {strides = array<i32>} : memref<8x32x128xf32, #tpu.memory_space<vmem>>, vector<16xf32>,
        %mul3A_1610 = arith.mulf %gather3A_1576, %get3A_1609 : vector<16xf32>
        %add3A_1611 = arith.addf %scan3A_1568, %mul3A_1610 : vector<16xf32>
        %get3A_1612 = arith.constant 7 : i32
        %get3A_1613 = arith.index_cast %get3A_1612 : i32 to index
        %get3A_1614 = arith.index_cast %scan3A_1563 : i32 to index
        %get3A_1615 = arith.constant 80 : index
        %get3A_1616 = tpu.vector_load %arg13[%get3A_1613, %get3A_1614, %get3A_1615] {strides = array<i32>} : memref<8x32x128xf32, #tpu.memory_space<vmem>>, vector<16xf32>,
        %mul3A_1617 = arith.mulf %gather3A_1576, %get3A_1616 : vector<16xf32>
        %add3A_1618 = arith.addf %scan3A_1569, %mul3A_1617 : vector<16xf32>
        %get3A_1619 = arith.constant 7 : i32
        %get3A_1620 = arith.index_cast %get3A_1619 : i32 to index
        %get3A_1621 = arith.index_cast %scan3A_1563 : i32 to index
        %get3A_1622 = arith.constant 96 : index
        %get3A_1623 = tpu.vector_load %arg13[%get3A_1620, %get3A_1621, %get3A_1622] {strides = array<i32>} : memref<8x32x128xf32, #tpu.memory_space<vmem>>, vector<16xf32>,
        %mul3A_1624 = arith.mulf %gather3A_1576, %get3A_1623 : vector<16xf32>
        %add3A_1625 = arith.addf %scan3A_1570, %mul3A_1624 : vector<16xf32>
        %get3A_1626 = arith.constant 7 : i32
        %get3A_1627 = arith.index_cast %get3A_1626 : i32 to index
        %get3A_1628 = arith.index_cast %scan3A_1563 : i32 to index
        %get3A_1629 = arith.constant 112 : index
        %get3A_1630 = tpu.vector_load %arg13[%get3A_1627, %get3A_1628, %get3A_1629] {strides = array<i32>} : memref<8x32x128xf32, #tpu.memory_space<vmem>>, vector<16xf32>,
        %mul3A_1631 = arith.mulf %gather3A_1576, %get3A_1630 : vector<16xf32>
        %add3A_1632 = arith.addf %scan3A_1571, %mul3A_1631 : vector<16xf32>
        scf.yield %add3A_1583, %add3A_1590, %add3A_1597, %add3A_1604, %add3A_1611, %add3A_1618, %add3A_1625, %add3A_1632 : vector<16xf32>, vector<16xf32>, vector<16xf32>, vector<16xf32>, vector<16xf32>, vector<16xf32>, vector<16xf32>, vector<16xf32>
      }
      %scan3A_1466 = arith.constant 32 : i32
      %get3A_1467 = arith.constant 7 : i32
      %get3A_1468 = arith.index_cast %get3A_1467 : i32 to index
      %get3A_1469 = arith.constant 0 : index
      %get3A_1470 = tpu.vector_load %arg14[%get3A_1468, %get3A_1469] {strides = array<i32>} : memref<8x128xf32, #tpu.memory_space<vmem>>, vector<16xf32>,
      %add3A_1471 = arith.addf %scan3A_1465#0, %get3A_1470 : vector<16xf32>
      %max3A_1472 = arith.constant 0.000000e+00 : f32
      %max3A_1473 = vector.broadcast %max3A_1472 : f32 to vector<16xf32>
      %max3A_1474 = arith.maximumf %add3A_1471, %max3A_1473 : vector<16xf32>
      %swap3A_1475 = arith.constant 7 : i32
      %swap3A_1476 = arith.index_cast %swap3A_1475 : i32 to index
      %swap3A_1477 = arith.constant 0 : index
      %swap3A_1478 = tpu.vector_load %arg15[%swap3A_1476, %swap3A_1477] {strides = array<i32>} : memref<8x128xf32, #tpu.memory_space<vmem>>, vector<16xf32>,
      tpu.vector_store %arg15[%swap3A_1476, %swap3A_1477], %max3A_1474 {strides = array<i32>} : memref<8x128xf32, #tpu.memory_space<vmem>>, vector<16xf32>,
      %get3A_1479 = arith.constant 7 : i32
      %get3A_1480 = arith.index_cast %get3A_1479 : i32 to index
      %get3A_1481 = arith.constant 16 : index
      %get3A_1482 = tpu.vector_load %arg14[%get3A_1480, %get3A_1481] {strides = array<i32>} : memref<8x128xf32, #tpu.memory_space<vmem>>, vector<16xf32>,
      %add3A_1483 = arith.addf %scan3A_1465#1, %get3A_1482 : vector<16xf32>
      %max3A_1484 = arith.constant 0.000000e+00 : f32
      %max3A_1485 = vector.broadcast %max3A_1484 : f32 to vector<16xf32>
      %max3A_1486 = arith.maximumf %add3A_1483, %max3A_1485 : vector<16xf32>
      %swap3A_1487 = arith.constant 7 : i32
      %swap3A_1488 = arith.index_cast %swap3A_1487 : i32 to index
      %swap3A_1489 = arith.constant 16 : index
      %swap3A_1490 = tpu.vector_load %arg15[%swap3A_1488, %swap3A_1489] {strides = array<i32>} : memref<8x128xf32, #tpu.memory_space<vmem>>, vector<16xf32>,
      tpu.vector_store %arg15[%swap3A_1488, %swap3A_1489], %max3A_1486 {strides = array<i32>} : memref<8x128xf32, #tpu.memory_space<vmem>>, vector<16xf32>,
      %get3A_1491 = arith.constant 7 : i32
      %get3A_1492 = arith.index_cast %get3A_1491 : i32 to index
      %get3A_1493 = arith.constant 32 : index
      %get3A_1494 = tpu.vector_load %arg14[%get3A_1492, %get3A_1493] {strides = array<i32>} : memref<8x128xf32, #tpu.memory_space<vmem>>, vector<16xf32>,
      %add3A_1495 = arith.addf %scan3A_1465#2, %get3A_1494 : vector<16xf32>
      %max3A_1496 = arith.constant 0.000000e+00 : f32
      %max3A_1497 = vector.broadcast %max3A_1496 : f32 to vector<16xf32>
      %max3A_1498 = arith.maximumf %add3A_1495, %max3A_1497 : vector<16xf32>
      %swap3A_1499 = arith.constant 7 : i32
      %swap3A_1500 = arith.index_cast %swap3A_1499 : i32 to index
      %swap3A_1501 = arith.constant 32 : index
      %swap3A_1502 = tpu.vector_load %arg15[%swap3A_1500, %swap3A_1501] {strides = array<i32>} : memref<8x128xf32, #tpu.memory_space<vmem>>, vector<16xf32>,
      tpu.vector_store %arg15[%swap3A_1500, %swap3A_1501], %max3A_1498 {strides = array<i32>} : memref<8x128xf32, #tpu.memory_space<vmem>>, vector<16xf32>,
      %get3A_1503 = arith.constant 7 : i32
      %get3A_1504 = arith.index_cast %get3A_1503 : i32 to index
      %get3A_1505 = arith.constant 48 : index
      %get3A_1506 = tpu.vector_load %arg14[%get3A_1504, %get3A_1505] {strides = array<i32>} : memref<8x128xf32, #tpu.memory_space<vmem>>, vector<16xf32>,
      %add3A_1507 = arith.addf %scan3A_1465#3, %get3A_1506 : vector<16xf32>
      %max3A_1508 = arith.constant 0.000000e+00 : f32
      %max3A_1509 = vector.broadcast %max3A_1508 : f32 to vector<16xf32>
      %max3A_1510 = arith.maximumf %add3A_1507, %max3A_1509 : vector<16xf32>
      %swap3A_1511 = arith.constant 7 : i32
      %swap3A_1512 = arith.index_cast %swap3A_1511 : i32 to index
      %swap3A_1513 = arith.constant 48 : index
      %swap3A_1514 = tpu.vector_load %arg15[%swap3A_1512, %swap3A_1513] {strides = array<i32>} : memref<8x128xf32, #tpu.memory_space<vmem>>, vector<16xf32>,
      tpu.vector_store %arg15[%swap3A_1512, %swap3A_1513], %max3A_1510 {strides = array<i32>} : memref<8x128xf32, #tpu.memory_space<vmem>>, vector<16xf32>,
      %get3A_1515 = arith.constant 7 : i32
      %get3A_1516 = arith.index_cast %get3A_1515 : i32 to index
      %get3A_1517 = arith.constant 64 : index
      %get3A_1518 = tpu.vector_load %arg14[%get3A_1516, %get3A_1517] {strides = array<i32>} : memref<8x128xf32, #tpu.memory_space<vmem>>, vector<16xf32>,
      %add3A_1519 = arith.addf %scan3A_1465#4, %get3A_1518 : vector<16xf32>
      %max3A_1520 = arith.constant 0.000000e+00 : f32
      %max3A_1521 = vector.broadcast %max3A_1520 : f32 to vector<16xf32>
      %max3A_1522 = arith.maximumf %add3A_1519, %max3A_1521 : vector<16xf32>
      %swap3A_1523 = arith.constant 7 : i32
      %swap3A_1524 = arith.index_cast %swap3A_1523 : i32 to index
      %swap3A_1525 = arith.constant 64 : index
      %swap3A_1526 = tpu.vector_load %arg15[%swap3A_1524, %swap3A_1525] {strides = array<i32>} : memref<8x128xf32, #tpu.memory_space<vmem>>, vector<16xf32>,
      tpu.vector_store %arg15[%swap3A_1524, %swap3A_1525], %max3A_1522 {strides = array<i32>} : memref<8x128xf32, #tpu.memory_space<vmem>>, vector<16xf32>,
      %get3A_1527 = arith.constant 7 : i32
      %get3A_1528 = arith.index_cast %get3A_1527 : i32 to index
      %get3A_1529 = arith.constant 80 : index
      %get3A_1530 = tpu.vector_load %arg14[%get3A_1528, %get3A_1529] {strides = array<i32>} : memref<8x128xf32, #tpu.memory_space<vmem>>, vector<16xf32>,
      %add3A_1531 = arith.addf %scan3A_1465#5, %get3A_1530 : vector<16xf32>
      %max3A_1532 = arith.constant 0.000000e+00 : f32
      %max3A_1533 = vector.broadcast %max3A_1532 : f32 to vector<16xf32>
      %max3A_1534 = arith.maximumf %add3A_1531, %max3A_1533 : vector<16xf32>
      %swap3A_1535 = arith.constant 7 : i32
      %swap3A_1536 = arith.index_cast %swap3A_1535 : i32 to index
      %swap3A_1537 = arith.constant 80 : index
      %swap3A_1538 = tpu.vector_load %arg15[%swap3A_1536, %swap3A_1537] {strides = array<i32>} : memref<8x128xf32, #tpu.memory_space<vmem>>, vector<16xf32>,
      tpu.vector_store %arg15[%swap3A_1536, %swap3A_1537], %max3A_1534 {strides = array<i32>} : memref<8x128xf32, #tpu.memory_space<vmem>>, vector<16xf32>,
      %get3A_1539 = arith.constant 7 : i32
      %get3A_1540 = arith.index_cast %get3A_1539 : i32 to index
      %get3A_1541 = arith.constant 96 : index
      %get3A_1542 = tpu.vector_load %arg14[%get3A_1540, %get3A_1541] {strides = array<i32>} : memref<8x128xf32, #tpu.memory_space<vmem>>, vector<16xf32>,
      %add3A_1543 = arith.addf %scan3A_1465#6, %get3A_1542 : vector<16xf32>
      %max3A_1544 = arith.constant 0.000000e+00 : f32
      %max3A_1545 = vector.broadcast %max3A_1544 : f32 to vector<16xf32>
      %max3A_1546 = arith.maximumf %add3A_1543, %max3A_1545 : vector<16xf32>
      %swap3A_1547 = arith.constant 7 : i32
      %swap3A_1548 = arith.index_cast %swap3A_1547 : i32 to index
      %swap3A_1549 = arith.constant 96 : index
      %swap3A_1550 = tpu.vector_load %arg15[%swap3A_1548, %swap3A_1549] {strides = array<i32>} : memref<8x128xf32, #tpu.memory_space<vmem>>, vector<16xf32>,
      tpu.vector_store %arg15[%swap3A_1548, %swap3A_1549], %max3A_1546 {strides = array<i32>} : memref<8x128xf32, #tpu.memory_space<vmem>>, vector<16xf32>,
      %get3A_1551 = arith.constant 7 : i32
      %get3A_1552 = arith.index_cast %get3A_1551 : i32 to index
      %get3A_1553 = arith.constant 112 : index
      %get3A_1554 = tpu.vector_load %arg14[%get3A_1552, %get3A_1553] {strides = array<i32>} : memref<8x128xf32, #tpu.memory_space<vmem>>, vector<16xf32>,
      %add3A_1555 = arith.addf %scan3A_1465#7, %get3A_1554 : vector<16xf32>
      %max3A_1556 = arith.constant 0.000000e+00 : f32
      %max3A_1557 = vector.broadcast %max3A_1556 : f32 to vector<16xf32>
      %max3A_1558 = arith.maximumf %add3A_1555, %max3A_1557 : vector<16xf32>
      %swap3A_1559 = arith.constant 7 : i32
      %swap3A_1560 = arith.index_cast %swap3A_1559 : i32 to index
      %swap3A_1561 = arith.constant 112 : index
      %swap3A_1562 = tpu.vector_load %arg15[%swap3A_1560, %swap3A_1561] {strides = array<i32>} : memref<8x128xf32, #tpu.memory_space<vmem>>, vector<16xf32>,
      tpu.vector_store %arg15[%swap3A_1560, %swap3A_1561], %max3A_1558 {strides = array<i32>} : memref<8x128xf32, #tpu.memory_space<vmem>>, vector<16xf32>,
      "tpu.region"() ({
        %run_scoped3A = tpu.sem_alloc : memref<!tpu.dma_semaphore, #tpu.memory_space<semaphore_mem>>
        %dma_start3A_1563 = arith.constant 0 : i32
        %dma_start3A_1564 = tpu.memref_slice %arg7[%add3A_10, %dma_start3A_1563] : memref<16384x128xf32, #tpu.memory_space<hbm>> -> memref<8x128xf32, #tpu.memory_space<hbm>>
        %dma_start3A_1565 = arith.constant 0 : i32
        %dma_start3A_1566 = tpu.memref_slice %arg7[%add3A_10, %dma_start3A_1565] : memref<16384x128xf32, #tpu.memory_space<hbm>> -> memref<8x128xf32, #tpu.memory_space<hbm>>
        tpu.enqueue_dma source(%arg15 : memref<8x128xf32, #tpu.memory_space<vmem>>) target(%dma_start3A_1566 : memref<8x128xf32, #tpu.memory_space<hbm>>) target_semaphore(%run_scoped3A : memref<!tpu.dma_semaphore, #tpu.memory_space<semaphore_mem>>)
        %dma_wait3A_1567 = arith.constant 0 : i32
        %dma_wait3A_1568 = tpu.memref_slice %arg7[%add3A_10, %dma_wait3A_1567] : memref<16384x128xf32, #tpu.memory_space<hbm>> -> memref<8x128xf32, #tpu.memory_space<hbm>>
        %dma_wait3A_1569 = arith.constant 0 : i32
        %dma_wait3A_1570 = tpu.memref_slice %arg7[%add3A_10, %dma_wait3A_1569] : memref<16384x128xf32, #tpu.memory_space<hbm>> -> memref<8x128xf32, #tpu.memory_space<hbm>>
        tpu.wait_dma2 semaphore(%run_scoped3A : memref<!tpu.dma_semaphore, #tpu.memory_space<semaphore_mem>>) src(%arg15 : memref<8x128xf32, #tpu.memory_space<vmem>>) dst(%dma_wait3A_1570 : memref<8x128xf32, #tpu.memory_space<hbm>>)
        tpu.yield
      }) : () -> ()
    }
    %scan3A_6 = arith.constant 64 : i32
    return
  }
}

module attributes {stable_mosaic.version = 14 : i64} {
  func.func @_scores_body(%arg0: i32, %arg1: memref<2048x128xf32, #tpu.memory_space<vmem>>, %arg2: memref<128x128xf32, #tpu.memory_space<vmem>>, %arg3: memref<128x64xf32, #tpu.memory_space<vmem>>, %arg4: memref<2048x64xf32, #tpu.memory_space<vmem>>) attributes {dimension_semantics = [#tpu.dimension_semantics<arbitrary>], iteration_bounds = array<i64: 8>, scalar_prefetch = 0 : i64, scratch_operands = 0 : i64, tpu.core_type = #tpu.core_type<tc>, window_params = [{transform_indices = @transform_0, window_bounds = array<i64: 2048, 128>}, {pipeline_mode = #tpu.pipeline_mode<synchronous>, transform_indices = @transform_1, window_bounds = array<i64: 128, 128>}, {pipeline_mode = #tpu.pipeline_mode<synchronous>, transform_indices = @transform_2, window_bounds = array<i64: 128, 64>}, {transform_indices = @transform_3, window_bounds = array<i64: 2048, 64>}]} {
    %get3A = arith.constant 0 : index
    %get3A_0 = arith.constant 0 : index
    %get3A_1 = vector.load %arg1[%get3A, %get3A_0] : memref<2048x128xf32, #tpu.memory_space<vmem>>, vector<2048x128xf32>
    %get3A_2 = arith.constant 0 : index
    %get3A_3 = arith.constant 0 : index
    %get3A_4 = vector.load %arg2[%get3A_2, %get3A_3] : memref<128x128xf32, #tpu.memory_space<vmem>>, vector<128x128xf32>
    %dot_general3A = arith.constant dense<0.000000e+00> : vector<2048x128xf32>
    %dot_general3A_5 = tpu.matmul %get3A_1, %get3A_4, %dot_general3A {dimension_numbers = #tpu.dot_dimension_numbers<[1], [0], [0], [1], [0, 0, 1, 1], [], []>, transpose_lhs_hint = false} : vector<2048x128xf32>, vector<128x128xf32>, vector<2048x128xf32> -> vector<2048x128xf32>
    %get3A_6 = arith.constant 0 : index
    %get3A_7 = arith.constant 0 : index
    %get3A_8 = vector.load %arg3[%get3A_6, %get3A_7] : memref<128x64xf32, #tpu.memory_space<vmem>>, vector<128x64xf32>
    %dot_general3A_9 = arith.constant dense<0.000000e+00> : vector<2048x64xf32>
    %dot_general3A_10 = tpu.matmul %dot_general3A_5, %get3A_8, %dot_general3A_9 {dimension_numbers = #tpu.dot_dimension_numbers<[1], [0], [0], [1], [0, 0, 1, 1], [], []>, transpose_lhs_hint = false} : vector<2048x128xf32>, vector<128x64xf32>, vector<2048x64xf32> -> vector<2048x64xf32>
    %swap3A = arith.constant 0 : index
    %swap3A_11 = arith.constant 0 : index
    %swap3A_12 = vector.load %arg4[%swap3A, %swap3A_11] : memref<2048x64xf32, #tpu.memory_space<vmem>>, vector<2048x64xf32>
    tpu.vector_store %arg4[%swap3A, %swap3A_11], %dot_general3A_10 {strides = array<i32>} : memref<2048x64xf32, #tpu.memory_space<vmem>>, vector<2048x64xf32>,
    return
  }
  func.func @transform_0(%arg0: i32) -> (i32, i32) {
    %c0_i32 = arith.constant 0 : i32
    %c0_i32_0 = arith.constant 0 : i32
    return %arg0, %c0_i32 : i32, i32
  }
  func.func @transform_1(%arg0: i32) -> (i32, i32) {
    %c0_i32 = arith.constant 0 : i32
    %c0_i32_0 = arith.constant 0 : i32
    %c0_i32_1 = arith.constant 0 : i32
    return %c0_i32, %c0_i32_0 : i32, i32
  }
  func.func @transform_2(%arg0: i32) -> (i32, i32) {
    %c0_i32 = arith.constant 0 : i32
    %c0_i32_0 = arith.constant 0 : i32
    %c0_i32_1 = arith.constant 0 : i32
    return %c0_i32, %c0_i32_0 : i32, i32
  }
  func.func @transform_3(%arg0: i32) -> (i32, i32) {
    %c0_i32 = arith.constant 0 : i32
    %c0_i32_0 = arith.constant 0 : i32
    return %arg0, %c0_i32 : i32, i32
  }
}

</mosaic_0001>

<sc_bundles>
// kernel: kernel.4.cloned.1.call-start
scs
__scs_entry_jumppad:
0x0: {  	(pc) =	sbr.rel $0x88, $3  }
0x1: {  	(tag) =	ssettag $0x0;
	lr =	simm.s32 $0x1  }
0x2: {  	[smem:$0x3F9A] =	sst lr;
	_ =	strace $0xD0000000  }
0x3: {  	_ = 	snop  }
0x4: {  	_ = 	snop  }
0x5: {  	_ = 	snop  }
0x6: {  	_ = 	snop  }
0x7: {  	_ = 	snop  }
__scs_overlays_trampoline_lowered:
0x8: {  	[smem:$0x3FA9] =	sst s0  }
0x9: {  	[smem:$0x3FAA] =	sst s1  }
0xa: {  	[smem:$0x3FAB] =	sst s2  }
0xb: {  	[smem:$0x3FAC] =	sst s3  }
0xc: {  	[smem:$0x3FAD] =	sst s4  }
0xd: {  	[smem:$0x3FAE] =	sst s5  }
0xe: {  	[smem:$0x3FAF] =	sst s6  }
0xf: {  	[smem:$0x3FB0] =	sst s7  }
0x10: {  	[smem:$0x3FB1] =	sst s8  }
0x11: {  	[smem:$0x3FB2] =	sst s9;
	s0 =	simm.s32 @!p0 $0x0  }
0x12: {  	s1 =	sld [smem:$0x3F98];
	s0 =	simm.s32 @p0 $0x1  }
0x13: {  	[smem:$0x3FB3] =	sst s0;
	s0 =	simm.s32 @!p1 $0x0  }
0x14: {  	s2 =	sld [smem:$0x3F97];
	s0 =	simm.s32 @p1 $0x1  }
0x15: {  	[smem:$0x3FB4] =	sst s0;
	s0 =	simm.s32 @!p2 $0x0  }
0x16: {  	s3 =	sld [smem:$0x3FDB];
	s0 =	simm.s32 @p2 $0x1  }
0x17: {  	s4 =	simm.s32 $0x1BF5;
	[smem:$0x3FB6] =	sst s0  }
0x18: {  	s0 =	sld [smem:$0x3F99];
	_ =	swait.ge [sflag:s4], $0x0  }
0x19: {  	s7 =	sld [smem:$0x3F9A]  }
0x1a: {  	s8 =	sadd.s32 $0xFFFFE003, lr  }
0x1b: {  	s9 =	sadd.s32 $0xFFFFFEF7, lr;
	s5 =	simm.s32 $0xFFFFFFFF;
	p2 =	slt.u32 s8, $0xFFFFF086  }
0x1c: {  	p1 =	slt.u32 s9, $0xF7A;
	s5 =	simm.s32 @!p2 $0x0  }
0x1d: {  	s5 =	simm.s32 @p1 $0x1;
	p0 =	seq.s32 s7, s2  }
0x1e: {  	s7 =	smul.u32 @!p0 $0xF7A, s2;
	p2 =	seq.s32 @!p0 s5, $0x0  }
0x1f: {  	s9 =	smul.u32 $0xF7A, s1;
	s8 =	simm.s32 @!p0 $0x1BF5;
	p2 =	por !p2, p0  }
0x20: {  	[sflag:s8] =	ssyncset.s32 @!p0 $0xFFFFF086;
	s6 =	sadd.s32 @!p0 s3, s7;
	s7 =	simm.s32 @!p0 $0x108  }
0x21: {  	s3 =	sadd.s32 s3, s9;
	s6 =	sadd.s32 @!p0 $0x88, s6;
	s7 =	simm.s32 @p2 $0x1082  }
0x22: {  	[simem:s7], [sflag:s8] =	dma.local @!p0 [hbm:s6], $0xF7A  }
0x23: {  	s9 =	sor.u32 $0xD0000000, s2;
	s6 =	simm.s32 $0x108;
	_ =	swait.ge @!p0 [sflag:s8], $0x0  }
0x24: {  	s3 =	sadd.s32 $0x88, s3;
	s6 =	simm.s32 @!p1 $0x1082;
	[sflag:s4] =	ssyncset.s32 $0xFFFFF086  }
0x25: {  	[simem:s6], [sflag:s4] =	dma.local [hbm:s3], $0xF7A  }
0x26: {  	[smem:$0x3F9A] =	sst s1;
	(tag) =	ssettag s2;
	_ =	strace s9  }
0x27: {  	s1 =	sld [smem:$0x3FAA]  }
0x28: {  	s2 =	sld [smem:$0x3FAB]  }
0x29: {  	s4 =	sld [smem:$0x3FAD]  }
0x2a: {  	p0 =	seq.s32 s5, $0x0;
	s5 =	sld [smem:$0x3FAE]  }
0x2b: {  	s6 =	sld [smem:$0x3FAF]  }
0x2c: {  	s7 =	sld [smem:$0x3FB0]  }
0x2d: {  	s3 =	simm.s32 $0x108;
	s8 =	sld [smem:$0x3FB1]  }
0x2e: {  	s3 =	simm.s32 @!p0 $0x1082;
	s9 =	sld [smem:$0x3FB2]  }
0x2f: {  	lr =	sadd.s32 s0, s3;
	s0 =	sld [smem:$0x3FA9]  }
0x30: {  	s3 =	sld [smem:$0x3FAC]  }
0x31: {  	[smem:$0x3FB5] =	sst s10  }
0x32: {  	s10 =	sld [smem:$0x3FB3];
	_ =	sdelay $0x3  }
0x33: {  	p0 =	seq.s32 s10, $0x1;
	s10 =	sld [smem:$0x3FB5];
	_ =	sdelay $0x3  }
0x34: {  	[smem:$0x3FB5] =	sst s10  }
0x35: {  	s10 =	sld [smem:$0x3FB4];
	_ =	sdelay $0x3  }
0x36: {  	p1 =	seq.s32 s10, $0x1;
	s10 =	sld [smem:$0x3FB5];
	_ =	sdelay $0x3  }
0x37: {  	[smem:$0x3FB5] =	sst s10  }
0x38: {  	s10 =	sld [smem:$0x3FB6]  }
0x39: {  	_ = 	snop;
	(pc) =	sbr.ind lr, $3  }
0x3a: {  	_ = 	snop  }
0x3b: {  	_ = 	snop  }
0x3c: {  	p2 =	seq.s32 s10, $0x1;
	s10 =	sld [smem:$0x3FB5]  }
0x3d: {  	_ =	shalt  }
0x3e: {  	_ =	shalt  }
0x3f: {  	_ =	shalt  }
0x40: {  	_ =	shalt  }
0x41: {  	_ =	shalt  }
0x42: {  	_ =	shalt  }
0x43: {  	_ =	shalt  }
0x44: {  	_ =	shalt  }
0x45: {  	_ =	shalt  }
0x46: {  	_ =	shalt  }
0x47: {  	_ =	shalt  }
0x48: {  	_ =	shalt  }
0x49: {  	_ =	shalt  }
0x4a: {  	_ =	shalt  }
0x4b: {  	_ =	shalt  }
0x4c: {  	_ =	shalt  }
0x4d: {  	_ =	shalt  }
0x4e: {  	_ =	shalt  }
0x4f: {  	_ =	shalt  }
0x50: {  	_ =	shalt  }
0x51: {  	_ =	shalt  }
0x52: {  	_ =	shalt  }
0x53: {  	_ =	shalt  }
0x54: {  	_ =	shalt  }
0x55: {  	_ =	shalt  }
0x56: {  	_ =	shalt  }
0x57: {  	_ =	shalt  }
0x58: {  	_ =	shalt  }
0x59: {  	_ =	shalt  }
0x5a: {  	_ =	shalt  }
0x5b: {  	_ =	shalt  }
0x5c: {  	_ =	shalt  }
0x5d: {  	_ =	shalt  }
0x5e: {  	_ =	shalt  }
0x5f: {  	_ =	shalt  }
0x60: {  	_ =	shalt  }
0x61: {  	_ =	shalt  }
0x62: {  	_ =	shalt  }
0x63: {  	_ =	shalt  }
0x64: {  	_ =	shalt  }
0x65: {  	_ =	shalt  }
0x66: {  	_ =	shalt  }
0x67: {  	_ =	shalt  }
0x68: {  	_ =	shalt  }
0x69: {  	_ =	shalt  }
0x6a: {  	_ =	shalt  }
0x6b: {  	_ =	shalt  }
0x6c: {  	_ =	shalt  }
0x6d: {  	_ =	shalt  }
0x6e: {  	_ =	shalt  }
0x6f: {  	_ =	shalt  }
0x70: {  	_ =	shalt  }
0x71: {  	_ =	shalt  }
0x72: {  	_ =	shalt  }
0x73: {  	_ =	shalt  }
0x74: {  	_ =	shalt  }
0x75: {  	_ =	shalt  }
0x76: {  	_ =	shalt  }
0x77: {  	_ =	shalt  }
0x78: {  	_ =	shalt  }
0x79: {  	_ =	shalt  }
0x7a: {  	_ =	shalt  }
0x7b: {  	_ =	shalt  }
0x7c: {  	_ =	shalt  }
0x7d: {  	_ =	shalt  }
0x7e: {  	_ =	shalt  }
0x7f: {  	_ =	shalt  }
0x80: {  	_ =	shalt  }
0x81: {  	_ =	shalt  }
0x82: {  	_ =	shalt  }
0x83: {  	_ =	shalt  }
0x84: {  	_ =	shalt  }
0x85: {  	_ =	shalt  }
0x86: {  	_ =	shalt  }
0x87: {  	_ =	shalt  }
.Lfunc_end0:
.L_simem_size_0:
called_computation_lowered:
.L_overlay_start_0:
0x88: {  	s2 =	sld [smem:$0x3FD9]  }
0x89: {  	s3 =	sld [smem:$0x3FFE];
	_ =	sdelay $0x1  }
0x8a: {  	s1 =	srdreg.scid  }
0x8b: {  	s0 =	sand.u32 $0x1, s1  }
0x8c: {  	s17 =	sshll.u32 s0, $0xA;
	s2 =	sadd.s32 s3, s2  }
0x8d: {  	s2 =	sadd.s32 s2, s17  }
0x8e: {  	[smem:$0x3FC1] =	sst s2  }
0x8f: {  	_ = 	snop  }
0x90: {  	s2 =	sld [smem:$0x3FC8]  }
0x91: {  	s18 =	sld [smem:$0x3FC5]  }
0x92: {  	s4 =	sld [smem:$0x3FD0];
	(tm) =	ssettm $0x1  }
0x93: {  	s5 =	sld [smem:$0x3FFB];
	_ =	sdelay $0x3  }
0x94: {  	_ =	strace s5  }
0x95: {  	s5 =	sld [smem:$0x3FFC];
	_ =	sdelay $0x3  }
0x96: {  	_ =	strace s5  }
0x97: {  	s5 =	sld [smem:$0x3FFD];
	_ =	sdelay $0x3  }
0x98: {  	_ =	strace s5  }
0x99: {  	_ =	strace $0x8FFFFFFF  }
0x9a: {  	s19 =	sld [smem:$0x3FDB];
	_ =	sdelay $0x1  }
0x9b: {  	s6 =	simm.s32 $_scs_section_size  }
0x9c: {  	s7 =	simm.s32 $_size__tile_overlayer_lowered;
	s8 =	simm.s32 $_tile_overlayer_lowered  }
0x9d: {  	s22 =	simm.s32 $0x1BFF;
	s21 =	sshll.u32 s8, $0x1;
	s5 =	sadd.s32 s6, s19  }
0x9e: {  	s9 =	simm.s32 $0x0;
	s20 =	sshll.u32 s7, $0x1;
	s7 =	sadd.s32 s21, s5  }
0x9f: {  	[timem:s9], [sflag:s22] =	dma.local [hbm:s7], s20  }
0xa0: {  	_ =	swait.ge [sflag:s22], s20  }
0xa1: {  	s6 =	ssub.s32 $0x0, s20;
	[sflag:s22] =	ssyncset.done $0x0  }
0xa2: {  	[sflag:s22] =	ssyncadd.s32 s6;
	_ =	sdelay $0x1  }
0xa3: {  	s23 =	simm.s32 $0x1B8B  }
0xa4: {  	_ =	swait.ge [sflag:s23], $0x1  }
0xa5: {  	[sflag:s23] =	ssyncset.done $0x0  }
0xa6: {  	s25 =	simm.s32 $0x1B8E;
	s24 =	sld [smem:$0x3FFE];
	[sflag:s23] =	ssyncadd.s32 $0xFFFFFFFF  }
0xa7: {  	s26 =	simm.s32 $execute0_lowered;
	[smem:$0x3FD2] =	sst s25  }
0xa8: {  	s7 =	sshll.u32 s26, $0x1;
	_ =	strace $0x80000046;
	[dreg:$0x1] =	wrdreg $0xFFFFFFFF  }
0xa9: {  	s28 =	simm.s32 $_size_execute0_lowered;
	s5 =	sadd.s32 s5, s7;
	[dreg:$0x0] =	wrdreg $0x0  }
0xaa: {  	s7 =	sshll.u32 s28, $0x1;
	[dreg:$0x2] =	wrdreg s5  }
0xab: {  	[dreg:$0x3] =	wrdreg s7  }
0xac: {  	[dreg:$0x4] =	wrdreg $0xC0  }
0xad: {  	_ =	task [dreg:s9], $0x5FFFF  }
0xae: {  	[dreg:$0x1] =	wrdreg $0xFFFFFFFF  }
0xaf: {  	[dreg:$0x0] =	wrdreg $0x60  }
0xb0: {  	[dreg:$0x2] =	wrdreg s24  }
0xb1: {  	[dreg:$0x3] =	wrdreg s2  }
0xb2: {  	[dreg:$0x4] =	wrdreg s18  }
0xb3: {  	[dreg:$0x5] =	wrdreg s4  }
0xb4: {  	[dreg:$0x6] =	wrdreg $0x9  }
0xb5: {  	_ =	task.clear_ibuf [dreg:s9], $0x7FFFF;
	_ =	strace $0x90000046  }
0xb6: {  	s29 =	simm.s32 $0x9;
	_ =	strace $0x80000048  }
0xb7: {  	_ =	swait.ge [sflag:s29], $0x1  }
0xb8: {  	[sflag:s29] =	ssyncadd.s32 $0xFFFFFFFF  }
0xb9: {  	_ =	strace $0x90000048  }
0xba: {  	_ =	sfence  }
0xbb: {  	s30 =	sld [smem:$0x0];
	_ =	sdelay $0x2  }
0xbc: {  	s31 =	sshll.u32 s1, $0xD;
	s1 =	sshrl.u32 s1, $0x2  }
0xbd: {  	s3 =	sand.u32 $0x4000, s31;
	s1 =	sadd.s32 s1, s30  }
0xbe: {  	s0 =	sor.u32 s3, s0;
	s1 =	sshll.u32 s1, $0x11  }
0xbf: {  	s0 =	sor.u32 s1, s0  }
0xc0: {  	s0 =	sadd.s32 $0x8F2B, s0  }
0xc1: {  	[sflag:s0] =	ssyncadd.remote.s32 $0x1  }
0xc2: {  	_ =	sfence.sel $0xFFFF  }
0xc3: {  	[dreg:$0x0] =	wrdreg $0xFFFFFFFF;
	(pc) =	sbr.abs _section_cstart, $3  }
0xc4: {  	[dreg:$0x1] =	wrdreg $0xFFFFFFFF  }
0xc5: {  	_ =	task.clear_ibuf [dreg:s9], $0x2FFFF;
	_ =	strace $0x9FFFFFFF  }
0xc6: {  	(tm) =	ssettm $0x7FFFFFFF  }
0xc7: {  	_ =	shalt  }
tec
execute0_lowered:
.L_overlay_start_1:
0x0: {  	(tag) =	ssettag $0x1  }
0x1: {  	s0 =	rddreg [dreg:$0x0]  }
0x2: {  	s2 =	rddreg [dreg:$0x1]  }
0x3: {  	s1 =	rddreg [dreg:$0x2];
	s4 =	simm.s32 $0x0  }
0x4: {  	s3 =	srdreg.scid;
	s5 =	stileid.u32;
	s11 =	simm.s32 $0x3  }
0x5: {  	s12 =	simm.s32 $0x200;
	s14 =	simm.s32 $0xA00;
	s15 =	simm.s32 $0x20  }
0x6: {  	s28 =	simm.s32 $0x500;
	s29 =	simm.s32 $0x6D00;
	s30 =	simm.s32 $0x580  }
0x7: {  	s31 =	simm.s32 $0x7D00;
	s10 =	simm.s32 $0x2;
	s13 =	simm.s32 $0x9100  }
0x8: {  	s17 =	simm.s32 $0x0;
	s22 =	simm.s32 $0x600;
	[smem:$0x7FF] =	sst s4  }
0x9: {  	s3 =	sand.u32 $0x1, s3;
	s6 =	sshll.u32 s5, $0xA;
	s5 =	sadd.s32 $0xA00, s0  }
0xa: {  	s7 =	sadd.s32 $0x20A00, s0;
	s8 =	ssub.s32 $0x2, s3;
	s3 =	sshll.u32 s3, $0x9  }
0xb: {  	_ =	strace $0x80000047;
	s9 =	sshrl.u32 s8, $0x1;
	s6 =	sor.u32 s3, s6  }
0xc: {  	s3 =	simm.s32 $0x8D00;
	s23 =	ssub.s32 s8, s9;
	s24 =	sshrl.u32 s6, $0x3  }
0xd: {  	s8 =	sadd.s32 $0x60A00, s0;
	s0 =	simm.s32 $0x8;
	s9 =	simm.s32 $0x1  }
0xe: {  	s25 =	sadd.s32 s2, s24;
	s26 =	smax.u32 s23, $0x1;
	s23 =	simm.s32 $0x400  }
0xf: {  	s24 =	simm.s32 $0x4D00;
	s2 =	simm.s32 $0xC00;
	[dreg:$0x5] =	wrdreg s25  }
0x10: {  	[dreg:$0x6] =	wrdreg s26;
	s25 =	simm.s32 $0x480;
	s26 =	simm.s32 $0x5D00  }
.LBB2_1:
0x11: {  	[dreg:$0x7] =	wrdreg s17  }
0x12: {  	s16 =	rddreg [dreg:$0x5]  }
0x13: {  	[tilespmem:s4], [sflag:$0x3] =	stream.linear.gather [hbm4b:s16+s4], $0x200, $0x38;
	[tilespmem:$0x9500] =	vst v63  }
0x14: {  	_ =	swait.ge [sflag:s11], $0x200  }
0x15: {  	[sflag:s11] =	ssyncset.done $0x0  }
0x16: {  	s16 =	simm.s32 $0x0;
	[sflag:s11] =	ssyncadd.s32 $0xFFFFFE00  }
.LBB2_2:
0x17: {  	s19 =	sshll.u32 s16, $0x3  }
0x18: {  	s20 =	sor.u32 s6, s19  }
0x19: {  	s17 =	sshll.u32 s20, $0x4  }
0x1a: {  	s18 =	simm.s32 $0x0;
	s21 =	sadd.s32 s7, s17  }
0x1b: {  	[tilespmem:s12], [sflag:$0x3] =	stream.linear.gather [hbm4b:s21+s18], $0x400, $0x38;
	[tilespmem:$0x9500] =	vst v63  }
0x1c: {  	_ =	swait.ge [sflag:s11], $0x400  }
0x1d: {  	[sflag:s11] =	ssyncset.done $0x0  }
0x1e: {  	s21 =	sadd.s32 s8, s17;
	[sflag:s11] =	ssyncadd.s32 $0xFFFFFC00  }
0x1f: {  	[tilespmem:s22], [sflag:$0x3] =	stream.linear.gather [hbm4b:s21+s18], $0x400, $0x38;
	[tilespmem:$0x9500] =	vst v63  }
0x20: {  	_ =	swait.ge [sflag:s11], $0x400  }
0x21: {  	s20 =	sshll.u32 s20, $0x3;
	[sflag:s11] =	ssyncset.done $0x0  }
0x22: {  	s20 =	sadd.s32 s5, s20;
	[sflag:s11] =	ssyncadd.s32 $0xFFFFFC00  }
0x23: {  	[tilespmem:s14], [sflag:$0x3] =	stream.linear.gather [hbm4b:s20+s18], $0x200, $0x38;
	[tilespmem:$0x9500] =	vst v63  }
0x24: {  	_ =	swait.ge [sflag:s11], $0x200  }
0x25: {  	[sflag:s11] =	ssyncset.done $0x0  }
0x26: {  	s21 =	simm.s32 $0xD00;
	[sflag:s11] =	ssyncadd.s32 $0xFFFFFE00  }
0x27: {  	[tilespmem:s21], [sflag:$0x1] =	stream.indirect.gather [hbm4b:s1+s15], $0x80, s12, s15, $0xb8;
	[tilespmem:$0x9500] =	vst v63  }
0x28: {  	s20 =	simm.s32 $0x280;
	s21 =	simm.s32 $0x1D00  }
0x29: {  	[tilespmem:s21], [sflag:$0x1] =	stream.indirect.gather [hbm4b:s1+s15], $0x80, s20, s15, $0xb8;
	[tilespmem:$0x9500] =	vst v63  }
0x2a: {  	s20 =	simm.s32 $0x300;
	s21 =	simm.s32 $0x2D00  }
0x2b: {  	[tilespmem:s21], [sflag:$0x1] =	stream.indirect.gather [hbm4b:s1+s15], $0x80, s20, s15, $0xb8;
	[tilespmem:$0x9500] =	vst v63  }
0x2c: {  	s20 =	simm.s32 $0x380;
	s21 =	simm.s32 $0x3D00  }
0x2d: {  	[tilespmem:s21], [sflag:$0x1] =	stream.indirect.gather [hbm4b:s1+s15], $0x80, s20, s15, $0xb8;
	[tilespmem:$0x9500] =	vst v63  }
0x2e: {  	_ = 	snop  }
0x2f: {  	[tilespmem:s24], [sflag:$0x1] =	stream.indirect.gather [hbm4b:s1+s15], $0x80, s23, s15, $0xb8;
	[tilespmem:$0x9500] =	vst v63  }
0x30: {  	_ = 	snop  }
0x31: {  	[tilespmem:s26], [sflag:$0x1] =	stream.indirect.gather [hbm4b:s1+s15], $0x80, s25, s15, $0xb8;
	[tilespmem:$0x9500] =	vst v63  }
0x32: {  	_ = 	snop  }
0x33: {  	[tilespmem:s29], [sflag:$0x1] =	stream.indirect.gather [hbm4b:s1+s15], $0x80, s28, s15, $0xb8;
	[tilespmem:$0x9500] =	vst v63  }
0x34: {  	_ = 	snop  }
0x35: {  	[tilespmem:s31], [sflag:$0x1] =	stream.indirect.gather [hbm4b:s1+s15], $0x80, s30, s15, $0xb8;
	[tilespmem:$0x9500] =	vst v63  }
0x36: {  	_ = 	snop  }
0x37: {  	[tilespmem:s3], [sflag:$0x2] =	stream.indirect.gather [hbm4b:s1+s0], $0x80, s19, s0, $0xb8;
	[tilespmem:$0x9500] =	vst v63  }
0x38: {  	v0 =	vld [tilespmem:$0x600]  }
0x39: {  	v1 =	vld [tilespmem:$0x610];
	_ =	sdelay $0x6  }
0x3a: {  	v0 =	vld.idx.msk [tilespmem:v0+s14+$0x0], $0xffff  }
0x3b: {  	v1 =	vld.idx.msk [tilespmem:v1+s14+$0x0], $0xffff;
	_ =	sdelay $0x3  }
0x3c: {  	(xrf0) =	vmax.scan.msk.f32 $0xffff, v0  }
0x3d: {  	(xrf0) =	vmax.scan.msk.f32 $0xffff, v1;
	_ =	sdelay $0x4  }
0x3e: {  	v2, _, _ =	vpop (xrf0)  }
0x3f: {  	(v2sf) =	vpush v2, $0xF;
	v2, _, _ =	vpop (xrf0)  }
0x40: {  	(v2sf) =	vpush v2, $0xF;
	_ =	sdelay $0xd  }
0x41: {  	s20 =	spop (v2sf)  }
0x42: {  	s21 =	spop (v2sf)  }
0x43: {  	s19 =	smax.f32 s20, s21  }
0x44: {  	v2 =	vmov s19  }
0x45: {  	v0 =	vsub.f32 v0, v2;
	_ =	sdelay $0x1  }
0x46: {  	v1 =	vsub.f32 v1, v2;
	v0 =	vmul.f32 $1.442695020e+00, v0;
	_ =	sdelay $0x1  }
0x47: {  	(erf) = vpow2.f32 v0;
	v0 =	vmul.f32 $1.442695020e+00, v1;
	_ =	sdelay $0x1  }
0x48: {  	(erf) = vpow2.f32 v0;
	_ =	sdelay $0x6  }
0x49: {  	v0 =	vpop (erf)  }
0x4a: {  	(xrf2) =	vadd.scan.msk.f32 $0xffff, v0  }
0x4b: {  	v1 =	vpop (erf)  }
0x4c: {  	(xrf2) =	vadd.scan.msk.f32 $0xffff, v1;
	_ =	sdelay $0x7  }
0x4d: {  	v2, _, _ =	vpop (xrf2)  }
0x4e: {  	(v2sf) =	vpush v2, $0xF  }
0x4f: {  	v2, _, _ =	vpop (xrf2)  }
0x50: {  	(v2sf) =	vpush v2, $0xF;
	_ =	sdelay $0xc  }
0x51: {  	s20 =	spop (v2sf)  }
0x52: {  	s19 =	sadd.f32 $0.0e+00, s20  }
0x53: {  	s21 =	spop (v2sf)  }
0x54: {  	s19 =	sadd.f32 s19, s21;
	_ =	sdelay $0x1  }
0x55: {  	v2 =	vmov s19  }
0x56: {  	(erf) = vrcp.f32 v2;
	_ =	sdelay $0x3  }
0x57: {  	v2 =	vld [tilespmem:$0x680]  }
0x58: {  	v3 =	vld [tilespmem:$0x690];
	_ =	sdelay $0x3  }
0x59: {  	v2 =	vadd.s32 $0x40, v2;
	v4 =	vpop (erf)  }
0x5a: {  	v3 =	vadd.s32 $0x40, v3;
	v0 =	vmul.f32 v4, v0  }
0x5b: {  	v1 =	vmul.f32 v4, v1  }
0x5c: {  	[tilespmem:$0xC00] =	vst v0  }
0x5d: {  	[tilespmem:$0xC10] =	vst v1  }
0x5e: {  	v0 =	vld.idx.msk [tilespmem:v2+s14+$0x0], $0xffff  }
0x5f: {  	v1 =	vld.idx.msk [tilespmem:v3+s14+$0x0], $0xffff;
	_ =	sdelay $0x3  }
0x60: {  	(xrf0) =	vmax.scan.msk.f32 $0xffff, v0  }
0x61: {  	(xrf0) =	vmax.scan.msk.f32 $0xffff, v1;
	_ =	sdelay $0x4  }
0x62: {  	v2, _, _ =	vpop (xrf0)  }
0x63: {  	(v2sf) =	vpush v2, $0xF;
	v2, _, _ =	vpop (xrf0)  }
0x64: {  	(v2sf) =	vpush v2, $0xF;
	_ =	sdelay $0xd  }
0x65: {  	s20 =	spop (v2sf)  }
0x66: {  	s21 =	spop (v2sf)  }
0x67: {  	s19 =	smax.f32 s20, s21  }
0x68: {  	v2 =	vmov s19  }
0x69: {  	v0 =	vsub.f32 v0, v2;
	_ =	sdelay $0x1  }
0x6a: {  	v1 =	vsub.f32 v1, v2;
	v0 =	vmul.f32 $1.442695020e+00, v0;
	_ =	sdelay $0x1  }
0x6b: {  	(erf) = vpow2.f32 v0;
	v0 =	vmul.f32 $1.442695020e+00, v1;
	_ =	sdelay $0x1  }
0x6c: {  	(erf) = vpow2.f32 v0;
	_ =	sdelay $0x6  }
0x6d: {  	v0 =	vpop (erf)  }
0x6e: {  	(xrf2) =	vadd.scan.msk.f32 $0xffff, v0  }
0x6f: {  	v1 =	vpop (erf)  }
0x70: {  	(xrf2) =	vadd.scan.msk.f32 $0xffff, v1;
	_ =	sdelay $0x7  }
0x71: {  	v2, _, _ =	vpop (xrf2)  }
0x72: {  	(v2sf) =	vpush v2, $0xF  }
0x73: {  	v2, _, _ =	vpop (xrf2)  }
0x74: {  	(v2sf) =	vpush v2, $0xF;
	_ =	sdelay $0xc  }
0x75: {  	s20 =	spop (v2sf)  }
0x76: {  	s19 =	sadd.f32 $0.0e+00, s20  }
0x77: {  	s21 =	spop (v2sf)  }
0x78: {  	s19 =	sadd.f32 s19, s21;
	_ =	sdelay $0x1  }
0x79: {  	v2 =	vmov s19  }
0x7a: {  	(erf) = vrcp.f32 v2;
	_ =	sdelay $0x3  }
0x7b: {  	v2 =	vld [tilespmem:$0x700]  }
0x7c: {  	v3 =	vld [tilespmem:$0x710];
	_ =	sdelay $0x3  }
0x7d: {  	v2 =	vadd.s32 $0x80, v2;
	v4 =	vpop (erf)  }
0x7e: {  	v3 =	vadd.s32 $0x80, v3;
	v0 =	vmul.f32 v4, v0  }
0x7f: {  	v1 =	vmul.f32 v4, v1  }
0x80: {  	[tilespmem:$0xC20] =	vst v0  }
0x81: {  	[tilespmem:$0xC30] =	vst v1  }
0x82: {  	v0 =	vld.idx.msk [tilespmem:v2+s14+$0x0], $0xffff  }
0x83: {  	v1 =	vld.idx.msk [tilespmem:v3+s14+$0x0], $0xffff;
	_ =	sdelay $0x3  }
0x84: {  	(xrf0) =	vmax.scan.msk.f32 $0xffff, v0  }
0x85: {  	(xrf0) =	vmax.scan.msk.f32 $0xffff, v1;
	_ =	sdelay $0x4  }
0x86: {  	v2, _, _ =	vpop (xrf0)  }
0x87: {  	(v2sf) =	vpush v2, $0xF;
	v2, _, _ =	vpop (xrf0)  }
0x88: {  	(v2sf) =	vpush v2, $0xF;
	_ =	sdelay $0xd  }
0x89: {  	s20 =	spop (v2sf)  }
0x8a: {  	s21 =	spop (v2sf)  }
0x8b: {  	s19 =	smax.f32 s20, s21  }
0x8c: {  	v2 =	vmov s19  }
0x8d: {  	v0 =	vsub.f32 v0, v2;
	_ =	sdelay $0x1  }
0x8e: {  	v1 =	vsub.f32 v1, v2;
	v0 =	vmul.f32 $1.442695020e+00, v0;
	_ =	sdelay $0x1  }
0x8f: {  	(erf) = vpow2.f32 v0;
	v0 =	vmul.f32 $1.442695020e+00, v1;
	_ =	sdelay $0x1  }
0x90: {  	(erf) = vpow2.f32 v0;
	_ =	sdelay $0x6  }
0x91: {  	v0 =	vpop (erf)  }
0x92: {  	(xrf2) =	vadd.scan.msk.f32 $0xffff, v0  }
0x93: {  	v1 =	vpop (erf)  }
0x94: {  	(xrf2) =	vadd.scan.msk.f32 $0xffff, v1;
	_ =	sdelay $0x7  }
0x95: {  	v2, _, _ =	vpop (xrf2)  }
0x96: {  	(v2sf) =	vpush v2, $0xF  }
0x97: {  	v2, _, _ =	vpop (xrf2)  }
0x98: {  	(v2sf) =	vpush v2, $0xF;
	_ =	sdelay $0xc  }
0x99: {  	s20 =	spop (v2sf)  }
0x9a: {  	s19 =	sadd.f32 $0.0e+00, s20  }
0x9b: {  	s21 =	spop (v2sf)  }
0x9c: {  	s19 =	sadd.f32 s19, s21;
	_ =	sdelay $0x1  }
0x9d: {  	v2 =	vmov s19  }
0x9e: {  	(erf) = vrcp.f32 v2;
	_ =	sdelay $0x3  }
0x9f: {  	v2 =	vld [tilespmem:$0x780]  }
0xa0: {  	v3 =	vld [tilespmem:$0x790];
	_ =	sdelay $0x3  }
0xa1: {  	v2 =	vadd.s32 $0xC0, v2;
	v4 =	vpop (erf)  }
0xa2: {  	v3 =	vadd.s32 $0xC0, v3;
	v0 =	vmul.f32 v4, v0  }
0xa3: {  	v1 =	vmul.f32 v4, v1  }
0xa4: {  	[tilespmem:$0xC40] =	vst v0  }
0xa5: {  	[tilespmem:$0xC50] =	vst v1  }
0xa6: {  	v0 =	vld.idx.msk [tilespmem:v2+s14+$0x0], $0xffff  }
0xa7: {  	v1 =	vld.idx.msk [tilespmem:v3+s14+$0x0], $0xffff;
	_ =	sdelay $0x3  }
0xa8: {  	(xrf0) =	vmax.scan.msk.f32 $0xffff, v0  }
0xa9: {  	(xrf0) =	vmax.scan.msk.f32 $0xffff, v1;
	_ =	sdelay $0x4  }
0xaa: {  	v2, _, _ =	vpop (xrf0)  }
0xab: {  	(v2sf) =	vpush v2, $0xF;
	v2, _, _ =	vpop (xrf0)  }
0xac: {  	(v2sf) =	vpush v2, $0xF;
	_ =	sdelay $0xd  }
0xad: {  	s20 =	spop (v2sf)  }
0xae: {  	s21 =	spop (v2sf)  }
0xaf: {  	s19 =	smax.f32 s20, s21  }
0xb0: {  	v2 =	vmov s19  }
0xb1: {  	v0 =	vsub.f32 v0, v2;
	_ =	sdelay $0x1  }
0xb2: {  	v1 =	vsub.f32 v1, v2;
	v0 =	vmul.f32 $1.442695020e+00, v0;
	_ =	sdelay $0x1  }
0xb3: {  	(erf) = vpow2.f32 v0;
	v0 =	vmul.f32 $1.442695020e+00, v1;
	_ =	sdelay $0x1  }
0xb4: {  	(erf) = vpow2.f32 v0;
	_ =	sdelay $0x6  }
0xb5: {  	v0 =	vpop (erf)  }
0xb6: {  	(xrf2) =	vadd.scan.msk.f32 $0xffff, v0  }
0xb7: {  	v1 =	vpop (erf)  }
0xb8: {  	(xrf2) =	vadd.scan.msk.f32 $0xffff, v1;
	_ =	sdelay $0x7  }
0xb9: {  	v2, _, _ =	vpop (xrf2)  }
0xba: {  	(v2sf) =	vpush v2, $0xF  }
0xbb: {  	v2, _, _ =	vpop (xrf2)  }
0xbc: {  	(v2sf) =	vpush v2, $0xF;
	_ =	sdelay $0xc  }
0xbd: {  	s20 =	spop (v2sf)  }
0xbe: {  	s19 =	sadd.f32 $0.0e+00, s20  }
0xbf: {  	s21 =	spop (v2sf)  }
0xc0: {  	s19 =	sadd.f32 s19, s21;
	_ =	sdelay $0x1  }
0xc1: {  	v2 =	vmov s19  }
0xc2: {  	(erf) = vrcp.f32 v2;
	_ =	sdelay $0x3  }
0xc3: {  	v2 =	vld [tilespmem:$0x800]  }
0xc4: {  	v3 =	vld [tilespmem:$0x810];
	_ =	sdelay $0x3  }
0xc5: {  	v2 =	vadd.s32 $0x100, v2;
	v4 =	vpop (erf)  }
0xc6: {  	v3 =	vadd.s32 $0x100, v3;
	v0 =	vmul.f32 v4, v0  }
0xc7: {  	v1 =	vmul.f32 v4, v1  }
0xc8: {  	[tilespmem:$0xC60] =	vst v0  }
0xc9: {  	[tilespmem:$0xC70] =	vst v1  }
0xca: {  	v0 =	vld.idx.msk [tilespmem:v2+s14+$0x0], $0xffff  }
0xcb: {  	v1 =	vld.idx.msk [tilespmem:v3+s14+$0x0], $0xffff;
	_ =	sdelay $0x3  }
0xcc: {  	(xrf0) =	vmax.scan.msk.f32 $0xffff, v0  }
0xcd: {  	(xrf0) =	vmax.scan.msk.f32 $0xffff, v1;
	_ =	sdelay $0x4  }
0xce: {  	v2, _, _ =	vpop (xrf0)  }
0xcf: {  	(v2sf) =	vpush v2, $0xF;
	v2, _, _ =	vpop (xrf0)  }
0xd0: {  	(v2sf) =	vpush v2, $0xF;
	_ =	sdelay $0xd  }
0xd1: {  	s20 =	spop (v2sf)  }
0xd2: {  	s21 =	spop (v2sf)  }
0xd3: {  	s19 =	smax.f32 s20, s21  }
0xd4: {  	v2 =	vmov s19  }
0xd5: {  	v0 =	vsub.f32 v0, v2;
	_ =	sdelay $0x1  }
0xd6: {  	v1 =	vsub.f32 v1, v2;
	v0 =	vmul.f32 $1.442695020e+00, v0;
	_ =	sdelay $0x1  }
0xd7: {  	(erf) = vpow2.f32 v0;
	v0 =	vmul.f32 $1.442695020e+00, v1;
	_ =	sdelay $0x1  }
0xd8: {  	(erf) = vpow2.f32 v0;
	_ =	sdelay $0x6  }
0xd9: {  	v0 =	vpop (erf)  }
0xda: {  	(xrf2) =	vadd.scan.msk.f32 $0xffff, v0  }
0xdb: {  	v1 =	vpop (erf)  }
0xdc: {  	(xrf2) =	vadd.scan.msk.f32 $0xffff, v1;
	_ =	sdelay $0x7  }
0xdd: {  	v2, _, _ =	vpop (xrf2)  }
0xde: {  	(v2sf) =	vpush v2, $0xF  }
0xdf: {  	v2, _, _ =	vpop (xrf2)  }
0xe0: {  	(v2sf) =	vpush v2, $0xF;
	_ =	sdelay $0xc  }
0xe1: {  	s20 =	spop (v2sf)  }
0xe2: {  	s19 =	sadd.f32 $0.0e+00, s20  }
0xe3: {  	s21 =	spop (v2sf)  }
0xe4: {  	s19 =	sadd.f32 s19, s21;
	_ =	sdelay $0x1  }
0xe5: {  	v2 =	vmov s19  }
0xe6: {  	(erf) = vrcp.f32 v2;
	_ =	sdelay $0x3  }
0xe7: {  	v2 =	vld [tilespmem:$0x880]  }
0xe8: {  	v3 =	vld [tilespmem:$0x890];
	_ =	sdelay $0x3  }
0xe9: {  	v2 =	vadd.s32 $0x140, v2;
	v4 =	vpop (erf)  }
0xea: {  	v3 =	vadd.s32 $0x140, v3;
	v0 =	vmul.f32 v4, v0  }
0xeb: {  	v1 =	vmul.f32 v4, v1  }
0xec: {  	[tilespmem:$0xC80] =	vst v0  }
0xed: {  	[tilespmem:$0xC90] =	vst v1  }
0xee: {  	v0 =	vld.idx.msk [tilespmem:v2+s14+$0x0], $0xffff  }
0xef: {  	v1 =	vld.idx.msk [tilespmem:v3+s14+$0x0], $0xffff;
	_ =	sdelay $0x3  }
0xf0: {  	(xrf0) =	vmax.scan.msk.f32 $0xffff, v0  }
0xf1: {  	(xrf0) =	vmax.scan.msk.f32 $0xffff, v1;
	_ =	sdelay $0x4  }
0xf2: {  	v2, _, _ =	vpop (xrf0)  }
0xf3: {  	(v2sf) =	vpush v2, $0xF;
	v2, _, _ =	vpop (xrf0)  }
0xf4: {  	(v2sf) =	vpush v2, $0xF;
	_ =	sdelay $0xd  }
0xf5: {  	s20 =	spop (v2sf)  }
0xf6: {  	s21 =	spop (v2sf)  }
0xf7: {  	s19 =	smax.f32 s20, s21  }
0xf8: {  	v2 =	vmov s19  }
0xf9: {  	v0 =	vsub.f32 v0, v2;
	_ =	sdelay $0x1  }
0xfa: {  	v1 =	vsub.f32 v1, v2;
	v0 =	vmul.f32 $1.442695020e+00, v0;
	_ =	sdelay $0x1  }
0xfb: {  	(erf) = vpow2.f32 v0;
	v0 =	vmul.f32 $1.442695020e+00, v1;
	_ =	sdelay $0x1  }
0xfc: {  	(erf) = vpow2.f32 v0;
	_ =	sdelay $0x6  }
0xfd: {  	v0 =	vpop (erf)  }
0xfe: {  	(xrf2) =	vadd.scan.msk.f32 $0xffff, v0  }
0xff: {  	v1 =	vpop (erf)  }
0x100: {  	(xrf2) =	vadd.scan.msk.f32 $0xffff, v1;
	_ =	sdelay $0x7  }
0x101: {  	v2, _, _ =	vpop (xrf2)  }
0x102: {  	(v2sf) =	vpush v2, $0xF  }
0x103: {  	v2, _, _ =	vpop (xrf2)  }
0x104: {  	(v2sf) =	vpush v2, $0xF;
	_ =	sdelay $0xc  }
0x105: {  	s20 =	spop (v2sf)  }
0x106: {  	s19 =	sadd.f32 $0.0e+00, s20  }
0x107: {  	s21 =	spop (v2sf)  }
0x108: {  	s19 =	sadd.f32 s19, s21;
	_ =	sdelay $0x1  }
0x109: {  	v2 =	vmov s19  }
0x10a: {  	(erf) = vrcp.f32 v2;
	_ =	sdelay $0x3  }
0x10b: {  	v2 =	vld [tilespmem:$0x900]  }
0x10c: {  	v3 =	vld [tilespmem:$0x910];
	_ =	sdelay $0x3  }
0x10d: {  	v2 =	vadd.s32 $0x180, v2;
	v4 =	vpop (erf)  }
0x10e: {  	v3 =	vadd.s32 $0x180, v3;
	v0 =	vmul.f32 v4, v0  }
0x10f: {  	v1 =	vmul.f32 v4, v1  }
0x110: {  	[tilespmem:$0xCA0] =	vst v0  }
0x111: {  	[tilespmem:$0xCB0] =	vst v1  }
0x112: {  	v0 =	vld.idx.msk [tilespmem:v2+s14+$0x0], $0xffff  }
0x113: {  	v1 =	vld.idx.msk [tilespmem:v3+s14+$0x0], $0xffff;
	_ =	sdelay $0x3  }
0x114: {  	(xrf0) =	vmax.scan.msk.f32 $0xffff, v0  }
0x115: {  	(xrf0) =	vmax.scan.msk.f32 $0xffff, v1;
	_ =	sdelay $0x4  }
0x116: {  	v2, _, _ =	vpop (xrf0)  }
0x117: {  	(v2sf) =	vpush v2, $0xF;
	v2, _, _ =	vpop (xrf0)  }
0x118: {  	(v2sf) =	vpush v2, $0xF;
	_ =	sdelay $0xd  }
0x119: {  	s20 =	spop (v2sf)  }
0x11a: {  	s21 =	spop (v2sf)  }
0x11b: {  	s19 =	smax.f32 s20, s21  }
0x11c: {  	v2 =	vmov s19  }
0x11d: {  	v0 =	vsub.f32 v0, v2;
	_ =	sdelay $0x1  }
0x11e: {  	v1 =	vsub.f32 v1, v2;
	v0 =	vmul.f32 $1.442695020e+00, v0;
	_ =	sdelay $0x1  }
0x11f: {  	(erf) = vpow2.f32 v0;
	v0 =	vmul.f32 $1.442695020e+00, v1;
	_ =	sdelay $0x1  }
0x120: {  	(erf) = vpow2.f32 v0;
	_ =	sdelay $0x6  }
0x121: {  	v0 =	vpop (erf)  }
0x122: {  	(xrf2) =	vadd.scan.msk.f32 $0xffff, v0  }
0x123: {  	v1 =	vpop (erf)  }
0x124: {  	(xrf2) =	vadd.scan.msk.f32 $0xffff, v1;
	_ =	sdelay $0x7  }
0x125: {  	v2, _, _ =	vpop (xrf2)  }
0x126: {  	(v2sf) =	vpush v2, $0xF  }
0x127: {  	v2, _, _ =	vpop (xrf2)  }
0x128: {  	(v2sf) =	vpush v2, $0xF;
	_ =	sdelay $0xc  }
0x129: {  	s20 =	spop (v2sf)  }
0x12a: {  	s19 =	sadd.f32 $0.0e+00, s20  }
0x12b: {  	s21 =	spop (v2sf)  }
0x12c: {  	s19 =	sadd.f32 s19, s21;
	_ =	sdelay $0x1  }
0x12d: {  	v2 =	vmov s19  }
0x12e: {  	(erf) = vrcp.f32 v2;
	_ =	sdelay $0x3  }
0x12f: {  	v2 =	vld [tilespmem:$0x980]  }
0x130: {  	v3 =	vld [tilespmem:$0x990];
	_ =	sdelay $0x3  }
0x131: {  	v2 =	vadd.s32 $0x1C0, v2;
	v4 =	vpop (erf)  }
0x132: {  	v3 =	vadd.s32 $0x1C0, v3;
	v0 =	vmul.f32 v4, v0  }
0x133: {  	v1 =	vmul.f32 v4, v1  }
0x134: {  	[tilespmem:$0xCC0] =	vst v0  }
0x135: {  	[tilespmem:$0xCD0] =	vst v1  }
0x136: {  	v0 =	vld.idx.msk [tilespmem:v2+s14+$0x0], $0xffff  }
0x137: {  	v1 =	vld.idx.msk [tilespmem:v3+s14+$0x0], $0xffff;
	_ =	sdelay $0x3  }
0x138: {  	(xrf0) =	vmax.scan.msk.f32 $0xffff, v0  }
0x139: {  	(xrf0) =	vmax.scan.msk.f32 $0xffff, v1;
	_ =	sdelay $0x4  }
0x13a: {  	v2, _, _ =	vpop (xrf0)  }
0x13b: {  	(v2sf) =	vpush v2, $0xF;
	v2, _, _ =	vpop (xrf0)  }
0x13c: {  	(v2sf) =	vpush v2, $0xF;
	_ =	sdelay $0xd  }
0x13d: {  	s20 =	spop (v2sf)  }
0x13e: {  	s21 =	spop (v2sf)  }
0x13f: {  	s19 =	smax.f32 s20, s21  }
0x140: {  	v2 =	vmov s19  }
0x141: {  	v0 =	vsub.f32 v0, v2;
	_ =	sdelay $0x1  }
0x142: {  	v1 =	vsub.f32 v1, v2;
	v0 =	vmul.f32 $1.442695020e+00, v0;
	_ =	sdelay $0x1  }
0x143: {  	(erf) = vpow2.f32 v0;
	v0 =	vmul.f32 $1.442695020e+00, v1;
	_ =	sdelay $0x1  }
0x144: {  	(erf) = vpow2.f32 v0;
	_ =	sdelay $0x6  }
0x145: {  	v0 =	vpop (erf)  }
0x146: {  	(xrf2) =	vadd.scan.msk.f32 $0xffff, v0  }
0x147: {  	v1 =	vpop (erf)  }
0x148: {  	(xrf2) =	vadd.scan.msk.f32 $0xffff, v1;
	_ =	sdelay $0x7  }
0x149: {  	v2, _, _ =	vpop (xrf2)  }
0x14a: {  	(v2sf) =	vpush v2, $0xF  }
0x14b: {  	v2, _, _ =	vpop (xrf2)  }
0x14c: {  	(v2sf) =	vpush v2, $0xF;
	_ =	sdelay $0xc  }
0x14d: {  	s20 =	spop (v2sf)  }
0x14e: {  	s19 =	sadd.f32 $0.0e+00, s20  }
0x14f: {  	s21 =	spop (v2sf)  }
0x150: {  	s19 =	sadd.f32 s19, s21;
	_ =	sdelay $0x1  }
0x151: {  	v2 =	vmov s19  }
0x152: {  	(erf) = vrcp.f32 v2;
	_ =	sdelay $0x8  }
0x153: {  	v2 =	vpop (erf)  }
0x154: {  	v0 =	vmul.f32 v2, v0  }
0x155: {  	v1 =	vmul.f32 v2, v1  }
0x156: {  	[tilespmem:$0xCE0] =	vst v0  }
0x157: {  	[tilespmem:$0xCF0] =	vst v1  }
0x158: {  	_ =	swait.ge [sflag:s9], $0x1000  }
0x159: {  	[sflag:s9] =	ssyncset.done $0x0  }
0x15a: {  	[sflag:s9] =	ssyncadd.s32 $0xFFFFF000  }
0x15b: {  	_ =	swait.ge [sflag:s9], $0x1000  }
0x15c: {  	[sflag:s9] =	ssyncset.done $0x0  }
0x15d: {  	[sflag:s9] =	ssyncadd.s32 $0xFFFFF000  }
0x15e: {  	_ =	swait.ge [sflag:s9], $0x1000  }
0x15f: {  	[sflag:s9] =	ssyncset.done $0x0  }
0x160: {  	[sflag:s9] =	ssyncadd.s32 $0xFFFFF000  }
0x161: {  	_ =	swait.ge [sflag:s9], $0x1000  }
0x162: {  	[sflag:s9] =	ssyncset.done $0x0  }
0x163: {  	[sflag:s9] =	ssyncadd.s32 $0xFFFFF000  }
0x164: {  	_ =	swait.ge [sflag:s9], $0x1000  }
0x165: {  	[sflag:s9] =	ssyncset.done $0x0  }
0x166: {  	[sflag:s9] =	ssyncadd.s32 $0xFFFFF000  }
0x167: {  	_ =	swait.ge [sflag:s9], $0x1000  }
0x168: {  	[sflag:s9] =	ssyncset.done $0x0  }
0x169: {  	[sflag:s9] =	ssyncadd.s32 $0xFFFFF000  }
0x16a: {  	_ =	swait.ge [sflag:s9], $0x1000  }
0x16b: {  	[sflag:s9] =	ssyncset.done $0x0  }
0x16c: {  	[sflag:s9] =	ssyncadd.s32 $0xFFFFF000  }
0x16d: {  	_ =	swait.ge [sflag:s9], $0x1000  }
0x16e: {  	v0 =	vmov s18;
	[sflag:s9] =	ssyncset.done $0x0  }
0x16f: {  	[sflag:s9] =	ssyncadd.s32 $0xFFFFF000  }
0x170: {  	_ =	swait.ge [sflag:s10], $0x400  }
0x171: {  	[sflag:s10] =	ssyncset.done $0x0  }
0x172: {  	[sflag:s10] =	ssyncadd.s32 $0xFFFFFC00  }
0x173: {  	s21 =	simm.s32 $0xD40;
	v8 =	vld.idx.msk [tilespmem:v0+s2+$0x0], $0xffff  }
0x174: {  	v0 =	vld [tilespmem:s21+$0x30]  }
0x175: {  	v1 =	vld [tilespmem:s21+$0xFFFFFFC0]  }
0x176: {  	v2 =	vld [tilespmem:s21+$0xFFFFFFD0]  }
0x177: {  	v4 =	vld [tilespmem:s21+$0xFFFFFFE0]  }
0x178: {  	s20 =	simm.s32 $0x1;
	v7 =	vld [tilespmem:s21+$0xFFFFFFF0]  }
0x179: {  	v3 =	vmov s20;
	v11 =	vld [tilespmem:s21+$0x0]  }
0x17a: {  	v12 =	vld [tilespmem:s21+$0x10]  }
0x17b: {  	v15 =	vld [tilespmem:s21+$0x20]  }
0x17c: {  	s18 =	simm.s32 $0xDC0;
	v6 =	vmul.f32 v0, v8;
	v1 =	vmul.f32 v1, v8  }
0x17d: {  	v5 =	vimm.f32 $0.0e+00;
	v9 =	vld [tilespmem:s18+$0x30];
	s21 =	simm.s32 $0x2;
	v10 =	vmul.f32 v2, v8;
	v4 =	vmul.f32 v4, v8  }
0x17e: {  	v13 =	vmov s21;
	v0 =	vld.idx.msk [tilespmem:v3+s2+$0x0], $0xffff;
	v7 =	vmul.f32 v7, v8;
	v16 =	vmul.f32 v11, v8  }
0x17f: {  	v14 =	vmul.f32 v12, v8;
	v6 =	vadd.f32 v6, v5;
	v3 =	vadd.f32 v10, v5;
	v10 =	vld [tilespmem:s18+$0xFFFFFFC0]  }
0x180: {  	v11 =	vld [tilespmem:s18+$0xFFFFFFD0];
	v15 =	vmul.f32 v15, v8;
	v2 =	vadd.f32 v1, v5;
	v1 =	vadd.f32 v4, v5  }
0x181: {  	s19 =	simm.s32 $0x3;
	v12 =	vld [tilespmem:s18+$0xFFFFFFE0];
	v8 =	vimm.f32 $0.0e+00;
	v4 =	vadd.f32 v7, v5;
	v7 =	vadd.f32 v16, v5  }
.LBB2_3:
0x182: {  	p0 =	sne.s32 s19, $0x1F;
	v16 =	vld [tilespmem:s18+$0xFFFFFFF0];
	v5 =	vadd.f32 v14, v5  }
0x183: {  	v14 =	vld [tilespmem:s18+$0x0];
	v9 =	vmul.f32 v9, v0;
	v8 =	vadd.f32 v15, v8;
	v15 =	vmov v0  }
0x184: {  	v10 =	vmul.f32 v10, v15;
	v17 =	vld [tilespmem:s18+$0x10]  }
0x185: {  	v11 =	vmul.f32 v11, v15;
	v18 =	vld [tilespmem:s18+$0x20];
	v6 =	vadd.f32 v9, v6  }
.Ltmp0:
0x186: {  	s18 =	sadd.s32 $0x80, s18;
	v0 =	vld.idx.msk [tilespmem:v13+s2+$0x0], $0xffff;
	v2 =	vadd.f32 v10, v2;
	v12 =	vmul.f32 v12, v15;
	(pc) =	sbr.rel @p0 .LBB2_3-.Ltmp0, $4  }
0x187: {  	v9 =	vld [tilespmem:s18+$0x30];
	v3 =	vadd.f32 v11, v3;
	v13 =	vmul.f32 v16, v15  }
0x188: {  	v10 =	vld [tilespmem:s18+$0xFFFFFFC0];
	v1 =	vadd.f32 v12, v1;
	v16 =	vmul.f32 v14, v15  }
0x189: {  	v11 =	vld [tilespmem:s18+$0xFFFFFFD0];
	v4 =	vadd.f32 v13, v4;
	v14 =	vmul.f32 v17, v15  }
0x18a: {  	v13 =	vmov s19;
	s19 =	sadd.s32 $0x1, s19;
	v12 =	vld [tilespmem:s18+$0xFFFFFFE0];
	v7 =	vadd.f32 v16, v7;
	v15 =	vmul.f32 v18, v15  }
0x18b: {  	v16 =	vld [tilespmem:s18+$0xFFFFFFF0]  }
0x18c: {  	v17 =	vld [tilespmem:s18+$0x0]  }
0x18d: {  	v18 =	vld [tilespmem:s18+$0x10]  }
0x18e: {  	v19 =	vld [tilespmem:s18+$0x20]  }
0x18f: {  	v13 =	vld.idx.msk [tilespmem:v13+s2+$0x0], $0xffff;
	s21 =	sadd.s32 $0x80, s18  }
0x190: {  	v20 =	vld [tilespmem:s21+$0x30]  }
0x191: {  	v21 =	vld [tilespmem:s21+$0xFFFFFFC0]  }
0x192: {  	v9 =	vmul.f32 v9, v0;
	v22 =	vld [tilespmem:s21+$0xFFFFFFD0]  }
0x193: {  	v5 =	vadd.f32 v14, v5;
	v14 =	vld [tilespmem:s21+$0xFFFFFFE0];
	v10 =	vmul.f32 v10, v0  }
0x194: {  	v8 =	vadd.f32 v15, v8;
	v15 =	vld [tilespmem:s21+$0x0];
	v11 =	vmul.f32 v11, v0;
	v6 =	vadd.f32 v9, v6  }
0x195: {  	v9 =	vld [tilespmem:s21+$0xFFFFFFF0];
	v2 =	vadd.f32 v10, v2;
	v10 =	vmul.f32 v12, v0;
	v12 =	vmul.f32 v16, v0  }
0x196: {  	v3 =	vadd.f32 v11, v3;
	v11 =	vmul.f32 v17, v0;
	v16 =	vmul.f32 v18, v0;
	v17 =	vld [tilespmem:s21+$0x10]  }
0x197: {  	v0 =	vmul.f32 v19, v0;
	v1 =	vadd.f32 v10, v1;
	v10 =	vld [tilespmem:s21+$0x20];
	v4 =	vadd.f32 v12, v4  }
0x198: {  	v7 =	vadd.f32 v11, v7;
	v5 =	vadd.f32 v16, v5;
	v11 =	vmul.f32 v20, v13;
	v12 =	vld [tilespmem:$0x8D00]  }
0x199: {  	v18 =	vld [tilespmem:$0x8D10];
	v0 =	vadd.f32 v0, v8;
	v8 =	vmul.f32 v21, v13;
	v16 =	vmul.f32 v22, v13  }
0x19a: {  	v9 =	vmul.f32 v9, v13;
	v6 =	vadd.f32 v11, v6;
	v11 =	vmul.f32 v14, v13;
	v14 =	vld [tilespmem:$0x8D20]  }
0x19b: {  	v2 =	vadd.f32 v8, v2;
	v3 =	vadd.f32 v16, v3;
	v8 =	vmul.f32 v15, v13;
	v15 =	vld [tilespmem:$0x8D30]  }
0x19c: {  	v4 =	vadd.f32 v9, v4;
	v9 =	vmul.f32 v17, v13;
	v1 =	vadd.f32 v11, v1;
	v11 =	vld [tilespmem:$0x8D40]  }
0x19d: {  	v7 =	vadd.f32 v8, v7;
	v8 =	vmul.f32 v10, v13;
	v10 =	vld [tilespmem:$0x8D50];
	v2 =	vadd.f32 v12, v2  }
0x19e: {  	v3 =	vadd.f32 v18, v3;
	v5 =	vadd.f32 v9, v5;
	v9 =	vld [tilespmem:$0x8D60]  }
0x19f: {  	v0 =	vadd.f32 v8, v0;
	v8 =	vld [tilespmem:$0x8D70];
	v2 =	vmax.f32 v2, $0.0e+00;
	v1 =	vadd.f32 v14, v1  }
0x1a0: {  	[tilespmem:$0x9100] =	vst v2;
	v2 =	vmax.f32 v3, $0.0e+00;
	v3 =	vadd.f32 v15, v4  }
0x1a1: {  	[tilespmem:$0x9110] =	vst v2;
	v1 =	vmax.f32 v1, $0.0e+00;
	v2 =	vadd.f32 v11, v7  }
0x1a2: {  	s19 =	simm.s32 $0x0;
	[tilespmem:$0x9120] =	vst v1;
	v1 =	vmax.f32 v3, $0.0e+00;
	v3 =	vadd.f32 v10, v5  }
0x1a3: {  	v4 =	vmov s19;
	v0 =	vadd.f32 v9, v0;
	[tilespmem:$0x9130] =	vst v1;
	v1 =	vmax.f32 v2, $0.0e+00  }
0x1a4: {  	v4 =	vadd.s32 $0x20, v4;
	v2 =	vadd.f32 v8, v6;
	[tilespmem:$0x9140] =	vst v1;
	v1 =	vmax.f32 v3, $0.0e+00  }
0x1a5: {  	v4 =	vbroadcast v4, $0x0;
	v0 =	vmax.f32 v0, $0.0e+00;
	[tilespmem:$0x9150] =	vst v1  }
0x1a6: {  	[tilespmem:$0x9160] =	vst v0;
	v0 =	vmax.f32 v2, $0.0e+00  }
0x1a7: {  	s20 =	simm.s32 $0x1D70;
	[tilespmem:$0x9170] =	vst v0  }
0x1a8: {  	v1 =	vld [tilespmem:s20+$0x0]  }
0x1a9: {  	v3 =	vld [tilespmem:s20+$0xFFFFFF90]  }
0x1aa: {  	v7 =	vld [tilespmem:s20+$0xFFFFFFB0]  }
0x1ab: {  	s19 =	simm.s32 $0x1;
	v0 =	vld.idx.msk [tilespmem:v4+s2+$0x0], $0xffff  }
0x1ac: {  	v2 =	vmov s19;
	v4 =	vld [tilespmem:s20+$0xFFFFFFA0]  }
0x1ad: {  	v2 =	vadd.s32 $0x20, v2;
	v8 =	vld [tilespmem:s20+$0xFFFFFFC0]  }
0x1ae: {  	v6 =	vbroadcast v2, $0x0  }
0x1af: {  	s21 =	simm.s32 $0x2  }
0x1b0: {  	v16 =	vmov s21;
	v10 =	vld [tilespmem:s20+$0xFFFFFFD0];
	v1 =	vmul.f32 v1, v0  }
0x1b1: {  	v5 =	vimm.f32 $0.0e+00;
	v12 =	vld [tilespmem:s20+$0xFFFFFFE0];
	v2 =	vmul.f32 v3, v0;
	v3 =	vmul.f32 v4, v0  }
0x1b2: {  	s18 =	simm.s32 $0x1DF0;
	v9 =	vimm.f32 $0.0e+00;
	v11 =	vld [tilespmem:s20+$0xFFFFFFF0];
	v14 =	vmul.f32 v7, v0;
	v15 =	vmul.f32 v8, v0  }
0x1b3: {  	v13 =	vld [tilespmem:s18+$0x0];
	v7 =	vimm.f32 $0.0e+00;
	v8 =	vimm.f32 $0.0e+00;
	v1 =	vadd.f32 v1, v5  }
0x1b4: {  	s19 =	simm.s32 $0x3;
	v4 =	vld.idx.msk [tilespmem:v6+s2+$0x0], $0xffff;
	v6 =	vimm.f32 $0.0e+00;
	v2 =	vadd.f32 v2, v5;
	v3 =	vadd.f32 v3, v5  }
.LBB2_5:
0x1b5: {  	p0 =	sne.s32 s19, $0x1F;
	v16 =	vadd.s32 $0x20, v16;
	v17 =	vld [tilespmem:s18+$0xFFFFFF90];
	v5 =	vadd.f32 v14, v5;
	v10 =	vmul.f32 v10, v0  }
0x1b6: {  	v14 =	vbroadcast v16, $0x0;
	v16 =	vld [tilespmem:s18+$0xFFFFFFA0];
	v9 =	vadd.f32 v15, v9;
	v12 =	vmul.f32 v12, v0  }
0x1b7: {  	v15 =	vld [tilespmem:s18+$0xFFFFFFB0];
	v7 =	vadd.f32 v10, v7;
	v11 =	vmul.f32 v11, v0  }
0x1b8: {  	v18 =	vld [tilespmem:s18+$0xFFFFFFC0];
	v8 =	vadd.f32 v12, v8  }
.Ltmp1:
0x1b9: {  	v0 =	vmov v4;
	v10 =	vld [tilespmem:s18+$0xFFFFFFD0];
	v13 =	vmul.f32 v13, v4;
	v6 =	vadd.f32 v11, v6;
	(pc) =	sbr.rel @p0 .LBB2_5-.Ltmp1, $4  }
0x1ba: {  	v17 =	vmul.f32 v17, v0;
	v12 =	vld [tilespmem:s18+$0xFFFFFFE0]  }
0x1bb: {  	v19 =	vmul.f32 v16, v0;
	v11 =	vld [tilespmem:s18+$0xFFFFFFF0];
	v1 =	vadd.f32 v13, v1  }
0x1bc: {  	s18 =	sadd.s32 $0x80, s18;
	v4 =	vld.idx.msk [tilespmem:v14+s2+$0x0], $0xffff;
	v2 =	vadd.f32 v17, v2;
	v14 =	vmul.f32 v15, v0  }
0x1bd: {  	v16 =	vmov s19;
	s19 =	sadd.s32 $0x1, s19;
	v13 =	vld [tilespmem:s18+$0x0];
	v3 =	vadd.f32 v19, v3;
	v15 =	vmul.f32 v18, v0  }
0x1be: {  	v17 =	vld [tilespmem:s18+$0xFFFFFF90]  }
0x1bf: {  	v18 =	vld [tilespmem:s18+$0xFFFFFFA0]  }
0x1c0: {  	v19 =	vld [tilespmem:s18+$0xFFFFFFB0]  }
0x1c1: {  	v20 =	vld [tilespmem:s18+$0xFFFFFFC0]  }
0x1c2: {  	v16 =	vadd.s32 $0x20, v16;
	v21 =	vld [tilespmem:s18+$0xFFFFFFD0]  }
0x1c3: {  	v22 =	vld [tilespmem:s18+$0xFFFFFFE0];
	v16 =	vbroadcast v16, $0x0  }
0x1c4: {  	v23 =	vld [tilespmem:s18+$0xFFFFFFF0];
	s21 =	sadd.s32 $0x80, s18  }
0x1c5: {  	v24 =	vld [tilespmem:s21+$0x0];
	v12 =	vmul.f32 v12, v0  }
0x1c6: {  	v5 =	vadd.f32 v14, v5;
	v14 =	vld [tilespmem:s21+$0xFFFFFF90]  }
0x1c7: {  	v10 =	vmul.f32 v10, v0;
	v8 =	vadd.f32 v12, v8;
	v12 =	vld [tilespmem:s21+$0xFFFFFFB0]  }
0x1c8: {  	v0 =	vmul.f32 v11, v0;
	v11 =	vmul.f32 v13, v4;
	v13 =	vld [tilespmem:s21+$0xFFFFFFA0]  }
0x1c9: {  	v9 =	vadd.f32 v15, v9;
	v7 =	vadd.f32 v10, v7;
	v10 =	vmul.f32 v17, v4;
	v16 =	vld.idx.msk [tilespmem:v16+s2+$0x0], $0xffff  }
0x1ca: {  	v0 =	vadd.f32 v0, v6;
	v6 =	vmul.f32 v18, v4;
	v15 =	vmul.f32 v20, v4;
	v17 =	vld [tilespmem:s21+$0xFFFFFFD0]  }
0x1cb: {  	v1 =	vadd.f32 v11, v1;
	v11 =	vld [tilespmem:s21+$0xFFFFFFC0];
	v2 =	vadd.f32 v10, v2;
	v10 =	vmul.f32 v19, v4  }
0x1cc: {  	v18 =	vmul.f32 v22, v4;
	v3 =	vadd.f32 v6, v3;
	v6 =	vmul.f32 v21, v4;
	v19 =	vld [tilespmem:s21+$0xFFFFFFE0]  }
0x1cd: {  	v9 =	vadd.f32 v15, v9;
	v4 =	vmul.f32 v23, v4;
	v15 =	vld [tilespmem:$0x8D80];
	v5 =	vadd.f32 v10, v5  }
0x1ce: {  	v10 =	vld [tilespmem:s21+$0xFFFFFFF0];
	v6 =	vadd.f32 v6, v7;
	v7 =	vadd.f32 v18, v8;
	v8 =	vmul.f32 v24, v16  }
0x1cf: {  	v0 =	vadd.f32 v4, v0;
	v4 =	vmul.f32 v14, v16;
	v13 =	vmul.f32 v13, v16;
	v14 =	vld [tilespmem:$0x8D90]  }
0x1d0: {  	v11 =	vmul.f32 v11, v16;
	v1 =	vadd.f32 v8, v1;
	v8 =	vmul.f32 v12, v16;
	v12 =	vld [tilespmem:$0x8DA0]  }
0x1d1: {  	v2 =	vadd.f32 v4, v2;
	v3 =	vadd.f32 v13, v3;
	v4 =	vmul.f32 v17, v16;
	v13 =	vld [tilespmem:$0x8DB0]  }
0x1d2: {  	v5 =	vadd.f32 v8, v5;
	v8 =	vadd.f32 v11, v9;
	v9 =	vmul.f32 v19, v16;
	v11 =	vld [tilespmem:$0x8DC0]  }
0x1d3: {  	v4 =	vadd.f32 v4, v6;
	v6 =	vmul.f32 v10, v16;
	v2 =	vadd.f32 v15, v2;
	v10 =	vld [tilespmem:$0x8DD0]  }
0x1d4: {  	v3 =	vadd.f32 v14, v3;
	v7 =	vadd.f32 v9, v7;
	v9 =	vld [tilespmem:$0x8DE0]  }
0x1d5: {  	s19 =	simm.s32 $0x0;
	v0 =	vadd.f32 v6, v0;
	v2 =	vmax.f32 v2, $0.0e+00;
	v6 =	vld [tilespmem:$0x8DF0];
	v5 =	vadd.f32 v12, v5  }
0x1d6: {  	[tilespmem:$0x9180] =	vst v2;
	v2 =	vmax.f32 v3, $0.0e+00;
	v3 =	vadd.f32 v13, v8;
	v8 =	vmov s19  }
0x1d7: {  	[tilespmem:$0x9190] =	vst v2;
	v2 =	vmax.f32 v5, $0.0e+00;
	v4 =	vadd.f32 v11, v4;
	v5 =	vadd.s32 $0x40, v8  }
0x1d8: {  	[tilespmem:$0x91A0] =	vst v2;
	v2 =	vmax.f32 v3, $0.0e+00;
	v3 =	vadd.f32 v10, v7;
	v5 =	vbroadcast v5, $0x0  }
0x1d9: {  	[tilespmem:$0x91B0] =	vst v2;
	v2 =	vmax.f32 v4, $0.0e+00;
	v0 =	vadd.f32 v9, v0  }
0x1da: {  	v1 =	vadd.f32 v6, v1;
	[tilespmem:$0x91C0] =	vst v2;
	v2 =	vmax.f32 v3, $0.0e+00  }
0x1db: {  	[tilespmem:$0x91D0] =	vst v2;
	v0 =	vmax.f32 v0, $0.0e+00  }
0x1dc: {  	[tilespmem:$0x91E0] =	vst v0;
	v0 =	vmax.f32 v1, $0.0e+00  }
0x1dd: {  	[tilespmem:$0x91F0] =	vst v0  }
0x1de: {  	s20 =	simm.s32 $0x2D70;
	v0 =	vld.idx.msk [tilespmem:v5+s2+$0x0], $0xffff  }
0x1df: {  	v1 =	vld [tilespmem:s20+$0x0]  }
0x1e0: {  	v3 =	vld [tilespmem:s20+$0xFFFFFF90]  }
0x1e1: {  	s19 =	simm.s32 $0x1;
	v4 =	vld [tilespmem:s20+$0xFFFFFFA0]  }
0x1e2: {  	v2 =	vmov s19;
	v7 =	vld [tilespmem:s20+$0xFFFFFFB0]  }
0x1e3: {  	v2 =	vadd.s32 $0x40, v2;
	v8 =	vld [tilespmem:s20+$0xFFFFFFC0]  }
0x1e4: {  	v6 =	vbroadcast v2, $0x0  }
0x1e5: {  	s21 =	simm.s32 $0x2  }
0x1e6: {  	v16 =	vmov s21;
	v10 =	vld [tilespmem:s20+$0xFFFFFFD0];
	v1 =	vmul.f32 v1, v0  }
0x1e7: {  	v9 =	vimm.f32 $0.0e+00;
	v12 =	vld [tilespmem:s20+$0xFFFFFFE0];
	v2 =	vmul.f32 v3, v0;
	v3 =	vmul.f32 v4, v0  }
0x1e8: {  	s18 =	simm.s32 $0x2DF0;
	v5 =	vimm.f32 $0.0e+00;
	v11 =	vld [tilespmem:s20+$0xFFFFFFF0];
	v14 =	vmul.f32 v7, v0;
	v15 =	vmul.f32 v8, v0  }
0x1e9: {  	v13 =	vld [tilespmem:s18+$0x0];
	v7 =	vimm.f32 $0.0e+00;
	v8 =	vimm.f32 $0.0e+00;
	v1 =	vadd.f32 v1, v5  }
0x1ea: {  	s19 =	simm.s32 $0x3;
	v4 =	vld.idx.msk [tilespmem:v6+s2+$0x0], $0xffff;
	v6 =	vimm.f32 $0.0e+00;
	v2 =	vadd.f32 v2, v5;
	v3 =	vadd.f32 v3, v5  }
.LBB2_7:
0x1eb: {  	p0 =	sne.s32 s19, $0x1F;
	v16 =	vadd.s32 $0x40, v16;
	v17 =	vld [tilespmem:s18+$0xFFFFFF90];
	v5 =	vadd.f32 v14, v5;
	v10 =	vmul.f32 v10, v0  }
0x1ec: {  	v14 =	vbroadcast v16, $0x0;
	v16 =	vld [tilespmem:s18+$0xFFFFFFA0];
	v9 =	vadd.f32 v15, v9;
	v12 =	vmul.f32 v12, v0  }
0x1ed: {  	v15 =	vld [tilespmem:s18+$0xFFFFFFB0];
	v7 =	vadd.f32 v10, v7;
	v11 =	vmul.f32 v11, v0  }
0x1ee: {  	v18 =	vld [tilespmem:s18+$0xFFFFFFC0];
	v8 =	vadd.f32 v12, v8  }
.Ltmp2:
0x1ef: {  	v0 =	vmov v4;
	v10 =	vld [tilespmem:s18+$0xFFFFFFD0];
	v13 =	vmul.f32 v13, v4;
	v6 =	vadd.f32 v11, v6;
	(pc) =	sbr.rel @p0 .LBB2_7-.Ltmp2, $4  }
0x1f0: {  	v17 =	vmul.f32 v17, v0;
	v12 =	vld [tilespmem:s18+$0xFFFFFFE0]  }
0x1f1: {  	v19 =	vmul.f32 v16, v0;
	v11 =	vld [tilespmem:s18+$0xFFFFFFF0];
	v1 =	vadd.f32 v13, v1  }
0x1f2: {  	s18 =	sadd.s32 $0x80, s18;
	v4 =	vld.idx.msk [tilespmem:v14+s2+$0x0], $0xffff;
	v2 =	vadd.f32 v17, v2;
	v14 =	vmul.f32 v15, v0  }
0x1f3: {  	v16 =	vmov s19;
	s19 =	sadd.s32 $0x1, s19;
	v13 =	vld [tilespmem:s18+$0x0];
	v3 =	vadd.f32 v19, v3;
	v15 =	vmul.f32 v18, v0  }
0x1f4: {  	v17 =	vld [tilespmem:s18+$0xFFFFFF90]  }
0x1f5: {  	v18 =	vld [tilespmem:s18+$0xFFFFFFA0]  }
0x1f6: {  	v19 =	vld [tilespmem:s18+$0xFFFFFFB0]  }
0x1f7: {  	v20 =	vld [tilespmem:s18+$0xFFFFFFC0]  }
0x1f8: {  	v16 =	vadd.s32 $0x40, v16;
	v21 =	vld [tilespmem:s18+$0xFFFFFFD0]  }
0x1f9: {  	v22 =	vld [tilespmem:s18+$0xFFFFFFE0];
	v16 =	vbroadcast v16, $0x0  }
0x1fa: {  	v23 =	vld [tilespmem:s18+$0xFFFFFFF0];
	s21 =	sadd.s32 $0x80, s18  }
0x1fb: {  	v24 =	vld [tilespmem:s21+$0x0];
	v12 =	vmul.f32 v12, v0  }
0x1fc: {  	v5 =	vadd.f32 v14, v5;
	v14 =	vld [tilespmem:s21+$0xFFFFFF90]  }
0x1fd: {  	v10 =	vmul.f32 v10, v0;
	v8 =	vadd.f32 v12, v8;
	v12 =	vld [tilespmem:s21+$0xFFFFFFB0]  }
0x1fe: {  	v0 =	vmul.f32 v11, v0;
	v11 =	vmul.f32 v13, v4;
	v13 =	vld [tilespmem:s21+$0xFFFFFFA0]  }
0x1ff: {  	v9 =	vadd.f32 v15, v9;
	v7 =	vadd.f32 v10, v7;
	v10 =	vmul.f32 v17, v4;
	v16 =	vld.idx.msk [tilespmem:v16+s2+$0x0], $0xffff  }
0x200: {  	v0 =	vadd.f32 v0, v6;
	v6 =	vmul.f32 v18, v4;
	v15 =	vmul.f32 v20, v4;
	v17 =	vld [tilespmem:s21+$0xFFFFFFD0]  }
0x201: {  	v1 =	vadd.f32 v11, v1;
	v11 =	vld [tilespmem:s21+$0xFFFFFFC0];
	v2 =	vadd.f32 v10, v2;
	v10 =	vmul.f32 v19, v4  }
0x202: {  	v18 =	vmul.f32 v22, v4;
	v3 =	vadd.f32 v6, v3;
	v6 =	vmul.f32 v21, v4;
	v19 =	vld [tilespmem:s21+$0xFFFFFFE0]  }
0x203: {  	v9 =	vadd.f32 v15, v9;
	v4 =	vmul.f32 v23, v4;
	v15 =	vld [tilespmem:$0x8E00];
	v5 =	vadd.f32 v10, v5  }
0x204: {  	v10 =	vld [tilespmem:s21+$0xFFFFFFF0];
	v6 =	vadd.f32 v6, v7;
	v7 =	vadd.f32 v18, v8;
	v8 =	vmul.f32 v24, v16  }
0x205: {  	v0 =	vadd.f32 v4, v0;
	v4 =	vmul.f32 v14, v16;
	v13 =	vmul.f32 v13, v16;
	v14 =	vld [tilespmem:$0x8E10]  }
0x206: {  	v11 =	vmul.f32 v11, v16;
	v1 =	vadd.f32 v8, v1;
	v8 =	vmul.f32 v12, v16;
	v12 =	vld [tilespmem:$0x8E20]  }
0x207: {  	v2 =	vadd.f32 v4, v2;
	v3 =	vadd.f32 v13, v3;
	v4 =	vmul.f32 v17, v16;
	v13 =	vld [tilespmem:$0x8E30]  }
0x208: {  	v5 =	vadd.f32 v8, v5;
	v8 =	vadd.f32 v11, v9;
	v9 =	vmul.f32 v19, v16;
	v11 =	vld [tilespmem:$0x8E40]  }
0x209: {  	v4 =	vadd.f32 v4, v6;
	v6 =	vmul.f32 v10, v16;
	v2 =	vadd.f32 v15, v2;
	v10 =	vld [tilespmem:$0x8E50]  }
0x20a: {  	v3 =	vadd.f32 v14, v3;
	v7 =	vadd.f32 v9, v7;
	v9 =	vld [tilespmem:$0x8E60]  }
0x20b: {  	s19 =	simm.s32 $0x0;
	v0 =	vadd.f32 v6, v0;
	v2 =	vmax.f32 v2, $0.0e+00;
	v6 =	vld [tilespmem:$0x8E70];
	v5 =	vadd.f32 v12, v5  }
0x20c: {  	[tilespmem:$0x9200] =	vst v2;
	v2 =	vmax.f32 v3, $0.0e+00;
	v3 =	vadd.f32 v13, v8;
	v8 =	vmov s19  }
0x20d: {  	[tilespmem:$0x9210] =	vst v2;
	v2 =	vmax.f32 v5, $0.0e+00;
	v4 =	vadd.f32 v11, v4;
	v5 =	vadd.s32 $0x60, v8  }
0x20e: {  	[tilespmem:$0x9220] =	vst v2;
	v2 =	vmax.f32 v3, $0.0e+00;
	v3 =	vadd.f32 v10, v7;
	v5 =	vbroadcast v5, $0x0  }
0x20f: {  	[tilespmem:$0x9230] =	vst v2;
	v2 =	vmax.f32 v4, $0.0e+00;
	v0 =	vadd.f32 v9, v0  }
0x210: {  	v1 =	vadd.f32 v6, v1;
	[tilespmem:$0x9240] =	vst v2;
	v2 =	vmax.f32 v3, $0.0e+00  }
0x211: {  	[tilespmem:$0x9250] =	vst v2;
	v0 =	vmax.f32 v0, $0.0e+00  }
0x212: {  	[tilespmem:$0x9260] =	vst v0;
	v0 =	vmax.f32 v1, $0.0e+00  }
0x213: {  	[tilespmem:$0x9270] =	vst v0  }
0x214: {  	s20 =	simm.s32 $0x3D70;
	v0 =	vld.idx.msk [tilespmem:v5+s2+$0x0], $0xffff  }
0x215: {  	v1 =	vld [tilespmem:s20+$0x0]  }
0x216: {  	v3 =	vld [tilespmem:s20+$0xFFFFFF90]  }
0x217: {  	s19 =	simm.s32 $0x1;
	v4 =	vld [tilespmem:s20+$0xFFFFFFA0]  }
0x218: {  	v2 =	vmov s19;
	v7 =	vld [tilespmem:s20+$0xFFFFFFB0]  }
0x219: {  	v2 =	vadd.s32 $0x60, v2;
	v8 =	vld [tilespmem:s20+$0xFFFFFFC0]  }
0x21a: {  	v6 =	vbroadcast v2, $0x0  }
0x21b: {  	s21 =	simm.s32 $0x2  }
0x21c: {  	v16 =	vmov s21;
	v10 =	vld [tilespmem:s20+$0xFFFFFFD0];
	v1 =	vmul.f32 v1, v0  }
0x21d: {  	v9 =	vimm.f32 $0.0e+00;
	v12 =	vld [tilespmem:s20+$0xFFFFFFE0];
	v2 =	vmul.f32 v3, v0;
	v3 =	vmul.f32 v4, v0  }
0x21e: {  	s18 =	simm.s32 $0x3DF0;
	v5 =	vimm.f32 $0.0e+00;
	v11 =	vld [tilespmem:s20+$0xFFFFFFF0];
	v14 =	vmul.f32 v7, v0;
	v15 =	vmul.f32 v8, v0  }
0x21f: {  	v13 =	vld [tilespmem:s18+$0x0];
	v7 =	vimm.f32 $0.0e+00;
	v8 =	vimm.f32 $0.0e+00;
	v1 =	vadd.f32 v1, v5  }
0x220: {  	s19 =	simm.s32 $0x3;
	v4 =	vld.idx.msk [tilespmem:v6+s2+$0x0], $0xffff;
	v6 =	vimm.f32 $0.0e+00;
	v2 =	vadd.f32 v2, v5;
	v3 =	vadd.f32 v3, v5  }
.LBB2_9:
0x221: {  	p0 =	sne.s32 s19, $0x1F;
	v16 =	vadd.s32 $0x60, v16;
	v17 =	vld [tilespmem:s18+$0xFFFFFF90];
	v5 =	vadd.f32 v14, v5;
	v10 =	vmul.f32 v10, v0  }
0x222: {  	v14 =	vbroadcast v16, $0x0;
	v16 =	vld [tilespmem:s18+$0xFFFFFFA0];
	v9 =	vadd.f32 v15, v9;
	v12 =	vmul.f32 v12, v0  }
0x223: {  	v15 =	vld [tilespmem:s18+$0xFFFFFFB0];
	v7 =	vadd.f32 v10, v7;
	v11 =	vmul.f32 v11, v0  }
0x224: {  	v18 =	vld [tilespmem:s18+$0xFFFFFFC0];
	v8 =	vadd.f32 v12, v8  }
.Ltmp3:
0x225: {  	v0 =	vmov v4;
	v10 =	vld [tilespmem:s18+$0xFFFFFFD0];
	v13 =	vmul.f32 v13, v4;
	v6 =	vadd.f32 v11, v6;
	(pc) =	sbr.rel @p0 .LBB2_9-.Ltmp3, $4  }
0x226: {  	v17 =	vmul.f32 v17, v0;
	v12 =	vld [tilespmem:s18+$0xFFFFFFE0]  }
0x227: {  	v19 =	vmul.f32 v16, v0;
	v11 =	vld [tilespmem:s18+$0xFFFFFFF0];
	v1 =	vadd.f32 v13, v1  }
0x228: {  	s18 =	sadd.s32 $0x80, s18;
	v4 =	vld.idx.msk [tilespmem:v14+s2+$0x0], $0xffff;
	v2 =	vadd.f32 v17, v2;
	v14 =	vmul.f32 v15, v0  }
0x229: {  	v16 =	vmov s19;
	s19 =	sadd.s32 $0x1, s19;
	v13 =	vld [tilespmem:s18+$0x0];
	v3 =	vadd.f32 v19, v3;
	v15 =	vmul.f32 v18, v0  }
0x22a: {  	v17 =	vld [tilespmem:s18+$0xFFFFFF90]  }
0x22b: {  	v18 =	vld [tilespmem:s18+$0xFFFFFFA0]  }
0x22c: {  	v19 =	vld [tilespmem:s18+$0xFFFFFFB0]  }
0x22d: {  	v20 =	vld [tilespmem:s18+$0xFFFFFFC0]  }
0x22e: {  	v16 =	vadd.s32 $0x60, v16;
	v21 =	vld [tilespmem:s18+$0xFFFFFFD0]  }
0x22f: {  	v22 =	vld [tilespmem:s18+$0xFFFFFFE0];
	v16 =	vbroadcast v16, $0x0  }
0x230: {  	v23 =	vld [tilespmem:s18+$0xFFFFFFF0];
	s19 =	sadd.s32 $0x80, s18  }
0x231: {  	v24 =	vld [tilespmem:s19+$0x0];
	v12 =	vmul.f32 v12, v0  }
0x232: {  	v5 =	vadd.f32 v14, v5;
	v14 =	vld [tilespmem:s19+$0xFFFFFF90]  }
0x233: {  	v10 =	vmul.f32 v10, v0;
	v8 =	vadd.f32 v12, v8;
	v12 =	vld [tilespmem:s19+$0xFFFFFFB0]  }
0x234: {  	v0 =	vmul.f32 v11, v0;
	v11 =	vmul.f32 v13, v4;
	v13 =	vld [tilespmem:s19+$0xFFFFFFA0]  }
0x235: {  	v9 =	vadd.f32 v15, v9;
	v7 =	vadd.f32 v10, v7;
	v10 =	vmul.f32 v17, v4;
	v16 =	vld.idx.msk [tilespmem:v16+s2+$0x0], $0xffff  }
0x236: {  	v0 =	vadd.f32 v0, v6;
	v6 =	vmul.f32 v18, v4;
	v15 =	vmul.f32 v20, v4;
	v17 =	vld [tilespmem:s19+$0xFFFFFFD0]  }
0x237: {  	v1 =	vadd.f32 v11, v1;
	v11 =	vld [tilespmem:s19+$0xFFFFFFC0];
	v2 =	vadd.f32 v10, v2;
	v10 =	vmul.f32 v19, v4  }
0x238: {  	v18 =	vmul.f32 v22, v4;
	v3 =	vadd.f32 v6, v3;
	v6 =	vmul.f32 v21, v4;
	v19 =	vld [tilespmem:s19+$0xFFFFFFE0]  }
0x239: {  	v9 =	vadd.f32 v15, v9;
	v4 =	vmul.f32 v23, v4;
	v15 =	vld [tilespmem:$0x8E80];
	v5 =	vadd.f32 v10, v5  }
0x23a: {  	v10 =	vld [tilespmem:s19+$0xFFFFFFF0];
	v6 =	vadd.f32 v6, v7;
	v7 =	vadd.f32 v18, v8;
	v8 =	vmul.f32 v24, v16  }
0x23b: {  	v0 =	vadd.f32 v4, v0;
	v4 =	vmul.f32 v14, v16;
	v13 =	vmul.f32 v13, v16;
	v14 =	vld [tilespmem:$0x8E90]  }
0x23c: {  	v11 =	vmul.f32 v11, v16;
	v1 =	vadd.f32 v8, v1;
	v8 =	vmul.f32 v12, v16;
	v12 =	vld [tilespmem:$0x8EA0]  }
0x23d: {  	v2 =	vadd.f32 v4, v2;
	v3 =	vadd.f32 v13, v3;
	v4 =	vmul.f32 v17, v16;
	v13 =	vld [tilespmem:$0x8EB0]  }
0x23e: {  	v5 =	vadd.f32 v8, v5;
	v8 =	vadd.f32 v11, v9;
	v9 =	vmul.f32 v19, v16;
	v11 =	vld [tilespmem:$0x8EC0]  }
0x23f: {  	v4 =	vadd.f32 v4, v6;
	v6 =	vmul.f32 v10, v16;
	v2 =	vadd.f32 v15, v2;
	v10 =	vld [tilespmem:$0x8ED0]  }
0x240: {  	v3 =	vadd.f32 v14, v3;
	v7 =	vadd.f32 v9, v7;
	v9 =	vld [tilespmem:$0x8EE0]  }
0x241: {  	s20 =	simm.s32 $0x0;
	v0 =	vadd.f32 v6, v0;
	v2 =	vmax.f32 v2, $0.0e+00;
	v6 =	vld [tilespmem:$0x8EF0];
	v5 =	vadd.f32 v12, v5  }
0x242: {  	[tilespmem:$0x9280] =	vst v2;
	v2 =	vmax.f32 v3, $0.0e+00;
	v3 =	vadd.f32 v13, v8;
	v8 =	vmov s20  }
0x243: {  	[tilespmem:$0x9290] =	vst v2;
	v2 =	vmax.f32 v5, $0.0e+00;
	v4 =	vadd.f32 v11, v4;
	v5 =	vadd.s32 $0x80, v8  }
0x244: {  	[tilespmem:$0x92A0] =	vst v2;
	v2 =	vmax.f32 v3, $0.0e+00;
	v3 =	vadd.f32 v10, v7;
	v5 =	vbroadcast v5, $0x0  }
0x245: {  	[tilespmem:$0x92B0] =	vst v2;
	v2 =	vmax.f32 v4, $0.0e+00;
	v0 =	vadd.f32 v9, v0  }
0x246: {  	v1 =	vadd.f32 v6, v1;
	[tilespmem:$0x92C0] =	vst v2;
	v2 =	vmax.f32 v3, $0.0e+00  }
0x247: {  	[tilespmem:$0x92D0] =	vst v2;
	v0 =	vmax.f32 v0, $0.0e+00  }
0x248: {  	[tilespmem:$0x92E0] =	vst v0;
	v0 =	vmax.f32 v1, $0.0e+00  }
0x249: {  	[tilespmem:$0x92F0] =	vst v0  }
0x24a: {  	s19 =	simm.s32 $0x0;
	v0 =	vld.idx.msk [tilespmem:v5+s2+$0x0], $0xffff  }
0x24b: {  	v1 =	vld [tilespmem:s19+$0x4D70]  }
0x24c: {  	v3 =	vld [tilespmem:s19+$0x4D00]  }
0x24d: {  	s21 =	simm.s32 $0x1;
	v4 =	vld [tilespmem:s19+$0x4D10]  }
0x24e: {  	v2 =	vmov s21;
	v7 =	vld [tilespmem:s19+$0x4D20]  }
0x24f: {  	v2 =	vadd.s32 $0x80, v2;
	v8 =	vld [tilespmem:s19+$0x4D30]  }
0x250: {  	v6 =	vbroadcast v2, $0x0  }
0x251: {  	s18 =	simm.s32 $0x2  }
0x252: {  	v16 =	vmov s18;
	v10 =	vld [tilespmem:s19+$0x4D40];
	v1 =	vmul.f32 v1, v0  }
0x253: {  	v9 =	vimm.f32 $0.0e+00;
	v11 =	vld [tilespmem:s19+$0x4D50];
	v2 =	vmul.f32 v3, v0;
	v3 =	vmul.f32 v4, v0  }
0x254: {  	v5 =	vimm.f32 $0.0e+00;
	v12 =	vld [tilespmem:s19+$0x4D60];
	s19 =	simm.s32 $0x80;
	v14 =	vmul.f32 v7, v0;
	v15 =	vmul.f32 v8, v0  }
0x255: {  	v13 =	vld [tilespmem:s19+$0x4D70];
	v7 =	vimm.f32 $0.0e+00;
	v8 =	vimm.f32 $0.0e+00;
	v1 =	vadd.f32 v1, v5  }
0x256: {  	s20 =	simm.s32 $0x400;
	s21 =	simm.s32 $0x600;
	v4 =	vld.idx.msk [tilespmem:v6+s2+$0x0], $0xffff;
	v6 =	vimm.f32 $0.0e+00;
	v2 =	vadd.f32 v2, v5;
	v3 =	vadd.f32 v3, v5  }
.LBB2_11:
0x257: {  	p0 =	sne.s32 s21, $0x3E00;
	v16 =	vadd.s32 $0x80, v16;
	v17 =	vld [tilespmem:s19+$0x4D00];
	v5 =	vadd.f32 v14, v5;
	v10 =	vmul.f32 v10, v0  }
0x258: {  	v14 =	vbroadcast v16, $0x0;
	v16 =	vld [tilespmem:s19+$0x4D10];
	v7 =	vadd.f32 v15, v7;
	v11 =	vmul.f32 v11, v0  }
0x259: {  	v15 =	vld [tilespmem:s19+$0x4D20];
	v8 =	vadd.f32 v10, v8;
	v12 =	vmul.f32 v12, v0  }
0x25a: {  	v18 =	vld [tilespmem:s19+$0x4D30];
	v9 =	vadd.f32 v11, v9  }
.Ltmp4:
0x25b: {  	v0 =	vmov v4;
	v10 =	vld [tilespmem:s19+$0x4D40];
	v13 =	vmul.f32 v13, v4;
	v6 =	vadd.f32 v12, v6;
	(pc) =	sbr.rel @p0 .LBB2_11-.Ltmp4, $4  }
0x25c: {  	v17 =	vmul.f32 v17, v0;
	v11 =	vld [tilespmem:s19+$0x4D50]  }
0x25d: {  	v19 =	vmul.f32 v16, v0;
	v12 =	vld [tilespmem:s19+$0x4D60];
	v1 =	vadd.f32 v13, v1  }
0x25e: {  	s18 =	sadd.s32 $0x1, s18;
	s19 =	sshra.s32 s20, $0x2;
	s20 =	smov.u32 s21;
	v4 =	vld.idx.msk [tilespmem:v14+s2+$0x0], $0xffff;
	v2 =	vadd.f32 v17, v2;
	v14 =	vmul.f32 v15, v0  }
0x25f: {  	v16 =	vmov s18;
	s21 =	sadd.s32 $0x200, s21;
	v13 =	vld [tilespmem:s19+$0x4D70];
	v3 =	vadd.f32 v19, v3;
	v15 =	vmul.f32 v18, v0  }
0x260: {  	v17 =	vld [tilespmem:s19+$0x4D00]  }
0x261: {  	v18 =	vld [tilespmem:s19+$0x4D10]  }
0x262: {  	v19 =	vld [tilespmem:s19+$0x4D20]  }
0x263: {  	v20 =	vld [tilespmem:s19+$0x4D30]  }
0x264: {  	v16 =	vadd.s32 $0x80, v16;
	v21 =	vld [tilespmem:s19+$0x4D40]  }
0x265: {  	v22 =	vld [tilespmem:s19+$0x4D50];
	v16 =	vbroadcast v16, $0x0  }
0x266: {  	v23 =	vld [tilespmem:s19+$0x4D60];
	s18 =	sshra.s32 s20, $0x2  }
0x267: {  	v24 =	vld [tilespmem:s18+$0x4D70];
	v11 =	vmul.f32 v11, v0  }
0x268: {  	v5 =	vadd.f32 v14, v5;
	v14 =	vld [tilespmem:s18+$0x4D00]  }
0x269: {  	v10 =	vmul.f32 v10, v0;
	v9 =	vadd.f32 v11, v9;
	v11 =	vld [tilespmem:s18+$0x4D20]  }
0x26a: {  	v0 =	vmul.f32 v12, v0;
	v12 =	vmul.f32 v13, v4;
	v13 =	vld [tilespmem:s18+$0x4D10]  }
0x26b: {  	v7 =	vadd.f32 v15, v7;
	v8 =	vadd.f32 v10, v8;
	v10 =	vmul.f32 v17, v4;
	v16 =	vld.idx.msk [tilespmem:v16+s2+$0x0], $0xffff  }
0x26c: {  	v0 =	vadd.f32 v0, v6;
	v6 =	vmul.f32 v18, v4;
	v15 =	vmul.f32 v20, v4;
	v17 =	vld [tilespmem:s18+$0x4D40]  }
0x26d: {  	v1 =	vadd.f32 v12, v1;
	v12 =	vld [tilespmem:s18+$0x4D30];
	v2 =	vadd.f32 v10, v2;
	v10 =	vmul.f32 v19, v4  }
0x26e: {  	v18 =	vmul.f32 v22, v4;
	v3 =	vadd.f32 v6, v3;
	v6 =	vmul.f32 v21, v4;
	v19 =	vld [tilespmem:s18+$0x4D50]  }
0x26f: {  	v7 =	vadd.f32 v15, v7;
	v4 =	vmul.f32 v23, v4;
	v15 =	vld [tilespmem:$0x8F00];
	v5 =	vadd.f32 v10, v5  }
0x270: {  	v10 =	vld [tilespmem:s18+$0x4D60];
	v6 =	vadd.f32 v6, v8;
	v8 =	vadd.f32 v18, v9;
	v9 =	vmul.f32 v24, v16  }
0x271: {  	v0 =	vadd.f32 v4, v0;
	v4 =	vmul.f32 v14, v16;
	v13 =	vmul.f32 v13, v16;
	v14 =	vld [tilespmem:$0x8F10]  }
0x272: {  	v1 =	vadd.f32 v9, v1;
	v9 =	vmul.f32 v11, v16;
	v11 =	vmul.f32 v12, v16;
	v12 =	vld [tilespmem:$0x8F20]  }
0x273: {  	v2 =	vadd.f32 v4, v2;
	v3 =	vadd.f32 v13, v3;
	v4 =	vmul.f32 v17, v16;
	v13 =	vld [tilespmem:$0x8F30]  }
0x274: {  	v5 =	vadd.f32 v9, v5;
	v7 =	vadd.f32 v11, v7;
	v9 =	vmul.f32 v19, v16;
	v11 =	vld [tilespmem:$0x8F40]  }
0x275: {  	v4 =	vadd.f32 v4, v6;
	v6 =	vmul.f32 v10, v16;
	v2 =	vadd.f32 v15, v2;
	v10 =	vld [tilespmem:$0x8F50]  }
0x276: {  	v3 =	vadd.f32 v14, v3;
	v8 =	vadd.f32 v9, v8;
	v9 =	vld [tilespmem:$0x8F60]  }
0x277: {  	s19 =	simm.s32 $0x0;
	v0 =	vadd.f32 v6, v0;
	v2 =	vmax.f32 v2, $0.0e+00;
	v6 =	vld [tilespmem:$0x8F70];
	v5 =	vadd.f32 v12, v5  }
0x278: {  	[tilespmem:$0x9300] =	vst v2;
	v2 =	vmax.f32 v3, $0.0e+00;
	v3 =	vadd.f32 v13, v7;
	v7 =	vmov s19  }
0x279: {  	[tilespmem:$0x9310] =	vst v2;
	v2 =	vmax.f32 v5, $0.0e+00;
	v4 =	vadd.f32 v11, v4;
	v5 =	vadd.s32 $0xA0, v7  }
0x27a: {  	[tilespmem:$0x9320] =	vst v2;
	v2 =	vmax.f32 v3, $0.0e+00;
	v3 =	vadd.f32 v10, v8;
	v5 =	vbroadcast v5, $0x0  }
0x27b: {  	[tilespmem:$0x9330] =	vst v2;
	v2 =	vmax.f32 v4, $0.0e+00;
	v0 =	vadd.f32 v9, v0  }
0x27c: {  	v1 =	vadd.f32 v6, v1;
	[tilespmem:$0x9340] =	vst v2;
	v2 =	vmax.f32 v3, $0.0e+00  }
0x27d: {  	[tilespmem:$0x9350] =	vst v2;
	v0 =	vmax.f32 v0, $0.0e+00  }
0x27e: {  	[tilespmem:$0x9360] =	vst v0;
	v0 =	vmax.f32 v1, $0.0e+00  }
0x27f: {  	[tilespmem:$0x9370] =	vst v0  }
0x280: {  	s20 =	simm.s32 $0x0;
	v0 =	vld.idx.msk [tilespmem:v5+s2+$0x0], $0xffff  }
0x281: {  	v1 =	vld [tilespmem:s20+$0x5D70]  }
0x282: {  	v3 =	vld [tilespmem:s20+$0x5D00]  }
0x283: {  	s21 =	simm.s32 $0x1;
	v4 =	vld [tilespmem:s20+$0x5D10]  }
0x284: {  	v2 =	vmov s21;
	v7 =	vld [tilespmem:s20+$0x5D20]  }
0x285: {  	v2 =	vadd.s32 $0xA0, v2;
	v8 =	vld [tilespmem:s20+$0x5D30]  }
0x286: {  	v6 =	vbroadcast v2, $0x0  }
0x287: {  	s18 =	simm.s32 $0x2  }
0x288: {  	v16 =	vmov s18;
	v10 =	vld [tilespmem:s20+$0x5D40];
	v1 =	vmul.f32 v1, v0  }
0x289: {  	v9 =	vimm.f32 $0.0e+00;
	v11 =	vld [tilespmem:s20+$0x5D50];
	v2 =	vmul.f32 v3, v0;
	v3 =	vmul.f32 v4, v0  }
0x28a: {  	s19 =	simm.s32 $0x80;
	v5 =	vimm.f32 $0.0e+00;
	v12 =	vld [tilespmem:s20+$0x5D60];
	v14 =	vmul.f32 v7, v0;
	v15 =	vmul.f32 v8, v0  }
0x28b: {  	v13 =	vld [tilespmem:s19+$0x5D70];
	v7 =	vimm.f32 $0.0e+00;
	v8 =	vimm.f32 $0.0e+00;
	v1 =	vadd.f32 v1, v5  }
0x28c: {  	s21 =	simm.s32 $0x600;
	s20 =	simm.s32 $0x400;
	v4 =	vld.idx.msk [tilespmem:v6+s2+$0x0], $0xffff;
	v6 =	vimm.f32 $0.0e+00;
	v2 =	vadd.f32 v2, v5;
	v3 =	vadd.f32 v3, v5  }
.LBB2_13:
0x28d: {  	p0 =	sne.s32 s21, $0x3E00;
	v16 =	vadd.s32 $0xA0, v16;
	v17 =	vld [tilespmem:s19+$0x5D00];
	v5 =	vadd.f32 v14, v5;
	v10 =	vmul.f32 v10, v0  }
0x28e: {  	v14 =	vbroadcast v16, $0x0;
	v16 =	vld [tilespmem:s19+$0x5D10];
	v7 =	vadd.f32 v15, v7;
	v11 =	vmul.f32 v11, v0  }
0x28f: {  	v15 =	vld [tilespmem:s19+$0x5D20];
	v8 =	vadd.f32 v10, v8;
	v12 =	vmul.f32 v12, v0  }
0x290: {  	v18 =	vld [tilespmem:s19+$0x5D30];
	v9 =	vadd.f32 v11, v9  }
.Ltmp5:
0x291: {  	v0 =	vmov v4;
	v10 =	vld [tilespmem:s19+$0x5D40];
	v13 =	vmul.f32 v13, v4;
	v6 =	vadd.f32 v12, v6;
	(pc) =	sbr.rel @p0 .LBB2_13-.Ltmp5, $4  }
0x292: {  	v17 =	vmul.f32 v17, v0;
	v11 =	vld [tilespmem:s19+$0x5D50]  }
0x293: {  	v19 =	vmul.f32 v16, v0;
	v12 =	vld [tilespmem:s19+$0x5D60];
	v1 =	vadd.f32 v13, v1  }
0x294: {  	s18 =	sadd.s32 $0x1, s18;
	s19 =	sshra.s32 s20, $0x2;
	s20 =	smov.u32 s21;
	v4 =	vld.idx.msk [tilespmem:v14+s2+$0x0], $0xffff;
	v2 =	vadd.f32 v17, v2;
	v14 =	vmul.f32 v15, v0  }
0x295: {  	v16 =	vmov s18;
	s21 =	sadd.s32 $0x200, s21;
	v13 =	vld [tilespmem:s19+$0x5D70];
	v3 =	vadd.f32 v19, v3;
	v15 =	vmul.f32 v18, v0  }
0x296: {  	v17 =	vld [tilespmem:s19+$0x5D00]  }
0x297: {  	v18 =	vld [tilespmem:s19+$0x5D10]  }
0x298: {  	v19 =	vld [tilespmem:s19+$0x5D20]  }
0x299: {  	v20 =	vld [tilespmem:s19+$0x5D30]  }
0x29a: {  	v16 =	vadd.s32 $0xA0, v16;
	v21 =	vld [tilespmem:s19+$0x5D40]  }
0x29b: {  	v22 =	vld [tilespmem:s19+$0x5D50];
	v16 =	vbroadcast v16, $0x0  }
0x29c: {  	v23 =	vld [tilespmem:s19+$0x5D60];
	s18 =	sshra.s32 s20, $0x2  }
0x29d: {  	v24 =	vld [tilespmem:s18+$0x5D70];
	v11 =	vmul.f32 v11, v0  }
0x29e: {  	v5 =	vadd.f32 v14, v5;
	v14 =	vld [tilespmem:s18+$0x5D00]  }
0x29f: {  	v10 =	vmul.f32 v10, v0;
	v9 =	vadd.f32 v11, v9;
	v11 =	vld [tilespmem:s18+$0x5D20]  }
0x2a0: {  	v0 =	vmul.f32 v12, v0;
	v12 =	vmul.f32 v13, v4;
	v13 =	vld [tilespmem:s18+$0x5D10]  }
0x2a1: {  	v7 =	vadd.f32 v15, v7;
	v8 =	vadd.f32 v10, v8;
	v10 =	vmul.f32 v17, v4;
	v16 =	vld.idx.msk [tilespmem:v16+s2+$0x0], $0xffff  }
0x2a2: {  	v0 =	vadd.f32 v0, v6;
	v6 =	vmul.f32 v18, v4;
	v15 =	vmul.f32 v20, v4;
	v17 =	vld [tilespmem:s18+$0x5D40]  }
0x2a3: {  	v1 =	vadd.f32 v12, v1;
	v12 =	vld [tilespmem:s18+$0x5D30];
	v2 =	vadd.f32 v10, v2;
	v10 =	vmul.f32 v19, v4  }
0x2a4: {  	v18 =	vmul.f32 v22, v4;
	v3 =	vadd.f32 v6, v3;
	v6 =	vmul.f32 v21, v4;
	v19 =	vld [tilespmem:s18+$0x5D50]  }
0x2a5: {  	v7 =	vadd.f32 v15, v7;
	v4 =	vmul.f32 v23, v4;
	v15 =	vld [tilespmem:$0x8F80];
	v5 =	vadd.f32 v10, v5  }
0x2a6: {  	v10 =	vld [tilespmem:s18+$0x5D60];
	v6 =	vadd.f32 v6, v8;
	v8 =	vadd.f32 v18, v9;
	v9 =	vmul.f32 v24, v16  }
0x2a7: {  	v0 =	vadd.f32 v4, v0;
	v4 =	vmul.f32 v14, v16;
	v13 =	vmul.f32 v13, v16;
	v14 =	vld [tilespmem:$0x8F90]  }
0x2a8: {  	v1 =	vadd.f32 v9, v1;
	v9 =	vmul.f32 v11, v16;
	v11 =	vmul.f32 v12, v16;
	v12 =	vld [tilespmem:$0x8FA0]  }
0x2a9: {  	v2 =	vadd.f32 v4, v2;
	v3 =	vadd.f32 v13, v3;
	v4 =	vmul.f32 v17, v16;
	v13 =	vld [tilespmem:$0x8FB0]  }
0x2aa: {  	v5 =	vadd.f32 v9, v5;
	v7 =	vadd.f32 v11, v7;
	v9 =	vmul.f32 v19, v16;
	v11 =	vld [tilespmem:$0x8FC0]  }
0x2ab: {  	v4 =	vadd.f32 v4, v6;
	v6 =	vmul.f32 v10, v16;
	v2 =	vadd.f32 v15, v2;
	v10 =	vld [tilespmem:$0x8FD0]  }
0x2ac: {  	v3 =	vadd.f32 v14, v3;
	v8 =	vadd.f32 v9, v8;
	v9 =	vld [tilespmem:$0x8FE0]  }
0x2ad: {  	s19 =	simm.s32 $0x0;
	v0 =	vadd.f32 v6, v0;
	v2 =	vmax.f32 v2, $0.0e+00;
	v6 =	vld [tilespmem:$0x8FF0];
	v5 =	vadd.f32 v12, v5  }
0x2ae: {  	[tilespmem:$0x9380] =	vst v2;
	v2 =	vmax.f32 v3, $0.0e+00;
	v3 =	vadd.f32 v13, v7;
	v7 =	vmov s19  }
0x2af: {  	[tilespmem:$0x9390] =	vst v2;
	v2 =	vmax.f32 v5, $0.0e+00;
	v4 =	vadd.f32 v11, v4;
	v5 =	vadd.s32 $0xC0, v7  }
0x2b0: {  	[tilespmem:$0x93A0] =	vst v2;
	v2 =	vmax.f32 v3, $0.0e+00;
	v3 =	vadd.f32 v10, v8;
	v5 =	vbroadcast v5, $0x0  }
0x2b1: {  	[tilespmem:$0x93B0] =	vst v2;
	v2 =	vmax.f32 v4, $0.0e+00;
	v0 =	vadd.f32 v9, v0  }
0x2b2: {  	v1 =	vadd.f32 v6, v1;
	[tilespmem:$0x93C0] =	vst v2;
	v2 =	vmax.f32 v3, $0.0e+00  }
0x2b3: {  	[tilespmem:$0x93D0] =	vst v2;
	v0 =	vmax.f32 v0, $0.0e+00  }
0x2b4: {  	[tilespmem:$0x93E0] =	vst v0;
	v0 =	vmax.f32 v1, $0.0e+00  }
0x2b5: {  	[tilespmem:$0x93F0] =	vst v0  }
0x2b6: {  	s20 =	simm.s32 $0x0;
	v0 =	vld.idx.msk [tilespmem:v5+s2+$0x0], $0xffff  }
0x2b7: {  	v1 =	vld [tilespmem:s20+$0x6D70]  }
0x2b8: {  	v3 =	vld [tilespmem:s20+$0x6D00]  }
0x2b9: {  	s21 =	simm.s32 $0x1;
	v4 =	vld [tilespmem:s20+$0x6D10]  }
0x2ba: {  	v2 =	vmov s21;
	v7 =	vld [tilespmem:s20+$0x6D20]  }
0x2bb: {  	v2 =	vadd.s32 $0xC0, v2;
	v8 =	vld [tilespmem:s20+$0x6D30]  }
0x2bc: {  	v6 =	vbroadcast v2, $0x0  }
0x2bd: {  	s18 =	simm.s32 $0x2  }
0x2be: {  	v16 =	vmov s18;
	v10 =	vld [tilespmem:s20+$0x6D40];
	v1 =	vmul.f32 v1, v0  }
0x2bf: {  	v9 =	vimm.f32 $0.0e+00;
	v11 =	vld [tilespmem:s20+$0x6D50];
	v2 =	vmul.f32 v3, v0;
	v3 =	vmul.f32 v4, v0  }
0x2c0: {  	s19 =	simm.s32 $0x80;
	v5 =	vimm.f32 $0.0e+00;
	v12 =	vld [tilespmem:s20+$0x6D60];
	v14 =	vmul.f32 v7, v0;
	v15 =	vmul.f32 v8, v0  }
0x2c1: {  	v13 =	vld [tilespmem:s19+$0x6D70];
	v7 =	vimm.f32 $0.0e+00;
	v8 =	vimm.f32 $0.0e+00;
	v1 =	vadd.f32 v1, v5  }
0x2c2: {  	s21 =	simm.s32 $0x600;
	s20 =	simm.s32 $0x400;
	v4 =	vld.idx.msk [tilespmem:v6+s2+$0x0], $0xffff;
	v6 =	vimm.f32 $0.0e+00;
	v2 =	vadd.f32 v2, v5;
	v3 =	vadd.f32 v3, v5  }
.LBB2_15:
0x2c3: {  	p0 =	sne.s32 s21, $0x3E00;
	v16 =	vadd.s32 $0xC0, v16;
	v17 =	vld [tilespmem:s19+$0x6D00];
	v5 =	vadd.f32 v14, v5;
	v10 =	vmul.f32 v10, v0  }
0x2c4: {  	v14 =	vbroadcast v16, $0x0;
	v16 =	vld [tilespmem:s19+$0x6D10];
	v7 =	vadd.f32 v15, v7;
	v11 =	vmul.f32 v11, v0  }
0x2c5: {  	v15 =	vld [tilespmem:s19+$0x6D20];
	v8 =	vadd.f32 v10, v8;
	v12 =	vmul.f32 v12, v0  }
0x2c6: {  	v18 =	vld [tilespmem:s19+$0x6D30];
	v9 =	vadd.f32 v11, v9  }
.Ltmp6:
0x2c7: {  	v0 =	vmov v4;
	v10 =	vld [tilespmem:s19+$0x6D40];
	v13 =	vmul.f32 v13, v4;
	v6 =	vadd.f32 v12, v6;
	(pc) =	sbr.rel @p0 .LBB2_15-.Ltmp6, $4  }
0x2c8: {  	v17 =	vmul.f32 v17, v0;
	v11 =	vld [tilespmem:s19+$0x6D50]  }
0x2c9: {  	v19 =	vmul.f32 v16, v0;
	v12 =	vld [tilespmem:s19+$0x6D60];
	v1 =	vadd.f32 v13, v1  }
0x2ca: {  	s18 =	sadd.s32 $0x1, s18;
	s19 =	sshra.s32 s20, $0x2;
	s20 =	smov.u32 s21;
	v4 =	vld.idx.msk [tilespmem:v14+s2+$0x0], $0xffff;
	v2 =	vadd.f32 v17, v2;
	v14 =	vmul.f32 v15, v0  }
0x2cb: {  	v16 =	vmov s18;
	s21 =	sadd.s32 $0x200, s21;
	v13 =	vld [tilespmem:s19+$0x6D70];
	v3 =	vadd.f32 v19, v3;
	v15 =	vmul.f32 v18, v0  }
0x2cc: {  	v17 =	vld [tilespmem:s19+$0x6D00]  }
0x2cd: {  	v18 =	vld [tilespmem:s19+$0x6D10]  }
0x2ce: {  	v19 =	vld [tilespmem:s19+$0x6D20]  }
0x2cf: {  	v20 =	vld [tilespmem:s19+$0x6D30]  }
0x2d0: {  	v16 =	vadd.s32 $0xC0, v16;
	v21 =	vld [tilespmem:s19+$0x6D40]  }
0x2d1: {  	v22 =	vld [tilespmem:s19+$0x6D50];
	v16 =	vbroadcast v16, $0x0  }
0x2d2: {  	v23 =	vld [tilespmem:s19+$0x6D60];
	s18 =	sshra.s32 s20, $0x2  }
0x2d3: {  	v24 =	vld [tilespmem:s18+$0x6D70];
	v11 =	vmul.f32 v11, v0  }
0x2d4: {  	v5 =	vadd.f32 v14, v5;
	v14 =	vld [tilespmem:s18+$0x6D00]  }
0x2d5: {  	v10 =	vmul.f32 v10, v0;
	v9 =	vadd.f32 v11, v9;
	v11 =	vld [tilespmem:s18+$0x6D20]  }
0x2d6: {  	v0 =	vmul.f32 v12, v0;
	v12 =	vmul.f32 v13, v4;
	v13 =	vld [tilespmem:s18+$0x6D10]  }
0x2d7: {  	v7 =	vadd.f32 v15, v7;
	v8 =	vadd.f32 v10, v8;
	v10 =	vmul.f32 v17, v4;
	v16 =	vld.idx.msk [tilespmem:v16+s2+$0x0], $0xffff  }
0x2d8: {  	v0 =	vadd.f32 v0, v6;
	v6 =	vmul.f32 v18, v4;
	v15 =	vmul.f32 v20, v4;
	v17 =	vld [tilespmem:s18+$0x6D40]  }
0x2d9: {  	v1 =	vadd.f32 v12, v1;
	v12 =	vld [tilespmem:s18+$0x6D30];
	v2 =	vadd.f32 v10, v2;
	v10 =	vmul.f32 v19, v4  }
0x2da: {  	v18 =	vmul.f32 v22, v4;
	v3 =	vadd.f32 v6, v3;
	v6 =	vmul.f32 v21, v4;
	v19 =	vld [tilespmem:s18+$0x6D50]  }
0x2db: {  	v7 =	vadd.f32 v15, v7;
	v4 =	vmul.f32 v23, v4;
	v15 =	vld [tilespmem:$0x9000];
	v5 =	vadd.f32 v10, v5  }
0x2dc: {  	v10 =	vld [tilespmem:s18+$0x6D60];
	v6 =	vadd.f32 v6, v8;
	v8 =	vadd.f32 v18, v9;
	v9 =	vmul.f32 v24, v16  }
0x2dd: {  	v0 =	vadd.f32 v4, v0;
	v4 =	vmul.f32 v14, v16;
	v13 =	vmul.f32 v13, v16;
	v14 =	vld [tilespmem:$0x9010]  }
0x2de: {  	v1 =	vadd.f32 v9, v1;
	v9 =	vmul.f32 v11, v16;
	v11 =	vmul.f32 v12, v16;
	v12 =	vld [tilespmem:$0x9020]  }
0x2df: {  	v2 =	vadd.f32 v4, v2;
	v3 =	vadd.f32 v13, v3;
	v4 =	vmul.f32 v17, v16;
	v13 =	vld [tilespmem:$0x9030]  }
0x2e0: {  	v5 =	vadd.f32 v9, v5;
	v7 =	vadd.f32 v11, v7;
	v9 =	vmul.f32 v19, v16;
	v11 =	vld [tilespmem:$0x9040]  }
0x2e1: {  	v4 =	vadd.f32 v4, v6;
	v6 =	vmul.f32 v10, v16;
	v2 =	vadd.f32 v15, v2;
	v10 =	vld [tilespmem:$0x9050]  }
0x2e2: {  	v3 =	vadd.f32 v14, v3;
	v8 =	vadd.f32 v9, v8;
	v9 =	vld [tilespmem:$0x9060]  }
0x2e3: {  	s19 =	simm.s32 $0x0;
	v0 =	vadd.f32 v6, v0;
	v2 =	vmax.f32 v2, $0.0e+00;
	v6 =	vld [tilespmem:$0x9070];
	v5 =	vadd.f32 v12, v5  }
0x2e4: {  	[tilespmem:$0x9400] =	vst v2;
	v2 =	vmax.f32 v3, $0.0e+00;
	v3 =	vadd.f32 v13, v7;
	v7 =	vmov s19  }
0x2e5: {  	[tilespmem:$0x9410] =	vst v2;
	v2 =	vmax.f32 v5, $0.0e+00;
	v4 =	vadd.f32 v11, v4;
	v5 =	vadd.s32 $0xE0, v7  }
0x2e6: {  	[tilespmem:$0x9420] =	vst v2;
	v2 =	vmax.f32 v3, $0.0e+00;
	v3 =	vadd.f32 v10, v8;
	v5 =	vbroadcast v5, $0x0  }
0x2e7: {  	[tilespmem:$0x9430] =	vst v2;
	v2 =	vmax.f32 v4, $0.0e+00;
	v0 =	vadd.f32 v9, v0  }
0x2e8: {  	v1 =	vadd.f32 v6, v1;
	[tilespmem:$0x9440] =	vst v2;
	v2 =	vmax.f32 v3, $0.0e+00  }
0x2e9: {  	[tilespmem:$0x9450] =	vst v2;
	v0 =	vmax.f32 v0, $0.0e+00  }
0x2ea: {  	[tilespmem:$0x9460] =	vst v0;
	v0 =	vmax.f32 v1, $0.0e+00  }
0x2eb: {  	[tilespmem:$0x9470] =	vst v0  }
0x2ec: {  	s20 =	simm.s32 $0x0;
	v2 =	vld.idx.msk [tilespmem:v5+s2+$0x0], $0xffff  }
0x2ed: {  	v0 =	vld [tilespmem:s20+$0x7D70]  }
0x2ee: {  	v3 =	vld [tilespmem:s20+$0x7D00]  }
0x2ef: {  	s21 =	simm.s32 $0x1;
	v4 =	vld [tilespmem:s20+$0x7D10]  }
0x2f0: {  	v1 =	vmov s21;
	v7 =	vld [tilespmem:s20+$0x7D20]  }
0x2f1: {  	v1 =	vadd.s32 $0xE0, v1;
	v8 =	vld [tilespmem:s20+$0x7D30]  }
0x2f2: {  	v6 =	vbroadcast v1, $0x0  }
0x2f3: {  	s18 =	simm.s32 $0x2  }
0x2f4: {  	v16 =	vmov s18;
	v10 =	vld [tilespmem:s20+$0x7D40];
	v0 =	vmul.f32 v0, v2  }
0x2f5: {  	v9 =	vimm.f32 $0.0e+00;
	v12 =	vld [tilespmem:s20+$0x7D50];
	v3 =	vmul.f32 v3, v2;
	v4 =	vmul.f32 v4, v2  }
0x2f6: {  	s19 =	simm.s32 $0x80;
	v5 =	vimm.f32 $0.0e+00;
	v11 =	vld [tilespmem:s20+$0x7D60];
	v14 =	vmul.f32 v7, v2;
	v15 =	vmul.f32 v8, v2  }
0x2f7: {  	v13 =	vld [tilespmem:s19+$0x7D70];
	v7 =	vimm.f32 $0.0e+00;
	v8 =	vimm.f32 $0.0e+00;
	v1 =	vadd.f32 v0, v5  }
0x2f8: {  	s21 =	simm.s32 $0x600;
	s20 =	simm.s32 $0x400;
	v0 =	vadd.f32 v3, v5;
	v3 =	vld.idx.msk [tilespmem:v6+s2+$0x0], $0xffff;
	v4 =	vadd.f32 v4, v5;
	v6 =	vimm.f32 $0.0e+00  }
.LBB2_17:
0x2f9: {  	p0 =	sne.s32 s21, $0x3E00;
	v16 =	vadd.s32 $0xE0, v16;
	v17 =	vld [tilespmem:s19+$0x7D00];
	v5 =	vadd.f32 v14, v5;
	v10 =	vmul.f32 v10, v2  }
0x2fa: {  	v14 =	vbroadcast v16, $0x0;
	v16 =	vld [tilespmem:s19+$0x7D10];
	v7 =	vadd.f32 v15, v7;
	v12 =	vmul.f32 v12, v2  }
0x2fb: {  	v15 =	vld [tilespmem:s19+$0x7D20];
	v8 =	vadd.f32 v10, v8;
	v11 =	vmul.f32 v11, v2  }
0x2fc: {  	v18 =	vld [tilespmem:s19+$0x7D30];
	v9 =	vadd.f32 v12, v9  }
.Ltmp7:
0x2fd: {  	v2 =	vmov v3;
	v10 =	vld [tilespmem:s19+$0x7D40];
	v13 =	vmul.f32 v13, v3;
	v6 =	vadd.f32 v11, v6;
	(pc) =	sbr.rel @p0 .LBB2_17-.Ltmp7, $4  }
0x2fe: {  	v17 =	vmul.f32 v17, v2;
	v12 =	vld [tilespmem:s19+$0x7D50]  }
0x2ff: {  	v19 =	vmul.f32 v16, v2;
	v11 =	vld [tilespmem:s19+$0x7D60];
	v1 =	vadd.f32 v13, v1  }
0x300: {  	s18 =	sadd.s32 $0x1, s18;
	s19 =	sshra.s32 s20, $0x2;
	s20 =	smov.u32 s21;
	v3 =	vld.idx.msk [tilespmem:v14+s2+$0x0], $0xffff;
	v0 =	vadd.f32 v17, v0;
	v14 =	vmul.f32 v15, v2  }
0x301: {  	v16 =	vmov s18;
	s21 =	sadd.s32 $0x200, s21;
	v13 =	vld [tilespmem:s19+$0x7D70];
	v4 =	vadd.f32 v19, v4;
	v15 =	vmul.f32 v18, v2  }
0x302: {  	v17 =	vld [tilespmem:s19+$0x7D00]  }
0x303: {  	v18 =	vld [tilespmem:s19+$0x7D10]  }
0x304: {  	v19 =	vld [tilespmem:s19+$0x7D20]  }
0x305: {  	v20 =	vld [tilespmem:s19+$0x7D30]  }
0x306: {  	v21 =	vld [tilespmem:s19+$0x7D40]  }
0x307: {  	v16 =	vadd.s32 $0xE0, v16;
	v22 =	vld [tilespmem:s19+$0x7D50]  }
0x308: {  	v23 =	vld [tilespmem:s19+$0x7D60];
	v16 =	vbroadcast v16, $0x0  }
0x309: {  	v40 =	vld [tilespmem:$0x9080]  }
0x30a: {  	s18 =	sshra.s32 s20, $0x2;
	v43 =	vld [tilespmem:$0x9090]  }
0x30b: {  	v24 =	vld [tilespmem:s18+$0x7D70]  }
0x30c: {  	v10 =	vmul.f32 v10, v2;
	v5 =	vadd.f32 v14, v5;
	v25 =	vld [tilespmem:s18+$0x7D00]  }
0x30d: {  	v12 =	vmul.f32 v12, v2;
	v26 =	vld [tilespmem:s18+$0x7D10];
	v7 =	vadd.f32 v15, v7;
	v27 =	vmul.f32 v11, v2  }
0x30e: {  	v8 =	vadd.f32 v10, v8;
	v29 =	vmul.f32 v13, v3;
	v31 =	vmul.f32 v17, v3;
	v16 =	vld.idx.msk [tilespmem:v16+s2+$0x0], $0xffff  }
0x30f: {  	v28 =	vld [tilespmem:s18+$0x7D20];
	v9 =	vadd.f32 v12, v9;
	v32 =	vmul.f32 v18, v3;
	v34 =	vmul.f32 v19, v3  }
0x310: {  	v30 =	vld [tilespmem:s18+$0x7D30];
	v2 =	vadd.f32 v27, v6;
	v35 =	vmul.f32 v20, v3;
	v37 =	vmul.f32 v21, v3  }
0x311: {  	v33 =	vld [tilespmem:s18+$0x7D40];
	v39 =	vmul.f32 v22, v3;
	v1 =	vadd.f32 v29, v1;
	v0 =	vadd.f32 v31, v0  }
0x312: {  	v36 =	vld [tilespmem:s18+$0x7D50];
	v41 =	vmul.f32 v23, v3;
	v4 =	vadd.f32 v32, v4;
	v5 =	vadd.f32 v34, v5  }
0x313: {  	v38 =	vld [tilespmem:s18+$0x7D60];
	v7 =	vadd.f32 v35, v7;
	v6 =	vadd.f32 v37, v8;
	v42 =	vmul.f32 v25, v16  }
0x314: {  	v45 =	vld [tilespmem:$0x90A0];
	v9 =	vadd.f32 v39, v9;
	v2 =	vadd.f32 v41, v2;
	v44 =	vmul.f32 v26, v16  }
0x315: {  	v47 =	vld [tilespmem:$0x90B0];
	v11 =	vmul.f32 v28, v16;
	v46 =	vmul.f32 v30, v16;
	v0 =	vadd.f32 v42, v0  }
0x316: {  	v49 =	vld [tilespmem:$0x90C0];
	v48 =	vmul.f32 v33, v16;
	v50 =	vmul.f32 v24, v16;
	v4 =	vadd.f32 v44, v4  }
0x317: {  	v51 =	vld [tilespmem:$0x90D0];
	v52 =	vmul.f32 v36, v16;
	v5 =	vadd.f32 v11, v5;
	v0 =	vadd.f32 v40, v0  }
0x318: {  	v53 =	vld [tilespmem:$0x90E0];
	v13 =	vmul.f32 v38, v16;
	v3 =	vadd.f32 v46, v7;
	v4 =	vadd.f32 v43, v4  }
0x319: {  	v54 =	vld [tilespmem:$0x90F0];
	v6 =	vadd.f32 v48, v6;
	v5 =	vadd.f32 v45, v5;
	v0 =	vmax.f32 v0, $0.0e+00  }
0x31a: {  	v9 =	vadd.f32 v52, v9;
	v3 =	vadd.f32 v47, v3;
	v55 =	vmax.f32 v4, $0.0e+00;
	[tilespmem:$0x9480] =	vst v0  }
0x31b: {  	v2 =	vadd.f32 v13, v2;
	v57 =	vadd.f32 v49, v6;
	v56 =	vmax.f32 v5, $0.0e+00;
	[tilespmem:$0x9490] =	vst v55  }
0x31c: {  	v1 =	vadd.f32 v50, v1;
	v59 =	vadd.f32 v51, v9;
	v58 =	vmax.f32 v3, $0.0e+00;
	[tilespmem:$0x94A0] =	vst v56  }
0x31d: {  	v2 =	vadd.f32 v53, v2;
	v60 =	vmax.f32 v57, $0.0e+00;
	[tilespmem:$0x94B0] =	vst v58  }
0x31e: {  	v1 =	vadd.f32 v54, v1;
	v61 =	vmax.f32 v59, $0.0e+00;
	[tilespmem:$0x94C0] =	vst v60  }
0x31f: {  	s16 =	sadd.s32 $0x1, s16;
	v62 =	vmax.f32 v2, $0.0e+00;
	[tilespmem:$0x94D0] =	vst v61  }
0x320: {  	s21 =	rddreg [dreg:$0x3];
	p0 =	sne.s32 s16, $0x40;
	v63 =	vmax.f32 v1, $0.0e+00;
	[tilespmem:$0x94E0] =	vst v62  }
.Ltmp8:
0x321: {  	s17 =	sadd.s32 s21, s17;
	[tilespmem:$0x94F0] =	vst v63;
	(pc) =	sbr.rel @p0 .LBB2_2-.Ltmp8, $4  }
0x322: {  	[hbm4b:s17+s4] =	stream.linear.scatter [tilespmem:s13], [sflag:$0x3], $0x400, $0x38;
	[tilespmem:$0x9500] =	vst v63  }
0x323: {  	_ =	swait.ge [sflag:s11], $0x400  }
0x324: {  	[sflag:s11] =	ssyncset.done $0x0  }
0x325: {  	[sflag:s11] =	ssyncadd.s32 $0xFFFFFC00  }
0x326: {  	s17 =	rddreg [dreg:$0x7]  }
0x327: {  	s16 =	rddreg [dreg:$0x6];
	s17 =	sadd.s32 $0x1, s17  }
0x328: {  	p0 =	sne.s32 s17, s16  }
.Ltmp9:
0x329: {  	_ = 	snop;
	(pc) =	sbr.rel @p0 .LBB2_1-.Ltmp9, $1  }
0x32a: {  	_ =	sdelay $0x3  }
0x32b: {  	_ =	sfence.sel $0x180000  }
0x32c: {  	[bflag:$0x0] =	sbarrier.arrive $0xFFFF  }
0x32d: {  	_ =	strace $0x90000047  }
0x32e: {  	s0 =	stileid.u32;
	[bflag:$0x2] =	sbarrier.arrive $0xFFFF  }
0x32f: {  	p0 =	sne.s32 s0, $0x0;
	s0 =	rddreg [dreg:$0x4]  }
0x330: {  	s0 =	sadd.s32 @!p0 $0x100000, s0  }
0x331: {  	[sflag:s0] =	ssyncadd.tile.s32 @!p0 $0x1;
	_ =	shalt  }
.Lfunc_end2:
_tile_overlayer_lowered:
.L_overlay_start_2:
0x332: {  	(tag) =	ssettag $0x2  }
0x333: {  	s0 =	rddreg [dreg:$0x0];
	s2 =	stileid.u32  }
0x334: {  	s1 =	rddreg [dreg:$0x1];
	p0 =	sne.s32 s2, $0x0  }
0x335: {  	s3 =	rddreg [dreg:$0x2];
	[bflag:$0x3] =	sbarrier.arrive $0xFFFF;
	s2 =	simm.s32 @!p0 $0x1C03  }
0x336: {  	[timem:s3], [sflag:s2] =	dma.local @!p0 [hbm:s0], s1  }
0x337: {  	s0 =	simm.s32 @!p0 $0x3  }
0x338: {  	_ =	swait.ge @!p0 [sflag:s0], s1  }
0x339: {  	s1 =	ssub.s32 @!p0 $0x0, s1;
	[sflag:s0] =	ssyncset.done @!p0 $0x0  }
0x33a: {  	[sflag:s0] =	ssyncadd.s32 @!p0 s1  }
0x33b: {  	[bflag:$0x3] =	sbarrier.arrive $0xFFFF  }
0x33c: {  	_ =	shalt  }

</sc_bundles>
